<compile_context>
chip_gen: v7x
topology: tpu7x:2x2x1
jax: 0.10.2.dev20260603
libtpu: 0.0.44.dev20260713+nightly
codegen_flags: <defaults>
</compile_context>

<pallas_src>
import jax
import jax.numpy as jnp
from jax import lax
from jax.experimental import pallas as pl
from jax.experimental.pallas import tpu as pltpu
from jax.experimental.pallas import tpu_sc as plsc

NC = 2
NS = 16
LANES = 16
BLK = 128
RC = 64
NBUF = 5
GLOOK = 3
SLAG = 2


def _zero_2d(buf, rows, cols):
    z = jnp.zeros((LANES,), jnp.float32)

    def body(r, _):
        for k4 in range(cols // LANES):
            buf[r, pl.ds(LANES * k4, LANES)] = z
        return 0

    lax.fori_loop(0, rows, body, 0)


def _fill_1d(buf, n, val):
    v = jnp.full((LANES,), val, jnp.float32)

    def body(i, _):
        buf[pl.ds(LANES * i, LANES)] = v
        return 0

    lax.fori_loop(0, n // LANES, body, 0)


def _scale_rows(nbuf, dbuf, rows, cols):
    def body(g, _):
        dvec = dbuf[pl.ds(LANES * g, LANES)]
        nvec = 1.0 / jnp.maximum(dvec, 1.0)
        for i in range(LANES):
            n = nvec[i]
            r = LANES * g + i
            for k4 in range(cols // LANES):
                sl = pl.ds(LANES * k4, LANES)
                nbuf[r, sl] = nbuf[r, sl] * n
        return 0

    lax.fori_loop(0, rows // LANES, body, 0)


def _make_kernel(n_pad, dcol, k_blocks):
    rp = n_pad // NS
    assert rp % RC == 0
    nrc = rp // RC

    mesh = plsc.VectorSubcoreMesh(core_axis_name="c", subcore_axis_name="s")

    def body(hc_ref, srcb_ref, dstb_ref, rst_ref, bsrc_ref,
             B, degd, degs, src_v, dst_v, rowb, nbuf, dbuf, ones_v,
             gsem, ssem, dsem):
        c = lax.axis_index("c")
        s = lax.axis_index("s")
        z0 = s * rp

        def edge_pass(gat_hbm, idx_g, idx_s, with_deg):
            for t in range(GLOOK):
                pltpu.async_copy(gat_hbm.at[idx_g.at[t]], rowb.at[t], gsem)

            def blk(j, _):
                b = lax.rem(j, NBUF)
                pltpu.make_async_copy(
                    gat_hbm.at[idx_g.at[j]], rowb.at[b], gsem).wait()

                @pl.when(j >= SLAG)
                def _():
                    pltpu.make_async_copy(
                        rowb.at[b], B.at[idx_s.at[j]], ssem).wait()
                    if with_deg:
                        pltpu.make_async_copy(
                            ones_v, degd.at[idx_s.at[j]], dsem).wait()
                        pltpu.make_async_copy(
                            ones_v, degs.at[idx_g.at[j]], dsem).wait()

                @pl.when(j + GLOOK < k_blocks)
                def _():
                    pltpu.async_copy(
                        gat_hbm.at[idx_g.at[j + GLOOK]],
                        rowb.at[lax.rem(j + GLOOK, NBUF)], gsem)

                pltpu.async_copy(rowb.at[b], B.at[idx_s.at[j]], ssem,
                                 add=True)
                if with_deg:
                    pltpu.async_copy(ones_v, degd.at[idx_s.at[j]], dsem,
                                     add=True)
                    pltpu.async_copy(ones_v, degs.at[idx_g.at[j]], dsem,
                                     add=True)
                return 0

            lax.fori_loop(0, k_blocks, blk, 0)
            for t in range(SLAG):
                pltpu.make_async_copy(rowb.at[0], B.at[idx_s.at[0]],
                                      ssem).wait()
                if with_deg:
                    pltpu.make_async_copy(ones_v, degd.at[idx_s.at[0]],
                                          dsem).wait()
                    pltpu.make_async_copy(ones_v, degs.at[idx_g.at[0]],
                                          dsem).wait()

        pltpu.sync_copy(srcb_ref.at[s], src_v)
        pltpu.sync_copy(dstb_ref.at[s], dst_v)
        _zero_2d(nbuf, RC, dcol)
        _fill_1d(dbuf, RC, 0.0)
        _fill_1d(ones_v, BLK, 1.0)

        def zchunk(cr, _):
            r0 = z0 + cr * RC
            pltpu.sync_copy(nbuf, B.at[pl.ds(r0, RC)])
            pltpu.sync_copy(dbuf, degd.at[pl.ds(r0, RC)])
            pltpu.sync_copy(dbuf, degs.at[pl.ds(r0, RC)])
            return 0

        lax.fori_loop(0, nrc, zchunk, 0)

        plsc.subcore_barrier()

        edge_pass(hc_ref.at[c], src_v, dst_v, True)

        plsc.subcore_barrier()

        def nchunk(cr, _):
            r0 = z0 + cr * RC
            pltpu.sync_copy(degd.at[pl.ds(r0, RC)], dbuf)
            pltpu.sync_copy(B.at[pl.ds(r0, RC)], nbuf)
            _scale_rows(nbuf, dbuf, RC, dcol)
            pltpu.sync_copy(nbuf, rst_ref.at[c, pl.ds(r0, RC)])
            return 0

        lax.fori_loop(0, nrc, nchunk, 0)
        _zero_2d(nbuf, RC, dcol)

        def bzchunk(cr, _):
            pltpu.sync_copy(nbuf, B.at[pl.ds(z0 + cr * RC, RC)])
            return 0

        lax.fori_loop(0, nrc, bzchunk, 0)

        plsc.subcore_barrier()

        edge_pass(rst_ref.at[c], dst_v, src_v, False)

        plsc.subcore_barrier()

        def bchunk(cr, _):
            r0 = z0 + cr * RC
            pltpu.sync_copy(degs.at[pl.ds(r0, RC)], dbuf)
            pltpu.sync_copy(B.at[pl.ds(r0, RC)], nbuf)
            _scale_rows(nbuf, dbuf, RC, dcol)
            pltpu.sync_copy(nbuf, bsrc_ref.at[c, pl.ds(r0, RC)])
            return 0

        lax.fori_loop(0, nrc, bchunk, 0)

    return pl.kernel(
        body,
        out_type=[
            jax.ShapeDtypeStruct((NC, n_pad, dcol), jnp.float32),
            jax.ShapeDtypeStruct((NC, n_pad, dcol), jnp.float32),
        ],
        mesh=mesh,
        compiler_params=pltpu.CompilerParams(use_tc_tiling_on_sc=False),
        scratch_types=[
            pltpu.VMEM_SHARED((n_pad, dcol), jnp.float32),
            pltpu.VMEM_SHARED((n_pad,), jnp.float32),
            pltpu.VMEM_SHARED((n_pad,), jnp.float32),
            pltpu.VMEM((k_blocks, BLK), jnp.int32),
            pltpu.VMEM((k_blocks, BLK), jnp.int32),
            pltpu.VMEM((NBUF, BLK, dcol), jnp.float32),
            pltpu.VMEM((RC, dcol), jnp.float32),
            pltpu.VMEM((RC,), jnp.float32),
            pltpu.VMEM((BLK,), jnp.float32),
            pltpu.SemaphoreType.DMA,
            pltpu.SemaphoreType.DMA,
            pltpu.SemaphoreType.DMA,
        ],
    )


def kernel(h_src, h_dst, edge_index):
    n_src, d = h_src.shape
    n_dst = h_dst.shape[0]
    assert n_src == n_dst
    e = edge_index.shape[1]
    dcol = d // NC

    k_blocks = -(-e // (NS * BLK))
    e_pad = NS * k_blocks * BLK
    n_pad = ((n_src + NS * RC - 1) // (NS * RC)) * (NS * RC)

    src = edge_index[0].astype(jnp.int32)
    dst = edge_index[1].astype(jnp.int32)
    pad = e_pad - e
    if pad:
        trash = jnp.full((pad,), n_src, jnp.int32)
        src = jnp.concatenate([src, trash])
        dst = jnp.concatenate([dst, trash])
    srcb = src.reshape(NS, k_blocks, BLK)
    dstb = dst.reshape(NS, k_blocks, BLK)

    hc = h_src.reshape(n_src, NC, dcol).transpose(1, 0, 2)
    hc = jnp.pad(hc, ((0, 0), (0, n_pad - n_src), (0, 0)))

    rst_o, bsrc_o = _make_kernel(n_pad, dcol, k_blocks)(hc, srcb, dstb)

    rst = jnp.concatenate([rst_o[i] for i in range(NC)], axis=-1)[:n_dst]
    bsrc = jnp.concatenate([bsrc_o[i] for i in range(NC)], axis=-1)[:n_src]
    return (bsrc, rst)

# --- scband reference (transcript-rebuilt; emitter-appended) ---
"""Pipeline reference for scband-hgcnlayer-69672959476267 (READ-ONLY COPY).

The authoritative reference and input builder live on the scoring server;
editing this copy changes nothing except your own understanding.
"""

import jax, jax.numpy as jnp
import numpy as np

N_SRC = 10000
N_DST = 10000
E = 320000
D = 128
NORM_2 = -1.0


def setup_inputs(seed: int = 0) -> dict:
    key = jax.random.key(seed)
    k1, k2, k3, k4 = jax.random.split(key, 4)
    h_src = jax.random.normal(k1, (N_SRC, D), dtype=jnp.float32)
    h_dst = jax.random.normal(k2, (N_DST, D), dtype=jnp.float32)
    src_idx = jax.random.randint(k3, (E,), 0, N_SRC, dtype=jnp.int64 if jax.config.jax_enable_x64 else jnp.int32)
    dst_idx = jax.random.randint(k4, (E,), 0, N_DST, dtype=jnp.int64 if jax.config.jax_enable_x64 else jnp.int32)
    edge_index = jnp.stack([src_idx, dst_idx], axis=0)
    return {"h_src": h_src, "h_dst": h_dst, "edge_index": edge_index}


def reference(h_src, h_dst, edge_index):
    # DGL HGCNLayer on a bipartite graph: forward etype (src->dst), back etype is the
    # reverse (dst->src). h is split into h_src / h_dst per node type.
    src_idx = edge_index[0]
    dst_idx = edge_index[1]
    n_src = h_src.shape[0]
    n_dst = h_dst.shape[0]

    feat_src = h_src
    # update_all(copy_u('h','m'), sum('m','h')) along forward etype:
    # gather src features per edge, scatter-add into dst nodes
    rst = jax.ops.segment_sum(feat_src[src_idx], dst_idx, num_segments=n_dst)

    # in_degrees along forward etype, clamp(min=1), norm_dst = deg^-1
    ones_e = jnp.ones(src_idx.shape[0], dtype=jnp.float32)
    in_deg = jax.ops.segment_sum(ones_e, dst_idx, num_segments=n_dst)
    in_deg = jnp.clip(in_deg, 1.0, None)
    norm_dst = jnp.power(in_deg, -1.0)
    rst = rst * norm_dst[:, None]  # w_edge is None

    # back pass along reversed edges (dst->src): gather rst at dst side of each
    # edge, scatter-add into src nodes
    bsrc = jax.ops.segment_sum(rst[dst_idx], src_idx, num_segments=n_src)

    in_deg_b = jax.ops.segment_sum(ones_e, src_idx, num_segments=n_src)
    in_deg_b = jnp.clip(in_deg_b, 1.0, None)
    norm_src = jnp.power(in_deg_b, NORM_2)
    bsrc = bsrc * norm_src[:, None]
    return (bsrc, rst)

if __name__ == "__main__":
    import jax
    _d = setup_inputs()
    print(jax.jit(kernel)(*tuple(_d.values())))

</pallas_src>

<mosaic_0001>
#map = affine_map<(d0, d1) -> (0, 0, 0)>
module attributes {stable_mosaic.version = 14 : i64} {
  func.func @body(%arg0: i32, %arg1: i32, %arg2: memref<2x10240x64xf32, #tpu.memory_space<hbm>>, %arg3: memref<16x157x128xi32, #tpu.memory_space<hbm>>, %arg4: memref<16x157x128xi32, #tpu.memory_space<hbm>>, %arg5: memref<2x10240x64xf32, #tpu.memory_space<hbm>>, %arg6: memref<2x10240x64xf32, #tpu.memory_space<hbm>>, %arg7: memref<10240x64xf32, #tpu.memory_space<vmem_shared>>, %arg8: memref<10240xf32, #tpu.memory_space<vmem_shared>>, %arg9: memref<10240xf32, #tpu.memory_space<vmem_shared>>, %arg10: memref<157x128xi32, #tpu.memory_space<vmem>>, %arg11: memref<157x128xi32, #tpu.memory_space<vmem>>, %arg12: memref<5x128x64xf32, #tpu.memory_space<vmem>>, %arg13: memref<64x64xf32, #tpu.memory_space<vmem>>, %arg14: memref<64xf32, #tpu.memory_space<vmem>>, %arg15: memref<128xf32, #tpu.memory_space<vmem>>, %arg16: memref<!tpu.dma_semaphore, #tpu.memory_space<semaphore_mem>>, %arg17: memref<!tpu.dma_semaphore, #tpu.memory_space<semaphore_mem>>, %arg18: memref<!tpu.dma_semaphore, #tpu.memory_space<semaphore_mem>>) attributes {dimension_semantics = [#tpu.dimension_semantics<core_parallel>, #tpu.dimension_semantics<subcore_parallel>], iteration_bounds = array<i64: 2, 16>, scalar_prefetch = 0 : i64, scratch_operands = 12 : i64, tpu.core_type = #tpu.core_type<sc_vector_subcore>, window_params = [{transform_indices = #map}, {transform_indices = #map}, {transform_indices = #map}, {transform_indices = #map}, {transform_indices = #map}]} {
    %mul3A = arith.constant 640 : i32
    %mul3A_0 = arith.muli %arg1, %mul3A : i32
    "tpu.region"() ({
      %run_scoped3A = tpu.sem_alloc : memref<!tpu.dma_semaphore, #tpu.memory_space<semaphore_mem>>
      %dma_start3A_246 = arith.constant 0 : i32
      %dma_start3A_247 = arith.constant 0 : i32
      %dma_start3A_248 = tpu.memref_slice %arg3[%arg1, %dma_start3A_246, %dma_start3A_247] : memref<16x157x128xi32, #tpu.memory_space<hbm>> -> memref<1x157x128xi32, #tpu.memory_space<hbm>>
      %dma_start3A_249 = tpu.memref_squeeze %dma_start3A_248 : memref<1x157x128xi32, #tpu.memory_space<hbm>> -> memref<157x128xi32, #tpu.memory_space<hbm>>
      %dma_start3A_250 = arith.constant 0 : i32
      %dma_start3A_251 = arith.constant 0 : i32
      %dma_start3A_252 = tpu.memref_slice %arg3[%arg1, %dma_start3A_250, %dma_start3A_251] : memref<16x157x128xi32, #tpu.memory_space<hbm>> -> memref<1x157x128xi32, #tpu.memory_space<hbm>>
      %dma_start3A_253 = tpu.memref_squeeze %dma_start3A_252 : memref<1x157x128xi32, #tpu.memory_space<hbm>> -> memref<157x128xi32, #tpu.memory_space<hbm>>
      tpu.enqueue_dma source(%dma_start3A_253 : memref<157x128xi32, #tpu.memory_space<hbm>>) target(%arg10 : memref<157x128xi32, #tpu.memory_space<vmem>>) target_semaphore(%run_scoped3A : memref<!tpu.dma_semaphore, #tpu.memory_space<semaphore_mem>>)
      %dma_wait3A_254 = arith.constant 0 : i32
      %dma_wait3A_255 = arith.constant 0 : i32
      %dma_wait3A_256 = tpu.memref_slice %arg3[%arg1, %dma_wait3A_254, %dma_wait3A_255] : memref<16x157x128xi32, #tpu.memory_space<hbm>> -> memref<1x157x128xi32, #tpu.memory_space<hbm>>
      %dma_wait3A_257 = tpu.memref_squeeze %dma_wait3A_256 : memref<1x157x128xi32, #tpu.memory_space<hbm>> -> memref<157x128xi32, #tpu.memory_space<hbm>>
      %dma_wait3A_258 = arith.constant 0 : i32
      %dma_wait3A_259 = arith.constant 0 : i32
      %dma_wait3A_260 = tpu.memref_slice %arg3[%arg1, %dma_wait3A_258, %dma_wait3A_259] : memref<16x157x128xi32, #tpu.memory_space<hbm>> -> memref<1x157x128xi32, #tpu.memory_space<hbm>>
      %dma_wait3A_261 = tpu.memref_squeeze %dma_wait3A_260 : memref<1x157x128xi32, #tpu.memory_space<hbm>> -> memref<157x128xi32, #tpu.memory_space<hbm>>
      tpu.wait_dma2 semaphore(%run_scoped3A : memref<!tpu.dma_semaphore, #tpu.memory_space<semaphore_mem>>) src(%dma_wait3A_261 : memref<157x128xi32, #tpu.memory_space<hbm>>) dst(%arg10 : memref<157x128xi32, #tpu.memory_space<vmem>>)
      tpu.yield
    }) : () -> ()
    "tpu.region"() ({
      %run_scoped3A = tpu.sem_alloc : memref<!tpu.dma_semaphore, #tpu.memory_space<semaphore_mem>>
      %dma_start3A_246 = arith.constant 0 : i32
      %dma_start3A_247 = arith.constant 0 : i32
      %dma_start3A_248 = tpu.memref_slice %arg4[%arg1, %dma_start3A_246, %dma_start3A_247] : memref<16x157x128xi32, #tpu.memory_space<hbm>> -> memref<1x157x128xi32, #tpu.memory_space<hbm>>
      %dma_start3A_249 = tpu.memref_squeeze %dma_start3A_248 : memref<1x157x128xi32, #tpu.memory_space<hbm>> -> memref<157x128xi32, #tpu.memory_space<hbm>>
      %dma_start3A_250 = arith.constant 0 : i32
      %dma_start3A_251 = arith.constant 0 : i32
      %dma_start3A_252 = tpu.memref_slice %arg4[%arg1, %dma_start3A_250, %dma_start3A_251] : memref<16x157x128xi32, #tpu.memory_space<hbm>> -> memref<1x157x128xi32, #tpu.memory_space<hbm>>
      %dma_start3A_253 = tpu.memref_squeeze %dma_start3A_252 : memref<1x157x128xi32, #tpu.memory_space<hbm>> -> memref<157x128xi32, #tpu.memory_space<hbm>>
      tpu.enqueue_dma source(%dma_start3A_253 : memref<157x128xi32, #tpu.memory_space<hbm>>) target(%arg11 : memref<157x128xi32, #tpu.memory_space<vmem>>) target_semaphore(%run_scoped3A : memref<!tpu.dma_semaphore, #tpu.memory_space<semaphore_mem>>)
      %dma_wait3A_254 = arith.constant 0 : i32
      %dma_wait3A_255 = arith.constant 0 : i32
      %dma_wait3A_256 = tpu.memref_slice %arg4[%arg1, %dma_wait3A_254, %dma_wait3A_255] : memref<16x157x128xi32, #tpu.memory_space<hbm>> -> memref<1x157x128xi32, #tpu.memory_space<hbm>>
      %dma_wait3A_257 = tpu.memref_squeeze %dma_wait3A_256 : memref<1x157x128xi32, #tpu.memory_space<hbm>> -> memref<157x128xi32, #tpu.memory_space<hbm>>
      %dma_wait3A_258 = arith.constant 0 : i32
      %dma_wait3A_259 = arith.constant 0 : i32
      %dma_wait3A_260 = tpu.memref_slice %arg4[%arg1, %dma_wait3A_258, %dma_wait3A_259] : memref<16x157x128xi32, #tpu.memory_space<hbm>> -> memref<1x157x128xi32, #tpu.memory_space<hbm>>
      %dma_wait3A_261 = tpu.memref_squeeze %dma_wait3A_260 : memref<1x157x128xi32, #tpu.memory_space<hbm>> -> memref<157x128xi32, #tpu.memory_space<hbm>>
      tpu.wait_dma2 semaphore(%run_scoped3A : memref<!tpu.dma_semaphore, #tpu.memory_space<semaphore_mem>>) src(%dma_wait3A_261 : memref<157x128xi32, #tpu.memory_space<hbm>>) dst(%arg11 : memref<157x128xi32, #tpu.memory_space<vmem>>)
      tpu.yield
    }) : () -> ()
    %broadcast_in_dim3A = arith.constant 0.000000e+00 : f32
    %broadcast_in_dim3A_1 = vector.broadcast %broadcast_in_dim3A : f32 to vector<16xf32>
    %scan3A = arith.constant 0 : i32
    %scan3A_2 = arith.constant 0 : i32
    %scan3A_3 = arith.constant 64 : i32
    %scan3A_4 = arith.addi %scan3A_2, %scan3A_3 : i32
    %scan3A_5 = arith.constant 1 : i32
    %scan3A_6 = scf.for %scan3A_246 = %scan3A_2 to %scan3A_4 step %scan3A_5 iter_args(%scan3A_247 = %scan3A) -> (i32)  : i32 {
      %swap3A = arith.index_cast %scan3A_246 : i32 to index
      %swap3A_248 = arith.constant 0 : index
      %swap3A_249 = tpu.vector_load %arg13[%swap3A, %swap3A_248] {strides = array<i32>} : memref<64x64xf32, #tpu.memory_space<vmem>>, vector<1x16xf32>,
      %swap3A_250 = vector.shape_cast %swap3A_249 : vector<1x16xf32> to vector<16xf32>
      %swap3A_251 = vector.shape_cast %broadcast_in_dim3A_1 : vector<16xf32> to vector<1x16xf32>
      tpu.vector_store %arg13[%swap3A, %swap3A_248], %swap3A_251 {strides = array<i32>} : memref<64x64xf32, #tpu.memory_space<vmem>>, vector<1x16xf32>,
      %swap3A_252 = arith.index_cast %scan3A_246 : i32 to index
      %swap3A_253 = arith.constant 16 : index
      %swap3A_254 = tpu.vector_load %arg13[%swap3A_252, %swap3A_253] {strides = array<i32>} : memref<64x64xf32, #tpu.memory_space<vmem>>, vector<1x16xf32>,
      %swap3A_255 = vector.shape_cast %swap3A_254 : vector<1x16xf32> to vector<16xf32>
      %swap3A_256 = vector.shape_cast %broadcast_in_dim3A_1 : vector<16xf32> to vector<1x16xf32>
      tpu.vector_store %arg13[%swap3A_252, %swap3A_253], %swap3A_256 {strides = array<i32>} : memref<64x64xf32, #tpu.memory_space<vmem>>, vector<1x16xf32>,
      %swap3A_257 = arith.index_cast %scan3A_246 : i32 to index
      %swap3A_258 = arith.constant 32 : index
      %swap3A_259 = tpu.vector_load %arg13[%swap3A_257, %swap3A_258] {strides = array<i32>} : memref<64x64xf32, #tpu.memory_space<vmem>>, vector<1x16xf32>,
      %swap3A_260 = vector.shape_cast %swap3A_259 : vector<1x16xf32> to vector<16xf32>
      %swap3A_261 = vector.shape_cast %broadcast_in_dim3A_1 : vector<16xf32> to vector<1x16xf32>
      tpu.vector_store %arg13[%swap3A_257, %swap3A_258], %swap3A_261 {strides = array<i32>} : memref<64x64xf32, #tpu.memory_space<vmem>>, vector<1x16xf32>,
      %swap3A_262 = arith.index_cast %scan3A_246 : i32 to index
      %swap3A_263 = arith.constant 48 : index
      %swap3A_264 = tpu.vector_load %arg13[%swap3A_262, %swap3A_263] {strides = array<i32>} : memref<64x64xf32, #tpu.memory_space<vmem>>, vector<1x16xf32>,
      %swap3A_265 = vector.shape_cast %swap3A_264 : vector<1x16xf32> to vector<16xf32>
      %swap3A_266 = vector.shape_cast %broadcast_in_dim3A_1 : vector<16xf32> to vector<1x16xf32>
      tpu.vector_store %arg13[%swap3A_262, %swap3A_263], %swap3A_266 {strides = array<i32>} : memref<64x64xf32, #tpu.memory_space<vmem>>, vector<1x16xf32>,
      %scan3A_267 = arith.constant 0 : i32
      scf.yield %scan3A_267 : i32
    }
    %scan3A_7 = arith.constant 64 : i32
    %broadcast_in_dim3A_8 = arith.constant 0.000000e+00 : f32
    %broadcast_in_dim3A_9 = vector.broadcast %broadcast_in_dim3A_8 : f32 to vector<16xf32>
    %scan3A_10 = arith.constant 0 : i32
    %scan3A_11 = arith.constant 0 : i32
    %scan3A_12 = arith.constant 4 : i32
    %scan3A_13 = arith.addi %scan3A_11, %scan3A_12 : i32
    %scan3A_14 = arith.constant 1 : i32
    %scan3A_15 = scf.for %scan3A_246 = %scan3A_11 to %scan3A_13 step %scan3A_14 iter_args(%scan3A_247 = %scan3A_10) -> (i32)  : i32 {
      %mul3A_248 = arith.constant 16 : i32
      %mul3A_249 = arith.muli %mul3A_248, %scan3A_246 : i32
      %swap3A = arith.index_cast %mul3A_249 : i32 to index
      %swap3A_250 = tpu.vector_load %arg14[%swap3A] {strides = array<i32>} : memref<64xf32, #tpu.memory_space<vmem>>, vector<16xf32>,
      %swap3A_251 = vector.shape_cast %swap3A_250 : vector<16xf32> to vector<16xf32>
      %swap3A_252 = vector.shape_cast %broadcast_in_dim3A_9 : vector<16xf32> to vector<16xf32>
      tpu.vector_store %arg14[%swap3A], %swap3A_252 {strides = array<i32>} : memref<64xf32, #tpu.memory_space<vmem>>, vector<16xf32>,
      %scan3A_253 = arith.constant 0 : i32
      scf.yield %scan3A_253 : i32
    }
    %scan3A_16 = arith.constant 4 : i32
    %broadcast_in_dim3A_17 = arith.constant 1.000000e+00 : f32
    %broadcast_in_dim3A_18 = vector.broadcast %broadcast_in_dim3A_17 : f32 to vector<16xf32>
    %scan3A_19 = arith.constant 0 : i32
    %scan3A_20 = arith.constant 0 : i32
    %scan3A_21 = arith.constant 8 : i32
    %scan3A_22 = arith.addi %scan3A_20, %scan3A_21 : i32
    %scan3A_23 = arith.constant 1 : i32
    %scan3A_24 = scf.for %scan3A_246 = %scan3A_20 to %scan3A_22 step %scan3A_23 iter_args(%scan3A_247 = %scan3A_19) -> (i32)  : i32 {
      %mul3A_248 = arith.constant 16 : i32
      %mul3A_249 = arith.muli %mul3A_248, %scan3A_246 : i32
      %swap3A = arith.index_cast %mul3A_249 : i32 to index
      %swap3A_250 = tpu.vector_load %arg15[%swap3A] {strides = array<i32>} : memref<128xf32, #tpu.memory_space<vmem>>, vector<16xf32>,
      %swap3A_251 = vector.shape_cast %swap3A_250 : vector<16xf32> to vector<16xf32>
      %swap3A_252 = vector.shape_cast %broadcast_in_dim3A_18 : vector<16xf32> to vector<16xf32>
      tpu.vector_store %arg15[%swap3A], %swap3A_252 {strides = array<i32>} : memref<128xf32, #tpu.memory_space<vmem>>, vector<16xf32>,
      %scan3A_253 = arith.constant 0 : i32
      scf.yield %scan3A_253 : i32
    }
    %scan3A_25 = arith.constant 8 : i32
    %scan3A_26 = arith.constant 0 : i32
    %scan3A_27 = arith.constant 0 : i32
    %scan3A_28 = arith.constant 10 : i32
    %scan3A_29 = arith.addi %scan3A_27, %scan3A_28 : i32
    %scan3A_30 = arith.constant 1 : i32
    %scan3A_31 = scf.for %scan3A_246 = %scan3A_27 to %scan3A_29 step %scan3A_30 iter_args(%scan3A_247 = %scan3A_26) -> (i32)  : i32 {
      %mul3A_248 = arith.constant 64 : i32
      %mul3A_249 = arith.muli %scan3A_246, %mul3A_248 : i32
      %add3A = arith.addi %mul3A_0, %mul3A_249 : i32
      "tpu.region"() ({
        %run_scoped3A = tpu.sem_alloc : memref<!tpu.dma_semaphore, #tpu.memory_space<semaphore_mem>>
        %dma_start3A_251 = arith.constant 0 : i32
        %dma_start3A_252 = tpu.memref_slice %arg7[%add3A, %dma_start3A_251] : memref<10240x64xf32, #tpu.memory_space<vmem_shared>> -> memref<64x64xf32, #tpu.memory_space<vmem_shared>>
        %dma_start3A_253 = arith.constant 0 : i32
        %dma_start3A_254 = tpu.memref_slice %arg7[%add3A, %dma_start3A_253] : memref<10240x64xf32, #tpu.memory_space<vmem_shared>> -> memref<64x64xf32, #tpu.memory_space<vmem_shared>>
        tpu.enqueue_dma source(%arg13 : memref<64x64xf32, #tpu.memory_space<vmem>>) target(%dma_start3A_254 : memref<64x64xf32, #tpu.memory_space<vmem_shared>>) target_semaphore(%run_scoped3A : memref<!tpu.dma_semaphore, #tpu.memory_space<semaphore_mem>>)
        %dma_wait3A_255 = arith.constant 0 : i32
        %dma_wait3A_256 = tpu.memref_slice %arg7[%add3A, %dma_wait3A_255] : memref<10240x64xf32, #tpu.memory_space<vmem_shared>> -> memref<64x64xf32, #tpu.memory_space<vmem_shared>>
        %dma_wait3A_257 = arith.constant 0 : i32
        %dma_wait3A_258 = tpu.memref_slice %arg7[%add3A, %dma_wait3A_257] : memref<10240x64xf32, #tpu.memory_space<vmem_shared>> -> memref<64x64xf32, #tpu.memory_space<vmem_shared>>
        tpu.wait_dma2 semaphore(%run_scoped3A : memref<!tpu.dma_semaphore, #tpu.memory_space<semaphore_mem>>) src(%arg13 : memref<64x64xf32, #tpu.memory_space<vmem>>) dst(%dma_wait3A_258 : memref<64x64xf32, #tpu.memory_space<vmem_shared>>)
        tpu.yield
      }) : () -> ()
      "tpu.region"() ({
        %run_scoped3A = tpu.sem_alloc : memref<!tpu.dma_semaphore, #tpu.memory_space<semaphore_mem>>
        %dma_start3A_251 = tpu.memref_slice %arg8[%add3A] : memref<10240xf32, #tpu.memory_space<vmem_shared>> -> memref<64xf32, #tpu.memory_space<vmem_shared>>
        %dma_start3A_252 = tpu.memref_slice %arg8[%add3A] : memref<10240xf32, #tpu.memory_space<vmem_shared>> -> memref<64xf32, #tpu.memory_space<vmem_shared>>
        tpu.enqueue_dma source(%arg14 : memref<64xf32, #tpu.memory_space<vmem>>) target(%dma_start3A_252 : memref<64xf32, #tpu.memory_space<vmem_shared>>) target_semaphore(%run_scoped3A : memref<!tpu.dma_semaphore, #tpu.memory_space<semaphore_mem>>)
        %dma_wait3A_253 = tpu.memref_slice %arg8[%add3A] : memref<10240xf32, #tpu.memory_space<vmem_shared>> -> memref<64xf32, #tpu.memory_space<vmem_shared>>
        %dma_wait3A_254 = tpu.memref_slice %arg8[%add3A] : memref<10240xf32, #tpu.memory_space<vmem_shared>> -> memref<64xf32, #tpu.memory_space<vmem_shared>>
        tpu.wait_dma2 semaphore(%run_scoped3A : memref<!tpu.dma_semaphore, #tpu.memory_space<semaphore_mem>>) src(%arg14 : memref<64xf32, #tpu.memory_space<vmem>>) dst(%dma_wait3A_254 : memref<64xf32, #tpu.memory_space<vmem_shared>>)
        tpu.yield
      }) : () -> ()
      "tpu.region"() ({
        %run_scoped3A = tpu.sem_alloc : memref<!tpu.dma_semaphore, #tpu.memory_space<semaphore_mem>>
        %dma_start3A_251 = tpu.memref_slice %arg9[%add3A] : memref<10240xf32, #tpu.memory_space<vmem_shared>> -> memref<64xf32, #tpu.memory_space<vmem_shared>>
        %dma_start3A_252 = tpu.memref_slice %arg9[%add3A] : memref<10240xf32, #tpu.memory_space<vmem_shared>> -> memref<64xf32, #tpu.memory_space<vmem_shared>>
        tpu.enqueue_dma source(%arg14 : memref<64xf32, #tpu.memory_space<vmem>>) target(%dma_start3A_252 : memref<64xf32, #tpu.memory_space<vmem_shared>>) target_semaphore(%run_scoped3A : memref<!tpu.dma_semaphore, #tpu.memory_space<semaphore_mem>>)
        %dma_wait3A_253 = tpu.memref_slice %arg9[%add3A] : memref<10240xf32, #tpu.memory_space<vmem_shared>> -> memref<64xf32, #tpu.memory_space<vmem_shared>>
        %dma_wait3A_254 = tpu.memref_slice %arg9[%add3A] : memref<10240xf32, #tpu.memory_space<vmem_shared>> -> memref<64xf32, #tpu.memory_space<vmem_shared>>
        tpu.wait_dma2 semaphore(%run_scoped3A : memref<!tpu.dma_semaphore, #tpu.memory_space<semaphore_mem>>) src(%arg14 : memref<64xf32, #tpu.memory_space<vmem>>) dst(%dma_wait3A_254 : memref<64xf32, #tpu.memory_space<vmem_shared>>)
        tpu.yield
      }) : () -> ()
      %scan3A_250 = arith.constant 0 : i32
      scf.yield %scan3A_250 : i32
    }
    %scan3A_32 = arith.constant 10 : i32
    %barrier3A = arith.constant 0 : index
    tpu.barrier barrier_id(%barrier3A)
    %dma_start3A = arith.constant 0 : i32
    %dma_start3A_33 = arith.constant 0 : i32
    %dma_start3A_34 = arith.constant 0 : i32
    %dma_start3A_35 = arith.constant 0 : i32
    %dma_start3A_36 = tpu.memref_slice %arg12[%dma_start3A_33, %dma_start3A_34, %dma_start3A_35] : memref<5x128x64xf32, #tpu.memory_space<vmem>> -> memref<1x128x64xf32, #tpu.memory_space<vmem>>
    %dma_start3A_37 = tpu.memref_squeeze %dma_start3A_36 : memref<1x128x64xf32, #tpu.memory_space<vmem>> -> memref<128x64xf32, #tpu.memory_space<vmem>>
    %dma_start3A_38 = arith.constant 0 : i32
    %dma_start3A_39 = tpu.memref_slice %arg10[%dma_start3A, %dma_start3A_38] : memref<157x128xi32, #tpu.memory_space<vmem>> -> memref<1x128xi32, #tpu.memory_space<vmem>>
    %dma_start3A_40 = tpu.memref_squeeze %dma_start3A_39 : memref<1x128xi32, #tpu.memory_space<vmem>> -> memref<128xi32, #tpu.memory_space<vmem>>
    %dma_start3A_41 = arith.constant 0 : i32
    %dma_start3A_42 = arith.constant 0 : i32
    %dma_start3A_43 = tpu.memref_slice %arg2[%arg0, %dma_start3A_41, %dma_start3A_42] : memref<2x10240x64xf32, #tpu.memory_space<hbm>> -> memref<1x10240x64xf32, #tpu.memory_space<hbm>>
    %dma_start3A_44 = tpu.memref_squeeze %dma_start3A_43 : memref<1x10240x64xf32, #tpu.memory_space<hbm>> -> memref<10240x64xf32, #tpu.memory_space<hbm>>
    %dma_start3A_45 = arith.constant 0 : i32
    %dma_start3A_46 = arith.constant 0 : i32
    %dma_start3A_47 = tpu.memref_slice %dma_start3A_44[%dma_start3A_45, %dma_start3A_46] : memref<10240x64xf32, #tpu.memory_space<hbm>> -> memref<10240x64xf32, #tpu.memory_space<hbm>>
    tpu.enqueue_indirect_dma source(%dma_start3A_47 : memref<10240x64xf32, #tpu.memory_space<hbm>>) target(%dma_start3A_37 : memref<128x64xf32, #tpu.memory_space<vmem>>) offsets(%dma_start3A_40 : memref<128xi32, #tpu.memory_space<vmem>>) semaphore(%arg16 : memref<!tpu.dma_semaphore, #tpu.memory_space<semaphore_mem>>)
    %dma_start3A_48 = arith.constant 1 : i32
    %dma_start3A_49 = arith.constant 1 : i32
    %dma_start3A_50 = arith.constant 0 : i32
    %dma_start3A_51 = arith.constant 0 : i32
    %dma_start3A_52 = tpu.memref_slice %arg12[%dma_start3A_49, %dma_start3A_50, %dma_start3A_51] : memref<5x128x64xf32, #tpu.memory_space<vmem>> -> memref<1x128x64xf32, #tpu.memory_space<vmem>>
    %dma_start3A_53 = tpu.memref_squeeze %dma_start3A_52 : memref<1x128x64xf32, #tpu.memory_space<vmem>> -> memref<128x64xf32, #tpu.memory_space<vmem>>
    %dma_start3A_54 = arith.constant 0 : i32
    %dma_start3A_55 = tpu.memref_slice %arg10[%dma_start3A_48, %dma_start3A_54] : memref<157x128xi32, #tpu.memory_space<vmem>> -> memref<1x128xi32, #tpu.memory_space<vmem>>
    %dma_start3A_56 = tpu.memref_squeeze %dma_start3A_55 : memref<1x128xi32, #tpu.memory_space<vmem>> -> memref<128xi32, #tpu.memory_space<vmem>>
    %dma_start3A_57 = arith.constant 0 : i32
    %dma_start3A_58 = arith.constant 0 : i32
    %dma_start3A_59 = tpu.memref_slice %arg2[%arg0, %dma_start3A_57, %dma_start3A_58] : memref<2x10240x64xf32, #tpu.memory_space<hbm>> -> memref<1x10240x64xf32, #tpu.memory_space<hbm>>
    %dma_start3A_60 = tpu.memref_squeeze %dma_start3A_59 : memref<1x10240x64xf32, #tpu.memory_space<hbm>> -> memref<10240x64xf32, #tpu.memory_space<hbm>>
    %dma_start3A_61 = arith.constant 0 : i32
    %dma_start3A_62 = arith.constant 0 : i32
    %dma_start3A_63 = tpu.memref_slice %dma_start3A_60[%dma_start3A_61, %dma_start3A_62] : memref<10240x64xf32, #tpu.memory_space<hbm>> -> memref<10240x64xf32, #tpu.memory_space<hbm>>
    tpu.enqueue_indirect_dma source(%dma_start3A_63 : memref<10240x64xf32, #tpu.memory_space<hbm>>) target(%dma_start3A_53 : memref<128x64xf32, #tpu.memory_space<vmem>>) offsets(%dma_start3A_56 : memref<128xi32, #tpu.memory_space<vmem>>) semaphore(%arg16 : memref<!tpu.dma_semaphore, #tpu.memory_space<semaphore_mem>>)
    %dma_start3A_64 = arith.constant 2 : i32
    %dma_start3A_65 = arith.constant 2 : i32
    %dma_start3A_66 = arith.constant 0 : i32
    %dma_start3A_67 = arith.constant 0 : i32
    %dma_start3A_68 = tpu.memref_slice %arg12[%dma_start3A_65, %dma_start3A_66, %dma_start3A_67] : memref<5x128x64xf32, #tpu.memory_space<vmem>> -> memref<1x128x64xf32, #tpu.memory_space<vmem>>
    %dma_start3A_69 = tpu.memref_squeeze %dma_start3A_68 : memref<1x128x64xf32, #tpu.memory_space<vmem>> -> memref<128x64xf32, #tpu.memory_space<vmem>>
    %dma_start3A_70 = arith.constant 0 : i32
    %dma_start3A_71 = tpu.memref_slice %arg10[%dma_start3A_64, %dma_start3A_70] : memref<157x128xi32, #tpu.memory_space<vmem>> -> memref<1x128xi32, #tpu.memory_space<vmem>>
    %dma_start3A_72 = tpu.memref_squeeze %dma_start3A_71 : memref<1x128xi32, #tpu.memory_space<vmem>> -> memref<128xi32, #tpu.memory_space<vmem>>
    %dma_start3A_73 = arith.constant 0 : i32
    %dma_start3A_74 = arith.constant 0 : i32
    %dma_start3A_75 = tpu.memref_slice %arg2[%arg0, %dma_start3A_73, %dma_start3A_74] : memref<2x10240x64xf32, #tpu.memory_space<hbm>> -> memref<1x10240x64xf32, #tpu.memory_space<hbm>>
    %dma_start3A_76 = tpu.memref_squeeze %dma_start3A_75 : memref<1x10240x64xf32, #tpu.memory_space<hbm>> -> memref<10240x64xf32, #tpu.memory_space<hbm>>
    %dma_start3A_77 = arith.constant 0 : i32
    %dma_start3A_78 = arith.constant 0 : i32
    %dma_start3A_79 = tpu.memref_slice %dma_start3A_76[%dma_start3A_77, %dma_start3A_78] : memref<10240x64xf32, #tpu.memory_space<hbm>> -> memref<10240x64xf32, #tpu.memory_space<hbm>>
    tpu.enqueue_indirect_dma source(%dma_start3A_79 : memref<10240x64xf32, #tpu.memory_space<hbm>>) target(%dma_start3A_69 : memref<128x64xf32, #tpu.memory_space<vmem>>) offsets(%dma_start3A_72 : memref<128xi32, #tpu.memory_space<vmem>>) semaphore(%arg16 : memref<!tpu.dma_semaphore, #tpu.memory_space<semaphore_mem>>)
    %scan3A_80 = arith.constant 0 : i32
    %scan3A_81 = arith.constant 0 : i32
    %scan3A_82 = arith.constant 157 : i32
    %scan3A_83 = arith.addi %scan3A_81, %scan3A_82 : i32
    %scan3A_84 = arith.constant 1 : i32
    %scan3A_85 = scf.for %scan3A_246 = %scan3A_81 to %scan3A_83 step %scan3A_84 iter_args(%scan3A_247 = %scan3A_80) -> (i32)  : i32 {
      %rem3A = arith.constant 5 : i32
      %rem3A_248 = arith.remsi %scan3A_246, %rem3A : i32
      %dma_wait3A_249 = arith.constant 0 : i32
      %dma_wait3A_250 = arith.constant 0 : i32
      %dma_wait3A_251 = tpu.memref_slice %arg12[%rem3A_248, %dma_wait3A_249, %dma_wait3A_250] : memref<5x128x64xf32, #tpu.memory_space<vmem>> -> memref<1x128x64xf32, #tpu.memory_space<vmem>>
      %dma_wait3A_252 = tpu.memref_squeeze %dma_wait3A_251 : memref<1x128x64xf32, #tpu.memory_space<vmem>> -> memref<128x64xf32, #tpu.memory_space<vmem>>
      %dma_wait3A_253 = arith.constant 0 : i32
      %dma_wait3A_254 = tpu.memref_slice %arg10[%scan3A_246, %dma_wait3A_253] : memref<157x128xi32, #tpu.memory_space<vmem>> -> memref<1x128xi32, #tpu.memory_space<vmem>>
      %dma_wait3A_255 = tpu.memref_squeeze %dma_wait3A_254 : memref<1x128xi32, #tpu.memory_space<vmem>> -> memref<128xi32, #tpu.memory_space<vmem>>
      %dma_wait3A_256 = arith.constant 0 : i32
      %dma_wait3A_257 = arith.constant 0 : i32
      %dma_wait3A_258 = tpu.memref_slice %arg2[%arg0, %dma_wait3A_256, %dma_wait3A_257] : memref<2x10240x64xf32, #tpu.memory_space<hbm>> -> memref<1x10240x64xf32, #tpu.memory_space<hbm>>
      %dma_wait3A_259 = tpu.memref_squeeze %dma_wait3A_258 : memref<1x10240x64xf32, #tpu.memory_space<hbm>> -> memref<10240x64xf32, #tpu.memory_space<hbm>>
      %dma_wait3A_260 = arith.constant 0 : i32
      %dma_wait3A_261 = arith.constant 0 : i32
      %dma_wait3A_262 = tpu.memref_slice %dma_wait3A_259[%dma_wait3A_260, %dma_wait3A_261] : memref<10240x64xf32, #tpu.memory_space<hbm>> -> memref<10240x64xf32, #tpu.memory_space<hbm>>
      tpu.wait_indirect_dma semaphore(%arg16 : memref<!tpu.dma_semaphore, #tpu.memory_space<semaphore_mem>>) src(%dma_wait3A_262 : memref<10240x64xf32, #tpu.memory_space<hbm>>) dst(%dma_wait3A_252 : memref<128x64xf32, #tpu.memory_space<vmem>>)
      %ge3A = arith.constant 2 : i32
      %ge3A_263 = arith.cmpi sge, %scan3A_246, %ge3A : i32
      %convert_element_type3A = arith.extui %ge3A_263 : i1 to i32
      %cond3A = arith.constant 0 : i32
      %cond3A_264 = arith.cmpi ne, %convert_element_type3A, %cond3A : i32
      scf.if %cond3A_264 {
        %dma_wait3A_291 = arith.constant 0 : i32
        %dma_wait3A_292 = arith.constant 0 : i32
        %dma_wait3A_293 = tpu.memref_slice %arg12[%rem3A_248, %dma_wait3A_291, %dma_wait3A_292] : memref<5x128x64xf32, #tpu.memory_space<vmem>> -> memref<1x128x64xf32, #tpu.memory_space<vmem>>
        %dma_wait3A_294 = tpu.memref_squeeze %dma_wait3A_293 : memref<1x128x64xf32, #tpu.memory_space<vmem>> -> memref<128x64xf32, #tpu.memory_space<vmem>>
        %dma_wait3A_295 = arith.constant 0 : i32
        %dma_wait3A_296 = tpu.memref_slice %arg11[%scan3A_246, %dma_wait3A_295] : memref<157x128xi32, #tpu.memory_space<vmem>> -> memref<1x128xi32, #tpu.memory_space<vmem>>
        %dma_wait3A_297 = tpu.memref_squeeze %dma_wait3A_296 : memref<1x128xi32, #tpu.memory_space<vmem>> -> memref<128xi32, #tpu.memory_space<vmem>>
        %dma_wait3A_298 = arith.constant 0 : i32
        %dma_wait3A_299 = arith.constant 0 : i32
        %dma_wait3A_300 = tpu.memref_slice %arg7[%dma_wait3A_298, %dma_wait3A_299] : memref<10240x64xf32, #tpu.memory_space<vmem_shared>> -> memref<10240x64xf32, #tpu.memory_space<vmem_shared>>
        tpu.wait_indirect_dma semaphore(%arg17 : memref<!tpu.dma_semaphore, #tpu.memory_space<semaphore_mem>>) src(%dma_wait3A_294 : memref<128x64xf32, #tpu.memory_space<vmem>>) dst(%dma_wait3A_300 : memref<10240x64xf32, #tpu.memory_space<vmem_shared>>)
        %dma_wait3A_301 = arith.constant 0 : i32
        %dma_wait3A_302 = tpu.memref_slice %arg11[%scan3A_246, %dma_wait3A_301] : memref<157x128xi32, #tpu.memory_space<vmem>> -> memref<1x128xi32, #tpu.memory_space<vmem>>
        %dma_wait3A_303 = tpu.memref_squeeze %dma_wait3A_302 : memref<1x128xi32, #tpu.memory_space<vmem>> -> memref<128xi32, #tpu.memory_space<vmem>>
        %dma_wait3A_304 = arith.constant 0 : i32
        %dma_wait3A_305 = tpu.memref_slice %arg8[%dma_wait3A_304] : memref<10240xf32, #tpu.memory_space<vmem_shared>> -> memref<10240xf32, #tpu.memory_space<vmem_shared>>
        tpu.wait_indirect_dma semaphore(%arg18 : memref<!tpu.dma_semaphore, #tpu.memory_space<semaphore_mem>>) src(%arg15 : memref<128xf32, #tpu.memory_space<vmem>>) dst(%dma_wait3A_305 : memref<10240xf32, #tpu.memory_space<vmem_shared>>)
        %dma_wait3A_306 = arith.constant 0 : i32
        %dma_wait3A_307 = tpu.memref_slice %arg10[%scan3A_246, %dma_wait3A_306] : memref<157x128xi32, #tpu.memory_space<vmem>> -> memref<1x128xi32, #tpu.memory_space<vmem>>
        %dma_wait3A_308 = tpu.memref_squeeze %dma_wait3A_307 : memref<1x128xi32, #tpu.memory_space<vmem>> -> memref<128xi32, #tpu.memory_space<vmem>>
        %dma_wait3A_309 = arith.constant 0 : i32
        %dma_wait3A_310 = tpu.memref_slice %arg9[%dma_wait3A_309] : memref<10240xf32, #tpu.memory_space<vmem_shared>> -> memref<10240xf32, #tpu.memory_space<vmem_shared>>
        tpu.wait_indirect_dma semaphore(%arg18 : memref<!tpu.dma_semaphore, #tpu.memory_space<semaphore_mem>>) src(%arg15 : memref<128xf32, #tpu.memory_space<vmem>>) dst(%dma_wait3A_310 : memref<10240xf32, #tpu.memory_space<vmem_shared>>)
      } else {
      }
      %add3A = arith.constant 3 : i32
      %add3A_265 = arith.addi %scan3A_246, %add3A : i32
      %lt3A = arith.constant 157 : i32
      %lt3A_266 = arith.cmpi slt, %add3A_265, %lt3A : i32
      %convert_element_type3A_267 = arith.extui %lt3A_266 : i1 to i32
      %cond3A_268 = arith.constant 0 : i32
      %cond3A_269 = arith.cmpi ne, %convert_element_type3A_267, %cond3A_268 : i32
      scf.if %cond3A_269 {
        %add3A_291 = arith.constant 3 : i32
        %add3A_292 = arith.addi %scan3A_246, %add3A_291 : i32
        %add3A_293 = arith.constant 3 : i32
        %add3A_294 = arith.addi %scan3A_246, %add3A_293 : i32
        %rem3A_295 = arith.constant 5 : i32
        %rem3A_296 = arith.remsi %add3A_294, %rem3A_295 : i32
        %dma_start3A_297 = arith.constant 0 : i32
        %dma_start3A_298 = arith.constant 0 : i32
        %dma_start3A_299 = tpu.memref_slice %arg12[%rem3A_296, %dma_start3A_297, %dma_start3A_298] : memref<5x128x64xf32, #tpu.memory_space<vmem>> -> memref<1x128x64xf32, #tpu.memory_space<vmem>>
        %dma_start3A_300 = tpu.memref_squeeze %dma_start3A_299 : memref<1x128x64xf32, #tpu.memory_space<vmem>> -> memref<128x64xf32, #tpu.memory_space<vmem>>
        %dma_start3A_301 = arith.constant 0 : i32
        %dma_start3A_302 = tpu.memref_slice %arg10[%add3A_292, %dma_start3A_301] : memref<157x128xi32, #tpu.memory_space<vmem>> -> memref<1x128xi32, #tpu.memory_space<vmem>>
        %dma_start3A_303 = tpu.memref_squeeze %dma_start3A_302 : memref<1x128xi32, #tpu.memory_space<vmem>> -> memref<128xi32, #tpu.memory_space<vmem>>
        %dma_start3A_304 = arith.constant 0 : i32
        %dma_start3A_305 = arith.constant 0 : i32
        %dma_start3A_306 = tpu.memref_slice %arg2[%arg0, %dma_start3A_304, %dma_start3A_305] : memref<2x10240x64xf32, #tpu.memory_space<hbm>> -> memref<1x10240x64xf32, #tpu.memory_space<hbm>>
        %dma_start3A_307 = tpu.memref_squeeze %dma_start3A_306 : memref<1x10240x64xf32, #tpu.memory_space<hbm>> -> memref<10240x64xf32, #tpu.memory_space<hbm>>
        %dma_start3A_308 = arith.constant 0 : i32
        %dma_start3A_309 = arith.constant 0 : i32
        %dma_start3A_310 = tpu.memref_slice %dma_start3A_307[%dma_start3A_308, %dma_start3A_309] : memref<10240x64xf32, #tpu.memory_space<hbm>> -> memref<10240x64xf32, #tpu.memory_space<hbm>>
        tpu.enqueue_indirect_dma source(%dma_start3A_310 : memref<10240x64xf32, #tpu.memory_space<hbm>>) target(%dma_start3A_300 : memref<128x64xf32, #tpu.memory_space<vmem>>) offsets(%dma_start3A_303 : memref<128xi32, #tpu.memory_space<vmem>>) semaphore(%arg16 : memref<!tpu.dma_semaphore, #tpu.memory_space<semaphore_mem>>)
      } else {
      }
      %dma_start3A_270 = arith.constant 0 : i32
      %dma_start3A_271 = arith.constant 0 : i32
      %dma_start3A_272 = tpu.memref_slice %arg12[%rem3A_248, %dma_start3A_270, %dma_start3A_271] : memref<5x128x64xf32, #tpu.memory_space<vmem>> -> memref<1x128x64xf32, #tpu.memory_space<vmem>>
      %dma_start3A_273 = tpu.memref_squeeze %dma_start3A_272 : memref<1x128x64xf32, #tpu.memory_space<vmem>> -> memref<128x64xf32, #tpu.memory_space<vmem>>
      %dma_start3A_274 = arith.constant 0 : i32
      %dma_start3A_275 = tpu.memref_slice %arg11[%scan3A_246, %dma_start3A_274] : memref<157x128xi32, #tpu.memory_space<vmem>> -> memref<1x128xi32, #tpu.memory_space<vmem>>
      %dma_start3A_276 = tpu.memref_squeeze %dma_start3A_275 : memref<1x128xi32, #tpu.memory_space<vmem>> -> memref<128xi32, #tpu.memory_space<vmem>>
      %dma_start3A_277 = arith.constant 0 : i32
      %dma_start3A_278 = arith.constant 0 : i32
      %dma_start3A_279 = tpu.memref_slice %arg7[%dma_start3A_277, %dma_start3A_278] : memref<10240x64xf32, #tpu.memory_space<vmem_shared>> -> memref<10240x64xf32, #tpu.memory_space<vmem_shared>>
      tpu.enqueue_indirect_dma source(%dma_start3A_273 : memref<128x64xf32, #tpu.memory_space<vmem>>) target(%dma_start3A_279 : memref<10240x64xf32, #tpu.memory_space<vmem_shared>>) offsets(%dma_start3A_276 : memref<128xi32, #tpu.memory_space<vmem>>) semaphore(%arg17 : memref<!tpu.dma_semaphore, #tpu.memory_space<semaphore_mem>>) {add = true}
      %dma_start3A_280 = arith.constant 0 : i32
      %dma_start3A_281 = tpu.memref_slice %arg11[%scan3A_246, %dma_start3A_280] : memref<157x128xi32, #tpu.memory_space<vmem>> -> memref<1x128xi32, #tpu.memory_space<vmem>>
      %dma_start3A_282 = tpu.memref_squeeze %dma_start3A_281 : memref<1x128xi32, #tpu.memory_space<vmem>> -> memref<128xi32, #tpu.memory_space<vmem>>
      %dma_start3A_283 = arith.constant 0 : i32
      %dma_start3A_284 = tpu.memref_slice %arg8[%dma_start3A_283] : memref<10240xf32, #tpu.memory_space<vmem_shared>> -> memref<10240xf32, #tpu.memory_space<vmem_shared>>
      tpu.enqueue_indirect_dma source(%arg15 : memref<128xf32, #tpu.memory_space<vmem>>) target(%dma_start3A_284 : memref<10240xf32, #tpu.memory_space<vmem_shared>>) offsets(%dma_start3A_282 : memref<128xi32, #tpu.memory_space<vmem>>) semaphore(%arg18 : memref<!tpu.dma_semaphore, #tpu.memory_space<semaphore_mem>>) {add = true}
      %dma_start3A_285 = arith.constant 0 : i32
      %dma_start3A_286 = tpu.memref_slice %arg10[%scan3A_246, %dma_start3A_285] : memref<157x128xi32, #tpu.memory_space<vmem>> -> memref<1x128xi32, #tpu.memory_space<vmem>>
      %dma_start3A_287 = tpu.memref_squeeze %dma_start3A_286 : memref<1x128xi32, #tpu.memory_space<vmem>> -> memref<128xi32, #tpu.memory_space<vmem>>
      %dma_start3A_288 = arith.constant 0 : i32
      %dma_start3A_289 = tpu.memref_slice %arg9[%dma_start3A_288] : memref<10240xf32, #tpu.memory_space<vmem_shared>> -> memref<10240xf32, #tpu.memory_space<vmem_shared>>
      tpu.enqueue_indirect_dma source(%arg15 : memref<128xf32, #tpu.memory_space<vmem>>) target(%dma_start3A_289 : memref<10240xf32, #tpu.memory_space<vmem_shared>>) offsets(%dma_start3A_287 : memref<128xi32, #tpu.memory_space<vmem>>) semaphore(%arg18 : memref<!tpu.dma_semaphore, #tpu.memory_space<semaphore_mem>>) {add = true}
      %scan3A_290 = arith.constant 0 : i32
      scf.yield %scan3A_290 : i32
    }
    %scan3A_86 = arith.constant 157 : i32
    %dma_wait3A = arith.constant 0 : i32
    %dma_wait3A_87 = arith.constant 0 : i32
    %dma_wait3A_88 = arith.constant 0 : i32
    %dma_wait3A_89 = arith.constant 0 : i32
    %dma_wait3A_90 = tpu.memref_slice %arg12[%dma_wait3A, %dma_wait3A_88, %dma_wait3A_89] : memref<5x128x64xf32, #tpu.memory_space<vmem>> -> memref<1x128x64xf32, #tpu.memory_space<vmem>>
    %dma_wait3A_91 = tpu.memref_squeeze %dma_wait3A_90 : memref<1x128x64xf32, #tpu.memory_space<vmem>> -> memref<128x64xf32, #tpu.memory_space<vmem>>
    %dma_wait3A_92 = arith.constant 0 : i32
    %dma_wait3A_93 = tpu.memref_slice %arg11[%dma_wait3A_87, %dma_wait3A_92] : memref<157x128xi32, #tpu.memory_space<vmem>> -> memref<1x128xi32, #tpu.memory_space<vmem>>
    %dma_wait3A_94 = tpu.memref_squeeze %dma_wait3A_93 : memref<1x128xi32, #tpu.memory_space<vmem>> -> memref<128xi32, #tpu.memory_space<vmem>>
    %dma_wait3A_95 = arith.constant 0 : i32
    %dma_wait3A_96 = arith.constant 0 : i32
    %dma_wait3A_97 = tpu.memref_slice %arg7[%dma_wait3A_95, %dma_wait3A_96] : memref<10240x64xf32, #tpu.memory_space<vmem_shared>> -> memref<10240x64xf32, #tpu.memory_space<vmem_shared>>
    tpu.wait_indirect_dma semaphore(%arg17 : memref<!tpu.dma_semaphore, #tpu.memory_space<semaphore_mem>>) src(%dma_wait3A_91 : memref<128x64xf32, #tpu.memory_space<vmem>>) dst(%dma_wait3A_97 : memref<10240x64xf32, #tpu.memory_space<vmem_shared>>)
    %dma_wait3A_98 = arith.constant 0 : i32
    %dma_wait3A_99 = arith.constant 0 : i32
    %dma_wait3A_100 = tpu.memref_slice %arg11[%dma_wait3A_98, %dma_wait3A_99] : memref<157x128xi32, #tpu.memory_space<vmem>> -> memref<1x128xi32, #tpu.memory_space<vmem>>
    %dma_wait3A_101 = tpu.memref_squeeze %dma_wait3A_100 : memref<1x128xi32, #tpu.memory_space<vmem>> -> memref<128xi32, #tpu.memory_space<vmem>>
    %dma_wait3A_102 = arith.constant 0 : i32
    %dma_wait3A_103 = tpu.memref_slice %arg8[%dma_wait3A_102] : memref<10240xf32, #tpu.memory_space<vmem_shared>> -> memref<10240xf32, #tpu.memory_space<vmem_shared>>
    tpu.wait_indirect_dma semaphore(%arg18 : memref<!tpu.dma_semaphore, #tpu.memory_space<semaphore_mem>>) src(%arg15 : memref<128xf32, #tpu.memory_space<vmem>>) dst(%dma_wait3A_103 : memref<10240xf32, #tpu.memory_space<vmem_shared>>)
    %dma_wait3A_104 = arith.constant 0 : i32
    %dma_wait3A_105 = arith.constant 0 : i32
    %dma_wait3A_106 = tpu.memref_slice %arg10[%dma_wait3A_104, %dma_wait3A_105] : memref<157x128xi32, #tpu.memory_space<vmem>> -> memref<1x128xi32, #tpu.memory_space<vmem>>
    %dma_wait3A_107 = tpu.memref_squeeze %dma_wait3A_106 : memref<1x128xi32, #tpu.memory_space<vmem>> -> memref<128xi32, #tpu.memory_space<vmem>>
    %dma_wait3A_108 = arith.constant 0 : i32
    %dma_wait3A_109 = tpu.memref_slice %arg9[%dma_wait3A_108] : memref<10240xf32, #tpu.memory_space<vmem_shared>> -> memref<10240xf32, #tpu.memory_space<vmem_shared>>
    tpu.wait_indirect_dma semaphore(%arg18 : memref<!tpu.dma_semaphore, #tpu.memory_space<semaphore_mem>>) src(%arg15 : memref<128xf32, #tpu.memory_space<vmem>>) dst(%dma_wait3A_109 : memref<10240xf32, #tpu.memory_space<vmem_shared>>)
    %dma_wait3A_110 = arith.constant 0 : i32
    %dma_wait3A_111 = arith.constant 0 : i32
    %dma_wait3A_112 = arith.constant 0 : i32
    %dma_wait3A_113 = arith.constant 0 : i32
    %dma_wait3A_114 = tpu.memref_slice %arg12[%dma_wait3A_110, %dma_wait3A_112, %dma_wait3A_113] : memref<5x128x64xf32, #tpu.memory_space<vmem>> -> memref<1x128x64xf32, #tpu.memory_space<vmem>>
    %dma_wait3A_115 = tpu.memref_squeeze %dma_wait3A_114 : memref<1x128x64xf32, #tpu.memory_space<vmem>> -> memref<128x64xf32, #tpu.memory_space<vmem>>
    %dma_wait3A_116 = arith.constant 0 : i32
    %dma_wait3A_117 = tpu.memref_slice %arg11[%dma_wait3A_111, %dma_wait3A_116] : memref<157x128xi32, #tpu.memory_space<vmem>> -> memref<1x128xi32, #tpu.memory_space<vmem>>
    %dma_wait3A_118 = tpu.memref_squeeze %dma_wait3A_117 : memref<1x128xi32, #tpu.memory_space<vmem>> -> memref<128xi32, #tpu.memory_space<vmem>>
    %dma_wait3A_119 = arith.constant 0 : i32
    %dma_wait3A_120 = arith.constant 0 : i32
    %dma_wait3A_121 = tpu.memref_slice %arg7[%dma_wait3A_119, %dma_wait3A_120] : memref<10240x64xf32, #tpu.memory_space<vmem_shared>> -> memref<10240x64xf32, #tpu.memory_space<vmem_shared>>
    tpu.wait_indirect_dma semaphore(%arg17 : memref<!tpu.dma_semaphore, #tpu.memory_space<semaphore_mem>>) src(%dma_wait3A_115 : memref<128x64xf32, #tpu.memory_space<vmem>>) dst(%dma_wait3A_121 : memref<10240x64xf32, #tpu.memory_space<vmem_shared>>)
    %dma_wait3A_122 = arith.constant 0 : i32
    %dma_wait3A_123 = arith.constant 0 : i32
    %dma_wait3A_124 = tpu.memref_slice %arg11[%dma_wait3A_122, %dma_wait3A_123] : memref<157x128xi32, #tpu.memory_space<vmem>> -> memref<1x128xi32, #tpu.memory_space<vmem>>
    %dma_wait3A_125 = tpu.memref_squeeze %dma_wait3A_124 : memref<1x128xi32, #tpu.memory_space<vmem>> -> memref<128xi32, #tpu.memory_space<vmem>>
    %dma_wait3A_126 = arith.constant 0 : i32
    %dma_wait3A_127 = tpu.memref_slice %arg8[%dma_wait3A_126] : memref<10240xf32, #tpu.memory_space<vmem_shared>> -> memref<10240xf32, #tpu.memory_space<vmem_shared>>
    tpu.wait_indirect_dma semaphore(%arg18 : memref<!tpu.dma_semaphore, #tpu.memory_space<semaphore_mem>>) src(%arg15 : memref<128xf32, #tpu.memory_space<vmem>>) dst(%dma_wait3A_127 : memref<10240xf32, #tpu.memory_space<vmem_shared>>)
    %dma_wait3A_128 = arith.constant 0 : i32
    %dma_wait3A_129 = arith.constant 0 : i32
    %dma_wait3A_130 = tpu.memref_slice %arg10[%dma_wait3A_128, %dma_wait3A_129] : memref<157x128xi32, #tpu.memory_space<vmem>> -> memref<1x128xi32, #tpu.memory_space<vmem>>
    %dma_wait3A_131 = tpu.memref_squeeze %dma_wait3A_130 : memref<1x128xi32, #tpu.memory_space<vmem>> -> memref<128xi32, #tpu.memory_space<vmem>>
    %dma_wait3A_132 = arith.constant 0 : i32
    %dma_wait3A_133 = tpu.memref_slice %arg9[%dma_wait3A_132] : memref<10240xf32, #tpu.memory_space<vmem_shared>> -> memref<10240xf32, #tpu.memory_space<vmem_shared>>
    tpu.wait_indirect_dma semaphore(%arg18 : memref<!tpu.dma_semaphore, #tpu.memory_space<semaphore_mem>>) src(%arg15 : memref<128xf32, #tpu.memory_space<vmem>>) dst(%dma_wait3A_133 : memref<10240xf32, #tpu.memory_space<vmem_shared>>)
    %barrier3A_134 = arith.constant 0 : index
    tpu.barrier barrier_id(%barrier3A_134)
    %scan3A_135 = arith.constant 0 : i32
    %scan3A_136 = arith.constant 0 : i32
    %scan3A_137 = arith.constant 10 : i32
    %scan3A_138 = arith.addi %scan3A_136, %scan3A_137 : i32
    %scan3A_139 = arith.constant 1 : i32
    %scan3A_140 = scf.for %scan3A_246 = %scan3A_136 to %scan3A_138 step %scan3A_139 iter_args(%scan3A_247 = %scan3A_135) -> (i32)  : i32 {
      %mul3A_248 = arith.constant 64 : i32
      %mul3A_249 = arith.muli %scan3A_246, %mul3A_248 : i32
      %add3A = arith.addi %mul3A_0, %mul3A_249 : i32
      "tpu.region"() ({
        %run_scoped3A = tpu.sem_alloc : memref<!tpu.dma_semaphore, #tpu.memory_space<semaphore_mem>>
        %dma_start3A_258 = tpu.memref_slice %arg8[%add3A] : memref<10240xf32, #tpu.memory_space<vmem_shared>> -> memref<64xf32, #tpu.memory_space<vmem_shared>>
        %dma_start3A_259 = tpu.memref_slice %arg8[%add3A] : memref<10240xf32, #tpu.memory_space<vmem_shared>> -> memref<64xf32, #tpu.memory_space<vmem_shared>>
        tpu.enqueue_dma source(%dma_start3A_259 : memref<64xf32, #tpu.memory_space<vmem_shared>>) target(%arg14 : memref<64xf32, #tpu.memory_space<vmem>>) target_semaphore(%run_scoped3A : memref<!tpu.dma_semaphore, #tpu.memory_space<semaphore_mem>>)
        %dma_wait3A_260 = tpu.memref_slice %arg8[%add3A] : memref<10240xf32, #tpu.memory_space<vmem_shared>> -> memref<64xf32, #tpu.memory_space<vmem_shared>>
        %dma_wait3A_261 = tpu.memref_slice %arg8[%add3A] : memref<10240xf32, #tpu.memory_space<vmem_shared>> -> memref<64xf32, #tpu.memory_space<vmem_shared>>
        tpu.wait_dma2 semaphore(%run_scoped3A : memref<!tpu.dma_semaphore, #tpu.memory_space<semaphore_mem>>) src(%dma_wait3A_261 : memref<64xf32, #tpu.memory_space<vmem_shared>>) dst(%arg14 : memref<64xf32, #tpu.memory_space<vmem>>)
        tpu.yield
      }) : () -> ()
      "tpu.region"() ({
        %run_scoped3A = tpu.sem_alloc : memref<!tpu.dma_semaphore, #tpu.memory_space<semaphore_mem>>
        %dma_start3A_258 = arith.constant 0 : i32
        %dma_start3A_259 = tpu.memref_slice %arg7[%add3A, %dma_start3A_258] : memref<10240x64xf32, #tpu.memory_space<vmem_shared>> -> memref<64x64xf32, #tpu.memory_space<vmem_shared>>
        %dma_start3A_260 = arith.constant 0 : i32
        %dma_start3A_261 = tpu.memref_slice %arg7[%add3A, %dma_start3A_260] : memref<10240x64xf32, #tpu.memory_space<vmem_shared>> -> memref<64x64xf32, #tpu.memory_space<vmem_shared>>
        tpu.enqueue_dma source(%dma_start3A_261 : memref<64x64xf32, #tpu.memory_space<vmem_shared>>) target(%arg13 : memref<64x64xf32, #tpu.memory_space<vmem>>) target_semaphore(%run_scoped3A : memref<!tpu.dma_semaphore, #tpu.memory_space<semaphore_mem>>)
        %dma_wait3A_262 = arith.constant 0 : i32
        %dma_wait3A_263 = tpu.memref_slice %arg7[%add3A, %dma_wait3A_262] : memref<10240x64xf32, #tpu.memory_space<vmem_shared>> -> memref<64x64xf32, #tpu.memory_space<vmem_shared>>
        %dma_wait3A_264 = arith.constant 0 : i32
        %dma_wait3A_265 = tpu.memref_slice %arg7[%add3A, %dma_wait3A_264] : memref<10240x64xf32, #tpu.memory_space<vmem_shared>> -> memref<64x64xf32, #tpu.memory_space<vmem_shared>>
        tpu.wait_dma2 semaphore(%run_scoped3A : memref<!tpu.dma_semaphore, #tpu.memory_space<semaphore_mem>>) src(%dma_wait3A_265 : memref<64x64xf32, #tpu.memory_space<vmem_shared>>) dst(%arg13 : memref<64x64xf32, #tpu.memory_space<vmem>>)
        tpu.yield
      }) : () -> ()
      %scan3A_250 = arith.constant 0 : i32
      %scan3A_251 = arith.constant 0 : i32
      %scan3A_252 = arith.constant 4 : i32
      %scan3A_253 = arith.addi %scan3A_251, %scan3A_252 : i32
      %scan3A_254 = arith.constant 1 : i32
      %scan3A_255 = scf.for %scan3A_258 = %scan3A_251 to %scan3A_253 step %scan3A_254 iter_args(%scan3A_259 = %scan3A_250) -> (i32)  : i32 {
        %mul3A_260 = arith.constant 16 : i32
        %mul3A_261 = arith.muli %mul3A_260, %scan3A_258 : i32
        %get3A = arith.index_cast %mul3A_261 : i32 to index
        %get3A_262 = tpu.vector_load %arg14[%get3A] {strides = array<i32>} : memref<64xf32, #tpu.memory_space<vmem>>, vector<16xf32>,
        %get3A_263 = vector.shape_cast %get3A_262 : vector<16xf32> to vector<16xf32>
        %max3A = arith.constant 1.000000e+00 : f32
        %max3A_264 = vector.broadcast %max3A : f32 to vector<16xf32>
        %max3A_265 = arith.maximumf %get3A_263, %max3A_264 : vector<16xf32>
        %div3A = arith.constant 1.000000e+00 : f32
        %div3A_266 = vector.broadcast %div3A : f32 to vector<16xf32>
        %div3A_267 = arith.divf %div3A_266, %max3A_265 : vector<16xf32>
        %slice3A = vector.extract_strided_slice %div3A_267 {offsets = [0], sizes = [1], strides = [1]} : vector<16xf32> to vector<1xf32>
        %squeeze3A = vector.extract %slice3A[0] : f32 from vector<1xf32>
        %mul3A_268 = arith.constant 16 : i32
        %mul3A_269 = arith.muli %mul3A_268, %scan3A_258 : i32
        %add3A_270 = arith.constant 0 : i32
        %add3A_271 = arith.addi %mul3A_269, %add3A_270 : i32
        %get3A_272 = arith.index_cast %add3A_271 : i32 to index
        %get3A_273 = arith.constant 0 : index
        %get3A_274 = tpu.vector_load %arg13[%get3A_272, %get3A_273] {strides = array<i32>} : memref<64x64xf32, #tpu.memory_space<vmem>>, vector<1x16xf32>,
        %get3A_275 = vector.shape_cast %get3A_274 : vector<1x16xf32> to vector<16xf32>
        %mul3A_276 = vector.broadcast %squeeze3A : f32 to vector<16xf32>
        %mul3A_277 = arith.mulf %get3A_275, %mul3A_276 : vector<16xf32>
        %swap3A = arith.index_cast %add3A_271 : i32 to index
        %swap3A_278 = arith.constant 0 : index
        %swap3A_279 = tpu.vector_load %arg13[%swap3A, %swap3A_278] {strides = array<i32>} : memref<64x64xf32, #tpu.memory_space<vmem>>, vector<1x16xf32>,
        %swap3A_280 = vector.shape_cast %swap3A_279 : vector<1x16xf32> to vector<16xf32>
        %swap3A_281 = vector.shape_cast %mul3A_277 : vector<16xf32> to vector<1x16xf32>
        tpu.vector_store %arg13[%swap3A, %swap3A_278], %swap3A_281 {strides = array<i32>} : memref<64x64xf32, #tpu.memory_space<vmem>>, vector<1x16xf32>,
        %get3A_282 = arith.index_cast %add3A_271 : i32 to index
        %get3A_283 = arith.constant 16 : index
        %get3A_284 = tpu.vector_load %arg13[%get3A_282, %get3A_283] {strides = array<i32>} : memref<64x64xf32, #tpu.memory_space<vmem>>, vector<1x16xf32>,
        %get3A_285 = vector.shape_cast %get3A_284 : vector<1x16xf32> to vector<16xf32>
        %mul3A_286 = vector.broadcast %squeeze3A : f32 to vector<16xf32>
        %mul3A_287 = arith.mulf %get3A_285, %mul3A_286 : vector<16xf32>
        %swap3A_288 = arith.index_cast %add3A_271 : i32 to index
        %swap3A_289 = arith.constant 16 : index
        %swap3A_290 = tpu.vector_load %arg13[%swap3A_288, %swap3A_289] {strides = array<i32>} : memref<64x64xf32, #tpu.memory_space<vmem>>, vector<1x16xf32>,
        %swap3A_291 = vector.shape_cast %swap3A_290 : vector<1x16xf32> to vector<16xf32>
        %swap3A_292 = vector.shape_cast %mul3A_287 : vector<16xf32> to vector<1x16xf32>
        tpu.vector_store %arg13[%swap3A_288, %swap3A_289], %swap3A_292 {strides = array<i32>} : memref<64x64xf32, #tpu.memory_space<vmem>>, vector<1x16xf32>,
        %get3A_293 = arith.index_cast %add3A_271 : i32 to index
        %get3A_294 = arith.constant 32 : index
        %get3A_295 = tpu.vector_load %arg13[%get3A_293, %get3A_294] {strides = array<i32>} : memref<64x64xf32, #tpu.memory_space<vmem>>, vector<1x16xf32>,
        %get3A_296 = vector.shape_cast %get3A_295 : vector<1x16xf32> to vector<16xf32>
        %mul3A_297 = vector.broadcast %squeeze3A : f32 to vector<16xf32>
        %mul3A_298 = arith.mulf %get3A_296, %mul3A_297 : vector<16xf32>
        %swap3A_299 = arith.index_cast %add3A_271 : i32 to index
        %swap3A_300 = arith.constant 32 : index
        %swap3A_301 = tpu.vector_load %arg13[%swap3A_299, %swap3A_300] {strides = array<i32>} : memref<64x64xf32, #tpu.memory_space<vmem>>, vector<1x16xf32>,
        %swap3A_302 = vector.shape_cast %swap3A_301 : vector<1x16xf32> to vector<16xf32>
        %swap3A_303 = vector.shape_cast %mul3A_298 : vector<16xf32> to vector<1x16xf32>
        tpu.vector_store %arg13[%swap3A_299, %swap3A_300], %swap3A_303 {strides = array<i32>} : memref<64x64xf32, #tpu.memory_space<vmem>>, vector<1x16xf32>,
        %get3A_304 = arith.index_cast %add3A_271 : i32 to index
        %get3A_305 = arith.constant 48 : index
        %get3A_306 = tpu.vector_load %arg13[%get3A_304, %get3A_305] {strides = array<i32>} : memref<64x64xf32, #tpu.memory_space<vmem>>, vector<1x16xf32>,
        %get3A_307 = vector.shape_cast %get3A_306 : vector<1x16xf32> to vector<16xf32>
        %mul3A_308 = vector.broadcast %squeeze3A : f32 to vector<16xf32>
        %mul3A_309 = arith.mulf %get3A_307, %mul3A_308 : vector<16xf32>
        %swap3A_310 = arith.index_cast %add3A_271 : i32 to index
        %swap3A_311 = arith.constant 48 : index
        %swap3A_312 = tpu.vector_load %arg13[%swap3A_310, %swap3A_311] {strides = array<i32>} : memref<64x64xf32, #tpu.memory_space<vmem>>, vector<1x16xf32>,
        %swap3A_313 = vector.shape_cast %swap3A_312 : vector<1x16xf32> to vector<16xf32>
        %swap3A_314 = vector.shape_cast %mul3A_309 : vector<16xf32> to vector<1x16xf32>
        tpu.vector_store %arg13[%swap3A_310, %swap3A_311], %swap3A_314 {strides = array<i32>} : memref<64x64xf32, #tpu.memory_space<vmem>>, vector<1x16xf32>,
        %slice3A_315 = vector.extract_strided_slice %div3A_267 {offsets = [1], sizes = [1], strides = [1]} : vector<16xf32> to vector<1xf32>
        %squeeze3A_316 = vector.extract %slice3A_315[0] : f32 from vector<1xf32>
        %mul3A_317 = arith.constant 16 : i32
        %mul3A_318 = arith.muli %mul3A_317, %scan3A_258 : i32
        %add3A_319 = arith.constant 1 : i32
        %add3A_320 = arith.addi %mul3A_318, %add3A_319 : i32
        %get3A_321 = arith.index_cast %add3A_320 : i32 to index
        %get3A_322 = arith.constant 0 : index
        %get3A_323 = tpu.vector_load %arg13[%get3A_321, %get3A_322] {strides = array<i32>} : memref<64x64xf32, #tpu.memory_space<vmem>>, vector<1x16xf32>,
        %get3A_324 = vector.shape_cast %get3A_323 : vector<1x16xf32> to vector<16xf32>
        %mul3A_325 = vector.broadcast %squeeze3A_316 : f32 to vector<16xf32>
        %mul3A_326 = arith.mulf %get3A_324, %mul3A_325 : vector<16xf32>
        %swap3A_327 = arith.index_cast %add3A_320 : i32 to index
        %swap3A_328 = arith.constant 0 : index
        %swap3A_329 = tpu.vector_load %arg13[%swap3A_327, %swap3A_328] {strides = array<i32>} : memref<64x64xf32, #tpu.memory_space<vmem>>, vector<1x16xf32>,
        %swap3A_330 = vector.shape_cast %swap3A_329 : vector<1x16xf32> to vector<16xf32>
        %swap3A_331 = vector.shape_cast %mul3A_326 : vector<16xf32> to vector<1x16xf32>
        tpu.vector_store %arg13[%swap3A_327, %swap3A_328], %swap3A_331 {strides = array<i32>} : memref<64x64xf32, #tpu.memory_space<vmem>>, vector<1x16xf32>,
        %get3A_332 = arith.index_cast %add3A_320 : i32 to index
        %get3A_333 = arith.constant 16 : index
        %get3A_334 = tpu.vector_load %arg13[%get3A_332, %get3A_333] {strides = array<i32>} : memref<64x64xf32, #tpu.memory_space<vmem>>, vector<1x16xf32>,
        %get3A_335 = vector.shape_cast %get3A_334 : vector<1x16xf32> to vector<16xf32>
        %mul3A_336 = vector.broadcast %squeeze3A_316 : f32 to vector<16xf32>
        %mul3A_337 = arith.mulf %get3A_335, %mul3A_336 : vector<16xf32>
        %swap3A_338 = arith.index_cast %add3A_320 : i32 to index
        %swap3A_339 = arith.constant 16 : index
        %swap3A_340 = tpu.vector_load %arg13[%swap3A_338, %swap3A_339] {strides = array<i32>} : memref<64x64xf32, #tpu.memory_space<vmem>>, vector<1x16xf32>,
        %swap3A_341 = vector.shape_cast %swap3A_340 : vector<1x16xf32> to vector<16xf32>
        %swap3A_342 = vector.shape_cast %mul3A_337 : vector<16xf32> to vector<1x16xf32>
        tpu.vector_store %arg13[%swap3A_338, %swap3A_339], %swap3A_342 {strides = array<i32>} : memref<64x64xf32, #tpu.memory_space<vmem>>, vector<1x16xf32>,
        %get3A_343 = arith.index_cast %add3A_320 : i32 to index
        %get3A_344 = arith.constant 32 : index
        %get3A_345 = tpu.vector_load %arg13[%get3A_343, %get3A_344] {strides = array<i32>} : memref<64x64xf32, #tpu.memory_space<vmem>>, vector<1x16xf32>,
        %get3A_346 = vector.shape_cast %get3A_345 : vector<1x16xf32> to vector<16xf32>
        %mul3A_347 = vector.broadcast %squeeze3A_316 : f32 to vector<16xf32>
        %mul3A_348 = arith.mulf %get3A_346, %mul3A_347 : vector<16xf32>
        %swap3A_349 = arith.index_cast %add3A_320 : i32 to index
        %swap3A_350 = arith.constant 32 : index
        %swap3A_351 = tpu.vector_load %arg13[%swap3A_349, %swap3A_350] {strides = array<i32>} : memref<64x64xf32, #tpu.memory_space<vmem>>, vector<1x16xf32>,
        %swap3A_352 = vector.shape_cast %swap3A_351 : vector<1x16xf32> to vector<16xf32>
        %swap3A_353 = vector.shape_cast %mul3A_348 : vector<16xf32> to vector<1x16xf32>
        tpu.vector_store %arg13[%swap3A_349, %swap3A_350], %swap3A_353 {strides = array<i32>} : memref<64x64xf32, #tpu.memory_space<vmem>>, vector<1x16xf32>,
        %get3A_354 = arith.index_cast %add3A_320 : i32 to index
        %get3A_355 = arith.constant 48 : index
        %get3A_356 = tpu.vector_load %arg13[%get3A_354, %get3A_355] {strides = array<i32>} : memref<64x64xf32, #tpu.memory_space<vmem>>, vector<1x16xf32>,
        %get3A_357 = vector.shape_cast %get3A_356 : vector<1x16xf32> to vector<16xf32>
        %mul3A_358 = vector.broadcast %squeeze3A_316 : f32 to vector<16xf32>
        %mul3A_359 = arith.mulf %get3A_357, %mul3A_358 : vector<16xf32>
        %swap3A_360 = arith.index_cast %add3A_320 : i32 to index
        %swap3A_361 = arith.constant 48 : index
        %swap3A_362 = tpu.vector_load %arg13[%swap3A_360, %swap3A_361] {strides = array<i32>} : memref<64x64xf32, #tpu.memory_space<vmem>>, vector<1x16xf32>,
        %swap3A_363 = vector.shape_cast %swap3A_362 : vector<1x16xf32> to vector<16xf32>
        %swap3A_364 = vector.shape_cast %mul3A_359 : vector<16xf32> to vector<1x16xf32>
        tpu.vector_store %arg13[%swap3A_360, %swap3A_361], %swap3A_364 {strides = array<i32>} : memref<64x64xf32, #tpu.memory_space<vmem>>, vector<1x16xf32>,
        %slice3A_365 = vector.extract_strided_slice %div3A_267 {offsets = [2], sizes = [1], strides = [1]} : vector<16xf32> to vector<1xf32>
        %squeeze3A_366 = vector.extract %slice3A_365[0] : f32 from vector<1xf32>
        %mul3A_367 = arith.constant 16 : i32
        %mul3A_368 = arith.muli %mul3A_367, %scan3A_258 : i32
        %add3A_369 = arith.constant 2 : i32
        %add3A_370 = arith.addi %mul3A_368, %add3A_369 : i32
        %get3A_371 = arith.index_cast %add3A_370 : i32 to index
        %get3A_372 = arith.constant 0 : index
        %get3A_373 = tpu.vector_load %arg13[%get3A_371, %get3A_372] {strides = array<i32>} : memref<64x64xf32, #tpu.memory_space<vmem>>, vector<1x16xf32>,
        %get3A_374 = vector.shape_cast %get3A_373 : vector<1x16xf32> to vector<16xf32>
        %mul3A_375 = vector.broadcast %squeeze3A_366 : f32 to vector<16xf32>
        %mul3A_376 = arith.mulf %get3A_374, %mul3A_375 : vector<16xf32>
        %swap3A_377 = arith.index_cast %add3A_370 : i32 to index
        %swap3A_378 = arith.constant 0 : index
        %swap3A_379 = tpu.vector_load %arg13[%swap3A_377, %swap3A_378] {strides = array<i32>} : memref<64x64xf32, #tpu.memory_space<vmem>>, vector<1x16xf32>,
        %swap3A_380 = vector.shape_cast %swap3A_379 : vector<1x16xf32> to vector<16xf32>
        %swap3A_381 = vector.shape_cast %mul3A_376 : vector<16xf32> to vector<1x16xf32>
        tpu.vector_store %arg13[%swap3A_377, %swap3A_378], %swap3A_381 {strides = array<i32>} : memref<64x64xf32, #tpu.memory_space<vmem>>, vector<1x16xf32>,
        %get3A_382 = arith.index_cast %add3A_370 : i32 to index
        %get3A_383 = arith.constant 16 : index
        %get3A_384 = tpu.vector_load %arg13[%get3A_382, %get3A_383] {strides = array<i32>} : memref<64x64xf32, #tpu.memory_space<vmem>>, vector<1x16xf32>,
        %get3A_385 = vector.shape_cast %get3A_384 : vector<1x16xf32> to vector<16xf32>
        %mul3A_386 = vector.broadcast %squeeze3A_366 : f32 to vector<16xf32>
        %mul3A_387 = arith.mulf %get3A_385, %mul3A_386 : vector<16xf32>
        %swap3A_388 = arith.index_cast %add3A_370 : i32 to index
        %swap3A_389 = arith.constant 16 : index
        %swap3A_390 = tpu.vector_load %arg13[%swap3A_388, %swap3A_389] {strides = array<i32>} : memref<64x64xf32, #tpu.memory_space<vmem>>, vector<1x16xf32>,
        %swap3A_391 = vector.shape_cast %swap3A_390 : vector<1x16xf32> to vector<16xf32>
        %swap3A_392 = vector.shape_cast %mul3A_387 : vector<16xf32> to vector<1x16xf32>
        tpu.vector_store %arg13[%swap3A_388, %swap3A_389], %swap3A_392 {strides = array<i32>} : memref<64x64xf32, #tpu.memory_space<vmem>>, vector<1x16xf32>,
        %get3A_393 = arith.index_cast %add3A_370 : i32 to index
        %get3A_394 = arith.constant 32 : index
        %get3A_395 = tpu.vector_load %arg13[%get3A_393, %get3A_394] {strides = array<i32>} : memref<64x64xf32, #tpu.memory_space<vmem>>, vector<1x16xf32>,
        %get3A_396 = vector.shape_cast %get3A_395 : vector<1x16xf32> to vector<16xf32>
        %mul3A_397 = vector.broadcast %squeeze3A_366 : f32 to vector<16xf32>
        %mul3A_398 = arith.mulf %get3A_396, %mul3A_397 : vector<16xf32>
        %swap3A_399 = arith.index_cast %add3A_370 : i32 to index
        %swap3A_400 = arith.constant 32 : index
        %swap3A_401 = tpu.vector_load %arg13[%swap3A_399, %swap3A_400] {strides = array<i32>} : memref<64x64xf32, #tpu.memory_space<vmem>>, vector<1x16xf32>,
        %swap3A_402 = vector.shape_cast %swap3A_401 : vector<1x16xf32> to vector<16xf32>
        %swap3A_403 = vector.shape_cast %mul3A_398 : vector<16xf32> to vector<1x16xf32>
        tpu.vector_store %arg13[%swap3A_399, %swap3A_400], %swap3A_403 {strides = array<i32>} : memref<64x64xf32, #tpu.memory_space<vmem>>, vector<1x16xf32>,
        %get3A_404 = arith.index_cast %add3A_370 : i32 to index
        %get3A_405 = arith.constant 48 : index
        %get3A_406 = tpu.vector_load %arg13[%get3A_404, %get3A_405] {strides = array<i32>} : memref<64x64xf32, #tpu.memory_space<vmem>>, vector<1x16xf32>,
        %get3A_407 = vector.shape_cast %get3A_406 : vector<1x16xf32> to vector<16xf32>
        %mul3A_408 = vector.broadcast %squeeze3A_366 : f32 to vector<16xf32>
        %mul3A_409 = arith.mulf %get3A_407, %mul3A_408 : vector<16xf32>
        %swap3A_410 = arith.index_cast %add3A_370 : i32 to index
        %swap3A_411 = arith.constant 48 : index
        %swap3A_412 = tpu.vector_load %arg13[%swap3A_410, %swap3A_411] {strides = array<i32>} : memref<64x64xf32, #tpu.memory_space<vmem>>, vector<1x16xf32>,
        %swap3A_413 = vector.shape_cast %swap3A_412 : vector<1x16xf32> to vector<16xf32>
        %swap3A_414 = vector.shape_cast %mul3A_409 : vector<16xf32> to vector<1x16xf32>
        tpu.vector_store %arg13[%swap3A_410, %swap3A_411], %swap3A_414 {strides = array<i32>} : memref<64x64xf32, #tpu.memory_space<vmem>>, vector<1x16xf32>,
        %slice3A_415 = vector.extract_strided_slice %div3A_267 {offsets = [3], sizes = [1], strides = [1]} : vector<16xf32> to vector<1xf32>
        %squeeze3A_416 = vector.extract %slice3A_415[0] : f32 from vector<1xf32>
        %mul3A_417 = arith.constant 16 : i32
        %mul3A_418 = arith.muli %mul3A_417, %scan3A_258 : i32
        %add3A_419 = arith.constant 3 : i32
        %add3A_420 = arith.addi %mul3A_418, %add3A_419 : i32
        %get3A_421 = arith.index_cast %add3A_420 : i32 to index
        %get3A_422 = arith.constant 0 : index
        %get3A_423 = tpu.vector_load %arg13[%get3A_421, %get3A_422] {strides = array<i32>} : memref<64x64xf32, #tpu.memory_space<vmem>>, vector<1x16xf32>,
        %get3A_424 = vector.shape_cast %get3A_423 : vector<1x16xf32> to vector<16xf32>
        %mul3A_425 = vector.broadcast %squeeze3A_416 : f32 to vector<16xf32>
        %mul3A_426 = arith.mulf %get3A_424, %mul3A_425 : vector<16xf32>
        %swap3A_427 = arith.index_cast %add3A_420 : i32 to index
        %swap3A_428 = arith.constant 0 : index
        %swap3A_429 = tpu.vector_load %arg13[%swap3A_427, %swap3A_428] {strides = array<i32>} : memref<64x64xf32, #tpu.memory_space<vmem>>, vector<1x16xf32>,
        %swap3A_430 = vector.shape_cast %swap3A_429 : vector<1x16xf32> to vector<16xf32>
        %swap3A_431 = vector.shape_cast %mul3A_426 : vector<16xf32> to vector<1x16xf32>
        tpu.vector_store %arg13[%swap3A_427, %swap3A_428], %swap3A_431 {strides = array<i32>} : memref<64x64xf32, #tpu.memory_space<vmem>>, vector<1x16xf32>,
        %get3A_432 = arith.index_cast %add3A_420 : i32 to index
        %get3A_433 = arith.constant 16 : index
        %get3A_434 = tpu.vector_load %arg13[%get3A_432, %get3A_433] {strides = array<i32>} : memref<64x64xf32, #tpu.memory_space<vmem>>, vector<1x16xf32>,
        %get3A_435 = vector.shape_cast %get3A_434 : vector<1x16xf32> to vector<16xf32>
        %mul3A_436 = vector.broadcast %squeeze3A_416 : f32 to vector<16xf32>
        %mul3A_437 = arith.mulf %get3A_435, %mul3A_436 : vector<16xf32>
        %swap3A_438 = arith.index_cast %add3A_420 : i32 to index
        %swap3A_439 = arith.constant 16 : index
        %swap3A_440 = tpu.vector_load %arg13[%swap3A_438, %swap3A_439] {strides = array<i32>} : memref<64x64xf32, #tpu.memory_space<vmem>>, vector<1x16xf32>,
        %swap3A_441 = vector.shape_cast %swap3A_440 : vector<1x16xf32> to vector<16xf32>
        %swap3A_442 = vector.shape_cast %mul3A_437 : vector<16xf32> to vector<1x16xf32>
        tpu.vector_store %arg13[%swap3A_438, %swap3A_439], %swap3A_442 {strides = array<i32>} : memref<64x64xf32, #tpu.memory_space<vmem>>, vector<1x16xf32>,
        %get3A_443 = arith.index_cast %add3A_420 : i32 to index
        %get3A_444 = arith.constant 32 : index
        %get3A_445 = tpu.vector_load %arg13[%get3A_443, %get3A_444] {strides = array<i32>} : memref<64x64xf32, #tpu.memory_space<vmem>>, vector<1x16xf32>,
        %get3A_446 = vector.shape_cast %get3A_445 : vector<1x16xf32> to vector<16xf32>
        %mul3A_447 = vector.broadcast %squeeze3A_416 : f32 to vector<16xf32>
        %mul3A_448 = arith.mulf %get3A_446, %mul3A_447 : vector<16xf32>
        %swap3A_449 = arith.index_cast %add3A_420 : i32 to index
        %swap3A_450 = arith.constant 32 : index
        %swap3A_451 = tpu.vector_load %arg13[%swap3A_449, %swap3A_450] {strides = array<i32>} : memref<64x64xf32, #tpu.memory_space<vmem>>, vector<1x16xf32>,
        %swap3A_452 = vector.shape_cast %swap3A_451 : vector<1x16xf32> to vector<16xf32>
        %swap3A_453 = vector.shape_cast %mul3A_448 : vector<16xf32> to vector<1x16xf32>
        tpu.vector_store %arg13[%swap3A_449, %swap3A_450], %swap3A_453 {strides = array<i32>} : memref<64x64xf32, #tpu.memory_space<vmem>>, vector<1x16xf32>,
        %get3A_454 = arith.index_cast %add3A_420 : i32 to index
        %get3A_455 = arith.constant 48 : index
        %get3A_456 = tpu.vector_load %arg13[%get3A_454, %get3A_455] {strides = array<i32>} : memref<64x64xf32, #tpu.memory_space<vmem>>, vector<1x16xf32>,
        %get3A_457 = vector.shape_cast %get3A_456 : vector<1x16xf32> to vector<16xf32>
        %mul3A_458 = vector.broadcast %squeeze3A_416 : f32 to vector<16xf32>
        %mul3A_459 = arith.mulf %get3A_457, %mul3A_458 : vector<16xf32>
        %swap3A_460 = arith.index_cast %add3A_420 : i32 to index
        %swap3A_461 = arith.constant 48 : index
        %swap3A_462 = tpu.vector_load %arg13[%swap3A_460, %swap3A_461] {strides = array<i32>} : memref<64x64xf32, #tpu.memory_space<vmem>>, vector<1x16xf32>,
        %swap3A_463 = vector.shape_cast %swap3A_462 : vector<1x16xf32> to vector<16xf32>
        %swap3A_464 = vector.shape_cast %mul3A_459 : vector<16xf32> to vector<1x16xf32>
        tpu.vector_store %arg13[%swap3A_460, %swap3A_461], %swap3A_464 {strides = array<i32>} : memref<64x64xf32, #tpu.memory_space<vmem>>, vector<1x16xf32>,
        %slice3A_465 = vector.extract_strided_slice %div3A_267 {offsets = [4], sizes = [1], strides = [1]} : vector<16xf32> to vector<1xf32>
        %squeeze3A_466 = vector.extract %slice3A_465[0] : f32 from vector<1xf32>
        %mul3A_467 = arith.constant 16 : i32
        %mul3A_468 = arith.muli %mul3A_467, %scan3A_258 : i32
        %add3A_469 = arith.constant 4 : i32
        %add3A_470 = arith.addi %mul3A_468, %add3A_469 : i32
        %get3A_471 = arith.index_cast %add3A_470 : i32 to index
        %get3A_472 = arith.constant 0 : index
        %get3A_473 = tpu.vector_load %arg13[%get3A_471, %get3A_472] {strides = array<i32>} : memref<64x64xf32, #tpu.memory_space<vmem>>, vector<1x16xf32>,
        %get3A_474 = vector.shape_cast %get3A_473 : vector<1x16xf32> to vector<16xf32>
        %mul3A_475 = vector.broadcast %squeeze3A_466 : f32 to vector<16xf32>
        %mul3A_476 = arith.mulf %get3A_474, %mul3A_475 : vector<16xf32>
        %swap3A_477 = arith.index_cast %add3A_470 : i32 to index
        %swap3A_478 = arith.constant 0 : index
        %swap3A_479 = tpu.vector_load %arg13[%swap3A_477, %swap3A_478] {strides = array<i32>} : memref<64x64xf32, #tpu.memory_space<vmem>>, vector<1x16xf32>,
        %swap3A_480 = vector.shape_cast %swap3A_479 : vector<1x16xf32> to vector<16xf32>
        %swap3A_481 = vector.shape_cast %mul3A_476 : vector<16xf32> to vector<1x16xf32>
        tpu.vector_store %arg13[%swap3A_477, %swap3A_478], %swap3A_481 {strides = array<i32>} : memref<64x64xf32, #tpu.memory_space<vmem>>, vector<1x16xf32>,
        %get3A_482 = arith.index_cast %add3A_470 : i32 to index
        %get3A_483 = arith.constant 16 : index
        %get3A_484 = tpu.vector_load %arg13[%get3A_482, %get3A_483] {strides = array<i32>} : memref<64x64xf32, #tpu.memory_space<vmem>>, vector<1x16xf32>,
        %get3A_485 = vector.shape_cast %get3A_484 : vector<1x16xf32> to vector<16xf32>
        %mul3A_486 = vector.broadcast %squeeze3A_466 : f32 to vector<16xf32>
        %mul3A_487 = arith.mulf %get3A_485, %mul3A_486 : vector<16xf32>
        %swap3A_488 = arith.index_cast %add3A_470 : i32 to index
        %swap3A_489 = arith.constant 16 : index
        %swap3A_490 = tpu.vector_load %arg13[%swap3A_488, %swap3A_489] {strides = array<i32>} : memref<64x64xf32, #tpu.memory_space<vmem>>, vector<1x16xf32>,
        %swap3A_491 = vector.shape_cast %swap3A_490 : vector<1x16xf32> to vector<16xf32>
        %swap3A_492 = vector.shape_cast %mul3A_487 : vector<16xf32> to vector<1x16xf32>
        tpu.vector_store %arg13[%swap3A_488, %swap3A_489], %swap3A_492 {strides = array<i32>} : memref<64x64xf32, #tpu.memory_space<vmem>>, vector<1x16xf32>,
        %get3A_493 = arith.index_cast %add3A_470 : i32 to index
        %get3A_494 = arith.constant 32 : index
        %get3A_495 = tpu.vector_load %arg13[%get3A_493, %get3A_494] {strides = array<i32>} : memref<64x64xf32, #tpu.memory_space<vmem>>, vector<1x16xf32>,
        %get3A_496 = vector.shape_cast %get3A_495 : vector<1x16xf32> to vector<16xf32>
        %mul3A_497 = vector.broadcast %squeeze3A_466 : f32 to vector<16xf32>
        %mul3A_498 = arith.mulf %get3A_496, %mul3A_497 : vector<16xf32>
        %swap3A_499 = arith.index_cast %add3A_470 : i32 to index
        %swap3A_500 = arith.constant 32 : index
        %swap3A_501 = tpu.vector_load %arg13[%swap3A_499, %swap3A_500] {strides = array<i32>} : memref<64x64xf32, #tpu.memory_space<vmem>>, vector<1x16xf32>,
        %swap3A_502 = vector.shape_cast %swap3A_501 : vector<1x16xf32> to vector<16xf32>
        %swap3A_503 = vector.shape_cast %mul3A_498 : vector<16xf32> to vector<1x16xf32>
        tpu.vector_store %arg13[%swap3A_499, %swap3A_500], %swap3A_503 {strides = array<i32>} : memref<64x64xf32, #tpu.memory_space<vmem>>, vector<1x16xf32>,
        %get3A_504 = arith.index_cast %add3A_470 : i32 to index
        %get3A_505 = arith.constant 48 : index
        %get3A_506 = tpu.vector_load %arg13[%get3A_504, %get3A_505] {strides = array<i32>} : memref<64x64xf32, #tpu.memory_space<vmem>>, vector<1x16xf32>,
        %get3A_507 = vector.shape_cast %get3A_506 : vector<1x16xf32> to vector<16xf32>
        %mul3A_508 = vector.broadcast %squeeze3A_466 : f32 to vector<16xf32>
        %mul3A_509 = arith.mulf %get3A_507, %mul3A_508 : vector<16xf32>
        %swap3A_510 = arith.index_cast %add3A_470 : i32 to index
        %swap3A_511 = arith.constant 48 : index
        %swap3A_512 = tpu.vector_load %arg13[%swap3A_510, %swap3A_511] {strides = array<i32>} : memref<64x64xf32, #tpu.memory_space<vmem>>, vector<1x16xf32>,
        %swap3A_513 = vector.shape_cast %swap3A_512 : vector<1x16xf32> to vector<16xf32>
        %swap3A_514 = vector.shape_cast %mul3A_509 : vector<16xf32> to vector<1x16xf32>
        tpu.vector_store %arg13[%swap3A_510, %swap3A_511], %swap3A_514 {strides = array<i32>} : memref<64x64xf32, #tpu.memory_space<vmem>>, vector<1x16xf32>,
        %slice3A_515 = vector.extract_strided_slice %div3A_267 {offsets = [5], sizes = [1], strides = [1]} : vector<16xf32> to vector<1xf32>
        %squeeze3A_516 = vector.extract %slice3A_515[0] : f32 from vector<1xf32>
        %mul3A_517 = arith.constant 16 : i32
        %mul3A_518 = arith.muli %mul3A_517, %scan3A_258 : i32
        %add3A_519 = arith.constant 5 : i32
        %add3A_520 = arith.addi %mul3A_518, %add3A_519 : i32
        %get3A_521 = arith.index_cast %add3A_520 : i32 to index
        %get3A_522 = arith.constant 0 : index
        %get3A_523 = tpu.vector_load %arg13[%get3A_521, %get3A_522] {strides = array<i32>} : memref<64x64xf32, #tpu.memory_space<vmem>>, vector<1x16xf32>,
        %get3A_524 = vector.shape_cast %get3A_523 : vector<1x16xf32> to vector<16xf32>
        %mul3A_525 = vector.broadcast %squeeze3A_516 : f32 to vector<16xf32>
        %mul3A_526 = arith.mulf %get3A_524, %mul3A_525 : vector<16xf32>
        %swap3A_527 = arith.index_cast %add3A_520 : i32 to index
        %swap3A_528 = arith.constant 0 : index
        %swap3A_529 = tpu.vector_load %arg13[%swap3A_527, %swap3A_528] {strides = array<i32>} : memref<64x64xf32, #tpu.memory_space<vmem>>, vector<1x16xf32>,
        %swap3A_530 = vector.shape_cast %swap3A_529 : vector<1x16xf32> to vector<16xf32>
        %swap3A_531 = vector.shape_cast %mul3A_526 : vector<16xf32> to vector<1x16xf32>
        tpu.vector_store %arg13[%swap3A_527, %swap3A_528], %swap3A_531 {strides = array<i32>} : memref<64x64xf32, #tpu.memory_space<vmem>>, vector<1x16xf32>,
        %get3A_532 = arith.index_cast %add3A_520 : i32 to index
        %get3A_533 = arith.constant 16 : index
        %get3A_534 = tpu.vector_load %arg13[%get3A_532, %get3A_533] {strides = array<i32>} : memref<64x64xf32, #tpu.memory_space<vmem>>, vector<1x16xf32>,
        %get3A_535 = vector.shape_cast %get3A_534 : vector<1x16xf32> to vector<16xf32>
        %mul3A_536 = vector.broadcast %squeeze3A_516 : f32 to vector<16xf32>
        %mul3A_537 = arith.mulf %get3A_535, %mul3A_536 : vector<16xf32>
        %swap3A_538 = arith.index_cast %add3A_520 : i32 to index
        %swap3A_539 = arith.constant 16 : index
        %swap3A_540 = tpu.vector_load %arg13[%swap3A_538, %swap3A_539] {strides = array<i32>} : memref<64x64xf32, #tpu.memory_space<vmem>>, vector<1x16xf32>,
        %swap3A_541 = vector.shape_cast %swap3A_540 : vector<1x16xf32> to vector<16xf32>
        %swap3A_542 = vector.shape_cast %mul3A_537 : vector<16xf32> to vector<1x16xf32>
        tpu.vector_store %arg13[%swap3A_538, %swap3A_539], %swap3A_542 {strides = array<i32>} : memref<64x64xf32, #tpu.memory_space<vmem>>, vector<1x16xf32>,
        %get3A_543 = arith.index_cast %add3A_520 : i32 to index
        %get3A_544 = arith.constant 32 : index
        %get3A_545 = tpu.vector_load %arg13[%get3A_543, %get3A_544] {strides = array<i32>} : memref<64x64xf32, #tpu.memory_space<vmem>>, vector<1x16xf32>,
        %get3A_546 = vector.shape_cast %get3A_545 : vector<1x16xf32> to vector<16xf32>
        %mul3A_547 = vector.broadcast %squeeze3A_516 : f32 to vector<16xf32>
        %mul3A_548 = arith.mulf %get3A_546, %mul3A_547 : vector<16xf32>
        %swap3A_549 = arith.index_cast %add3A_520 : i32 to index
        %swap3A_550 = arith.constant 32 : index
        %swap3A_551 = tpu.vector_load %arg13[%swap3A_549, %swap3A_550] {strides = array<i32>} : memref<64x64xf32, #tpu.memory_space<vmem>>, vector<1x16xf32>,
        %swap3A_552 = vector.shape_cast %swap3A_551 : vector<1x16xf32> to vector<16xf32>
        %swap3A_553 = vector.shape_cast %mul3A_548 : vector<16xf32> to vector<1x16xf32>
        tpu.vector_store %arg13[%swap3A_549, %swap3A_550], %swap3A_553 {strides = array<i32>} : memref<64x64xf32, #tpu.memory_space<vmem>>, vector<1x16xf32>,
        %get3A_554 = arith.index_cast %add3A_520 : i32 to index
        %get3A_555 = arith.constant 48 : index
        %get3A_556 = tpu.vector_load %arg13[%get3A_554, %get3A_555] {strides = array<i32>} : memref<64x64xf32, #tpu.memory_space<vmem>>, vector<1x16xf32>,
        %get3A_557 = vector.shape_cast %get3A_556 : vector<1x16xf32> to vector<16xf32>
        %mul3A_558 = vector.broadcast %squeeze3A_516 : f32 to vector<16xf32>
        %mul3A_559 = arith.mulf %get3A_557, %mul3A_558 : vector<16xf32>
        %swap3A_560 = arith.index_cast %add3A_520 : i32 to index
        %swap3A_561 = arith.constant 48 : index
        %swap3A_562 = tpu.vector_load %arg13[%swap3A_560, %swap3A_561] {strides = array<i32>} : memref<64x64xf32, #tpu.memory_space<vmem>>, vector<1x16xf32>,
        %swap3A_563 = vector.shape_cast %swap3A_562 : vector<1x16xf32> to vector<16xf32>
        %swap3A_564 = vector.shape_cast %mul3A_559 : vector<16xf32> to vector<1x16xf32>
        tpu.vector_store %arg13[%swap3A_560, %swap3A_561], %swap3A_564 {strides = array<i32>} : memref<64x64xf32, #tpu.memory_space<vmem>>, vector<1x16xf32>,
        %slice3A_565 = vector.extract_strided_slice %div3A_267 {offsets = [6], sizes = [1], strides = [1]} : vector<16xf32> to vector<1xf32>
        %squeeze3A_566 = vector.extract %slice3A_565[0] : f32 from vector<1xf32>
        %mul3A_567 = arith.constant 16 : i32
        %mul3A_568 = arith.muli %mul3A_567, %scan3A_258 : i32
        %add3A_569 = arith.constant 6 : i32
        %add3A_570 = arith.addi %mul3A_568, %add3A_569 : i32
        %get3A_571 = arith.index_cast %add3A_570 : i32 to index
        %get3A_572 = arith.constant 0 : index
        %get3A_573 = tpu.vector_load %arg13[%get3A_571, %get3A_572] {strides = array<i32>} : memref<64x64xf32, #tpu.memory_space<vmem>>, vector<1x16xf32>,
        %get3A_574 = vector.shape_cast %get3A_573 : vector<1x16xf32> to vector<16xf32>
        %mul3A_575 = vector.broadcast %squeeze3A_566 : f32 to vector<16xf32>
        %mul3A_576 = arith.mulf %get3A_574, %mul3A_575 : vector<16xf32>
        %swap3A_577 = arith.index_cast %add3A_570 : i32 to index
        %swap3A_578 = arith.constant 0 : index
        %swap3A_579 = tpu.vector_load %arg13[%swap3A_577, %swap3A_578] {strides = array<i32>} : memref<64x64xf32, #tpu.memory_space<vmem>>, vector<1x16xf32>,
        %swap3A_580 = vector.shape_cast %swap3A_579 : vector<1x16xf32> to vector<16xf32>
        %swap3A_581 = vector.shape_cast %mul3A_576 : vector<16xf32> to vector<1x16xf32>
        tpu.vector_store %arg13[%swap3A_577, %swap3A_578], %swap3A_581 {strides = array<i32>} : memref<64x64xf32, #tpu.memory_space<vmem>>, vector<1x16xf32>,
        %get3A_582 = arith.index_cast %add3A_570 : i32 to index
        %get3A_583 = arith.constant 16 : index
        %get3A_584 = tpu.vector_load %arg13[%get3A_582, %get3A_583] {strides = array<i32>} : memref<64x64xf32, #tpu.memory_space<vmem>>, vector<1x16xf32>,
        %get3A_585 = vector.shape_cast %get3A_584 : vector<1x16xf32> to vector<16xf32>
        %mul3A_586 = vector.broadcast %squeeze3A_566 : f32 to vector<16xf32>
        %mul3A_587 = arith.mulf %get3A_585, %mul3A_586 : vector<16xf32>
        %swap3A_588 = arith.index_cast %add3A_570 : i32 to index
        %swap3A_589 = arith.constant 16 : index
        %swap3A_590 = tpu.vector_load %arg13[%swap3A_588, %swap3A_589] {strides = array<i32>} : memref<64x64xf32, #tpu.memory_space<vmem>>, vector<1x16xf32>,
        %swap3A_591 = vector.shape_cast %swap3A_590 : vector<1x16xf32> to vector<16xf32>
        %swap3A_592 = vector.shape_cast %mul3A_587 : vector<16xf32> to vector<1x16xf32>
        tpu.vector_store %arg13[%swap3A_588, %swap3A_589], %swap3A_592 {strides = array<i32>} : memref<64x64xf32, #tpu.memory_space<vmem>>, vector<1x16xf32>,
        %get3A_593 = arith.index_cast %add3A_570 : i32 to index
        %get3A_594 = arith.constant 32 : index
        %get3A_595 = tpu.vector_load %arg13[%get3A_593, %get3A_594] {strides = array<i32>} : memref<64x64xf32, #tpu.memory_space<vmem>>, vector<1x16xf32>,
        %get3A_596 = vector.shape_cast %get3A_595 : vector<1x16xf32> to vector<16xf32>
        %mul3A_597 = vector.broadcast %squeeze3A_566 : f32 to vector<16xf32>
        %mul3A_598 = arith.mulf %get3A_596, %mul3A_597 : vector<16xf32>
        %swap3A_599 = arith.index_cast %add3A_570 : i32 to index
        %swap3A_600 = arith.constant 32 : index
        %swap3A_601 = tpu.vector_load %arg13[%swap3A_599, %swap3A_600] {strides = array<i32>} : memref<64x64xf32, #tpu.memory_space<vmem>>, vector<1x16xf32>,
        %swap3A_602 = vector.shape_cast %swap3A_601 : vector<1x16xf32> to vector<16xf32>
        %swap3A_603 = vector.shape_cast %mul3A_598 : vector<16xf32> to vector<1x16xf32>
        tpu.vector_store %arg13[%swap3A_599, %swap3A_600], %swap3A_603 {strides = array<i32>} : memref<64x64xf32, #tpu.memory_space<vmem>>, vector<1x16xf32>,
        %get3A_604 = arith.index_cast %add3A_570 : i32 to index
        %get3A_605 = arith.constant 48 : index
        %get3A_606 = tpu.vector_load %arg13[%get3A_604, %get3A_605] {strides = array<i32>} : memref<64x64xf32, #tpu.memory_space<vmem>>, vector<1x16xf32>,
        %get3A_607 = vector.shape_cast %get3A_606 : vector<1x16xf32> to vector<16xf32>
        %mul3A_608 = vector.broadcast %squeeze3A_566 : f32 to vector<16xf32>
        %mul3A_609 = arith.mulf %get3A_607, %mul3A_608 : vector<16xf32>
        %swap3A_610 = arith.index_cast %add3A_570 : i32 to index
        %swap3A_611 = arith.constant 48 : index
        %swap3A_612 = tpu.vector_load %arg13[%swap3A_610, %swap3A_611] {strides = array<i32>} : memref<64x64xf32, #tpu.memory_space<vmem>>, vector<1x16xf32>,
        %swap3A_613 = vector.shape_cast %swap3A_612 : vector<1x16xf32> to vector<16xf32>
        %swap3A_614 = vector.shape_cast %mul3A_609 : vector<16xf32> to vector<1x16xf32>
        tpu.vector_store %arg13[%swap3A_610, %swap3A_611], %swap3A_614 {strides = array<i32>} : memref<64x64xf32, #tpu.memory_space<vmem>>, vector<1x16xf32>,
        %slice3A_615 = vector.extract_strided_slice %div3A_267 {offsets = [7], sizes = [1], strides = [1]} : vector<16xf32> to vector<1xf32>
        %squeeze3A_616 = vector.extract %slice3A_615[0] : f32 from vector<1xf32>
        %mul3A_617 = arith.constant 16 : i32
        %mul3A_618 = arith.muli %mul3A_617, %scan3A_258 : i32
        %add3A_619 = arith.constant 7 : i32
        %add3A_620 = arith.addi %mul3A_618, %add3A_619 : i32
        %get3A_621 = arith.index_cast %add3A_620 : i32 to index
        %get3A_622 = arith.constant 0 : index
        %get3A_623 = tpu.vector_load %arg13[%get3A_621, %get3A_622] {strides = array<i32>} : memref<64x64xf32, #tpu.memory_space<vmem>>, vector<1x16xf32>,
        %get3A_624 = vector.shape_cast %get3A_623 : vector<1x16xf32> to vector<16xf32>
        %mul3A_625 = vector.broadcast %squeeze3A_616 : f32 to vector<16xf32>
        %mul3A_626 = arith.mulf %get3A_624, %mul3A_625 : vector<16xf32>
        %swap3A_627 = arith.index_cast %add3A_620 : i32 to index
        %swap3A_628 = arith.constant 0 : index
        %swap3A_629 = tpu.vector_load %arg13[%swap3A_627, %swap3A_628] {strides = array<i32>} : memref<64x64xf32, #tpu.memory_space<vmem>>, vector<1x16xf32>,
        %swap3A_630 = vector.shape_cast %swap3A_629 : vector<1x16xf32> to vector<16xf32>
        %swap3A_631 = vector.shape_cast %mul3A_626 : vector<16xf32> to vector<1x16xf32>
        tpu.vector_store %arg13[%swap3A_627, %swap3A_628], %swap3A_631 {strides = array<i32>} : memref<64x64xf32, #tpu.memory_space<vmem>>, vector<1x16xf32>,
        %get3A_632 = arith.index_cast %add3A_620 : i32 to index
        %get3A_633 = arith.constant 16 : index
        %get3A_634 = tpu.vector_load %arg13[%get3A_632, %get3A_633] {strides = array<i32>} : memref<64x64xf32, #tpu.memory_space<vmem>>, vector<1x16xf32>,
        %get3A_635 = vector.shape_cast %get3A_634 : vector<1x16xf32> to vector<16xf32>
        %mul3A_636 = vector.broadcast %squeeze3A_616 : f32 to vector<16xf32>
        %mul3A_637 = arith.mulf %get3A_635, %mul3A_636 : vector<16xf32>
        %swap3A_638 = arith.index_cast %add3A_620 : i32 to index
        %swap3A_639 = arith.constant 16 : index
        %swap3A_640 = tpu.vector_load %arg13[%swap3A_638, %swap3A_639] {strides = array<i32>} : memref<64x64xf32, #tpu.memory_space<vmem>>, vector<1x16xf32>,
        %swap3A_641 = vector.shape_cast %swap3A_640 : vector<1x16xf32> to vector<16xf32>
        %swap3A_642 = vector.shape_cast %mul3A_637 : vector<16xf32> to vector<1x16xf32>
        tpu.vector_store %arg13[%swap3A_638, %swap3A_639], %swap3A_642 {strides = array<i32>} : memref<64x64xf32, #tpu.memory_space<vmem>>, vector<1x16xf32>,
        %get3A_643 = arith.index_cast %add3A_620 : i32 to index
        %get3A_644 = arith.constant 32 : index
        %get3A_645 = tpu.vector_load %arg13[%get3A_643, %get3A_644] {strides = array<i32>} : memref<64x64xf32, #tpu.memory_space<vmem>>, vector<1x16xf32>,
        %get3A_646 = vector.shape_cast %get3A_645 : vector<1x16xf32> to vector<16xf32>
        %mul3A_647 = vector.broadcast %squeeze3A_616 : f32 to vector<16xf32>
        %mul3A_648 = arith.mulf %get3A_646, %mul3A_647 : vector<16xf32>
        %swap3A_649 = arith.index_cast %add3A_620 : i32 to index
        %swap3A_650 = arith.constant 32 : index
        %swap3A_651 = tpu.vector_load %arg13[%swap3A_649, %swap3A_650] {strides = array<i32>} : memref<64x64xf32, #tpu.memory_space<vmem>>, vector<1x16xf32>,
        %swap3A_652 = vector.shape_cast %swap3A_651 : vector<1x16xf32> to vector<16xf32>
        %swap3A_653 = vector.shape_cast %mul3A_648 : vector<16xf32> to vector<1x16xf32>
        tpu.vector_store %arg13[%swap3A_649, %swap3A_650], %swap3A_653 {strides = array<i32>} : memref<64x64xf32, #tpu.memory_space<vmem>>, vector<1x16xf32>,
        %get3A_654 = arith.index_cast %add3A_620 : i32 to index
        %get3A_655 = arith.constant 48 : index
        %get3A_656 = tpu.vector_load %arg13[%get3A_654, %get3A_655] {strides = array<i32>} : memref<64x64xf32, #tpu.memory_space<vmem>>, vector<1x16xf32>,
        %get3A_657 = vector.shape_cast %get3A_656 : vector<1x16xf32> to vector<16xf32>
        %mul3A_658 = vector.broadcast %squeeze3A_616 : f32 to vector<16xf32>
        %mul3A_659 = arith.mulf %get3A_657, %mul3A_658 : vector<16xf32>
        %swap3A_660 = arith.index_cast %add3A_620 : i32 to index
        %swap3A_661 = arith.constant 48 : index
        %swap3A_662 = tpu.vector_load %arg13[%swap3A_660, %swap3A_661] {strides = array<i32>} : memref<64x64xf32, #tpu.memory_space<vmem>>, vector<1x16xf32>,
        %swap3A_663 = vector.shape_cast %swap3A_662 : vector<1x16xf32> to vector<16xf32>
        %swap3A_664 = vector.shape_cast %mul3A_659 : vector<16xf32> to vector<1x16xf32>
        tpu.vector_store %arg13[%swap3A_660, %swap3A_661], %swap3A_664 {strides = array<i32>} : memref<64x64xf32, #tpu.memory_space<vmem>>, vector<1x16xf32>,
        %slice3A_665 = vector.extract_strided_slice %div3A_267 {offsets = [8], sizes = [1], strides = [1]} : vector<16xf32> to vector<1xf32>
        %squeeze3A_666 = vector.extract %slice3A_665[0] : f32 from vector<1xf32>
        %mul3A_667 = arith.constant 16 : i32
        %mul3A_668 = arith.muli %mul3A_667, %scan3A_258 : i32
        %add3A_669 = arith.constant 8 : i32
        %add3A_670 = arith.addi %mul3A_668, %add3A_669 : i32
        %get3A_671 = arith.index_cast %add3A_670 : i32 to index
        %get3A_672 = arith.constant 0 : index
        %get3A_673 = tpu.vector_load %arg13[%get3A_671, %get3A_672] {strides = array<i32>} : memref<64x64xf32, #tpu.memory_space<vmem>>, vector<1x16xf32>,
        %get3A_674 = vector.shape_cast %get3A_673 : vector<1x16xf32> to vector<16xf32>
        %mul3A_675 = vector.broadcast %squeeze3A_666 : f32 to vector<16xf32>
        %mul3A_676 = arith.mulf %get3A_674, %mul3A_675 : vector<16xf32>
        %swap3A_677 = arith.index_cast %add3A_670 : i32 to index
        %swap3A_678 = arith.constant 0 : index
        %swap3A_679 = tpu.vector_load %arg13[%swap3A_677, %swap3A_678] {strides = array<i32>} : memref<64x64xf32, #tpu.memory_space<vmem>>, vector<1x16xf32>,
        %swap3A_680 = vector.shape_cast %swap3A_679 : vector<1x16xf32> to vector<16xf32>
        %swap3A_681 = vector.shape_cast %mul3A_676 : vector<16xf32> to vector<1x16xf32>
        tpu.vector_store %arg13[%swap3A_677, %swap3A_678], %swap3A_681 {strides = array<i32>} : memref<64x64xf32, #tpu.memory_space<vmem>>, vector<1x16xf32>,
        %get3A_682 = arith.index_cast %add3A_670 : i32 to index
        %get3A_683 = arith.constant 16 : index
        %get3A_684 = tpu.vector_load %arg13[%get3A_682, %get3A_683] {strides = array<i32>} : memref<64x64xf32, #tpu.memory_space<vmem>>, vector<1x16xf32>,
        %get3A_685 = vector.shape_cast %get3A_684 : vector<1x16xf32> to vector<16xf32>
        %mul3A_686 = vector.broadcast %squeeze3A_666 : f32 to vector<16xf32>
        %mul3A_687 = arith.mulf %get3A_685, %mul3A_686 : vector<16xf32>
        %swap3A_688 = arith.index_cast %add3A_670 : i32 to index
        %swap3A_689 = arith.constant 16 : index
        %swap3A_690 = tpu.vector_load %arg13[%swap3A_688, %swap3A_689] {strides = array<i32>} : memref<64x64xf32, #tpu.memory_space<vmem>>, vector<1x16xf32>,
        %swap3A_691 = vector.shape_cast %swap3A_690 : vector<1x16xf32> to vector<16xf32>
        %swap3A_692 = vector.shape_cast %mul3A_687 : vector<16xf32> to vector<1x16xf32>
        tpu.vector_store %arg13[%swap3A_688, %swap3A_689], %swap3A_692 {strides = array<i32>} : memref<64x64xf32, #tpu.memory_space<vmem>>, vector<1x16xf32>,
        %get3A_693 = arith.index_cast %add3A_670 : i32 to index
        %get3A_694 = arith.constant 32 : index
        %get3A_695 = tpu.vector_load %arg13[%get3A_693, %get3A_694] {strides = array<i32>} : memref<64x64xf32, #tpu.memory_space<vmem>>, vector<1x16xf32>,
        %get3A_696 = vector.shape_cast %get3A_695 : vector<1x16xf32> to vector<16xf32>
        %mul3A_697 = vector.broadcast %squeeze3A_666 : f32 to vector<16xf32>
        %mul3A_698 = arith.mulf %get3A_696, %mul3A_697 : vector<16xf32>
        %swap3A_699 = arith.index_cast %add3A_670 : i32 to index
        %swap3A_700 = arith.constant 32 : index
        %swap3A_701 = tpu.vector_load %arg13[%swap3A_699, %swap3A_700] {strides = array<i32>} : memref<64x64xf32, #tpu.memory_space<vmem>>, vector<1x16xf32>,
        %swap3A_702 = vector.shape_cast %swap3A_701 : vector<1x16xf32> to vector<16xf32>
        %swap3A_703 = vector.shape_cast %mul3A_698 : vector<16xf32> to vector<1x16xf32>
        tpu.vector_store %arg13[%swap3A_699, %swap3A_700], %swap3A_703 {strides = array<i32>} : memref<64x64xf32, #tpu.memory_space<vmem>>, vector<1x16xf32>,
        %get3A_704 = arith.index_cast %add3A_670 : i32 to index
        %get3A_705 = arith.constant 48 : index
        %get3A_706 = tpu.vector_load %arg13[%get3A_704, %get3A_705] {strides = array<i32>} : memref<64x64xf32, #tpu.memory_space<vmem>>, vector<1x16xf32>,
        %get3A_707 = vector.shape_cast %get3A_706 : vector<1x16xf32> to vector<16xf32>
        %mul3A_708 = vector.broadcast %squeeze3A_666 : f32 to vector<16xf32>
        %mul3A_709 = arith.mulf %get3A_707, %mul3A_708 : vector<16xf32>
        %swap3A_710 = arith.index_cast %add3A_670 : i32 to index
        %swap3A_711 = arith.constant 48 : index
        %swap3A_712 = tpu.vector_load %arg13[%swap3A_710, %swap3A_711] {strides = array<i32>} : memref<64x64xf32, #tpu.memory_space<vmem>>, vector<1x16xf32>,
        %swap3A_713 = vector.shape_cast %swap3A_712 : vector<1x16xf32> to vector<16xf32>
        %swap3A_714 = vector.shape_cast %mul3A_709 : vector<16xf32> to vector<1x16xf32>
        tpu.vector_store %arg13[%swap3A_710, %swap3A_711], %swap3A_714 {strides = array<i32>} : memref<64x64xf32, #tpu.memory_space<vmem>>, vector<1x16xf32>,
        %slice3A_715 = vector.extract_strided_slice %div3A_267 {offsets = [9], sizes = [1], strides = [1]} : vector<16xf32> to vector<1xf32>
        %squeeze3A_716 = vector.extract %slice3A_715[0] : f32 from vector<1xf32>
        %mul3A_717 = arith.constant 16 : i32
        %mul3A_718 = arith.muli %mul3A_717, %scan3A_258 : i32
        %add3A_719 = arith.constant 9 : i32
        %add3A_720 = arith.addi %mul3A_718, %add3A_719 : i32
        %get3A_721 = arith.index_cast %add3A_720 : i32 to index
        %get3A_722 = arith.constant 0 : index
        %get3A_723 = tpu.vector_load %arg13[%get3A_721, %get3A_722] {strides = array<i32>} : memref<64x64xf32, #tpu.memory_space<vmem>>, vector<1x16xf32>,
        %get3A_724 = vector.shape_cast %get3A_723 : vector<1x16xf32> to vector<16xf32>
        %mul3A_725 = vector.broadcast %squeeze3A_716 : f32 to vector<16xf32>
        %mul3A_726 = arith.mulf %get3A_724, %mul3A_725 : vector<16xf32>
        %swap3A_727 = arith.index_cast %add3A_720 : i32 to index
        %swap3A_728 = arith.constant 0 : index
        %swap3A_729 = tpu.vector_load %arg13[%swap3A_727, %swap3A_728] {strides = array<i32>} : memref<64x64xf32, #tpu.memory_space<vmem>>, vector<1x16xf32>,
        %swap3A_730 = vector.shape_cast %swap3A_729 : vector<1x16xf32> to vector<16xf32>
        %swap3A_731 = vector.shape_cast %mul3A_726 : vector<16xf32> to vector<1x16xf32>
        tpu.vector_store %arg13[%swap3A_727, %swap3A_728], %swap3A_731 {strides = array<i32>} : memref<64x64xf32, #tpu.memory_space<vmem>>, vector<1x16xf32>,
        %get3A_732 = arith.index_cast %add3A_720 : i32 to index
        %get3A_733 = arith.constant 16 : index
        %get3A_734 = tpu.vector_load %arg13[%get3A_732, %get3A_733] {strides = array<i32>} : memref<64x64xf32, #tpu.memory_space<vmem>>, vector<1x16xf32>,
        %get3A_735 = vector.shape_cast %get3A_734 : vector<1x16xf32> to vector<16xf32>
        %mul3A_736 = vector.broadcast %squeeze3A_716 : f32 to vector<16xf32>
        %mul3A_737 = arith.mulf %get3A_735, %mul3A_736 : vector<16xf32>
        %swap3A_738 = arith.index_cast %add3A_720 : i32 to index
        %swap3A_739 = arith.constant 16 : index
        %swap3A_740 = tpu.vector_load %arg13[%swap3A_738, %swap3A_739] {strides = array<i32>} : memref<64x64xf32, #tpu.memory_space<vmem>>, vector<1x16xf32>,
        %swap3A_741 = vector.shape_cast %swap3A_740 : vector<1x16xf32> to vector<16xf32>
        %swap3A_742 = vector.shape_cast %mul3A_737 : vector<16xf32> to vector<1x16xf32>
        tpu.vector_store %arg13[%swap3A_738, %swap3A_739], %swap3A_742 {strides = array<i32>} : memref<64x64xf32, #tpu.memory_space<vmem>>, vector<1x16xf32>,
        %get3A_743 = arith.index_cast %add3A_720 : i32 to index
        %get3A_744 = arith.constant 32 : index
        %get3A_745 = tpu.vector_load %arg13[%get3A_743, %get3A_744] {strides = array<i32>} : memref<64x64xf32, #tpu.memory_space<vmem>>, vector<1x16xf32>,
        %get3A_746 = vector.shape_cast %get3A_745 : vector<1x16xf32> to vector<16xf32>
        %mul3A_747 = vector.broadcast %squeeze3A_716 : f32 to vector<16xf32>
        %mul3A_748 = arith.mulf %get3A_746, %mul3A_747 : vector<16xf32>
        %swap3A_749 = arith.index_cast %add3A_720 : i32 to index
        %swap3A_750 = arith.constant 32 : index
        %swap3A_751 = tpu.vector_load %arg13[%swap3A_749, %swap3A_750] {strides = array<i32>} : memref<64x64xf32, #tpu.memory_space<vmem>>, vector<1x16xf32>,
        %swap3A_752 = vector.shape_cast %swap3A_751 : vector<1x16xf32> to vector<16xf32>
        %swap3A_753 = vector.shape_cast %mul3A_748 : vector<16xf32> to vector<1x16xf32>
        tpu.vector_store %arg13[%swap3A_749, %swap3A_750], %swap3A_753 {strides = array<i32>} : memref<64x64xf32, #tpu.memory_space<vmem>>, vector<1x16xf32>,
        %get3A_754 = arith.index_cast %add3A_720 : i32 to index
        %get3A_755 = arith.constant 48 : index
        %get3A_756 = tpu.vector_load %arg13[%get3A_754, %get3A_755] {strides = array<i32>} : memref<64x64xf32, #tpu.memory_space<vmem>>, vector<1x16xf32>,
        %get3A_757 = vector.shape_cast %get3A_756 : vector<1x16xf32> to vector<16xf32>
        %mul3A_758 = vector.broadcast %squeeze3A_716 : f32 to vector<16xf32>
        %mul3A_759 = arith.mulf %get3A_757, %mul3A_758 : vector<16xf32>
        %swap3A_760 = arith.index_cast %add3A_720 : i32 to index
        %swap3A_761 = arith.constant 48 : index
        %swap3A_762 = tpu.vector_load %arg13[%swap3A_760, %swap3A_761] {strides = array<i32>} : memref<64x64xf32, #tpu.memory_space<vmem>>, vector<1x16xf32>,
        %swap3A_763 = vector.shape_cast %swap3A_762 : vector<1x16xf32> to vector<16xf32>
        %swap3A_764 = vector.shape_cast %mul3A_759 : vector<16xf32> to vector<1x16xf32>
        tpu.vector_store %arg13[%swap3A_760, %swap3A_761], %swap3A_764 {strides = array<i32>} : memref<64x64xf32, #tpu.memory_space<vmem>>, vector<1x16xf32>,
        %slice3A_765 = vector.extract_strided_slice %div3A_267 {offsets = [10], sizes = [1], strides = [1]} : vector<16xf32> to vector<1xf32>
        %squeeze3A_766 = vector.extract %slice3A_765[0] : f32 from vector<1xf32>
        %mul3A_767 = arith.constant 16 : i32
        %mul3A_768 = arith.muli %mul3A_767, %scan3A_258 : i32
        %add3A_769 = arith.constant 10 : i32
        %add3A_770 = arith.addi %mul3A_768, %add3A_769 : i32
        %get3A_771 = arith.index_cast %add3A_770 : i32 to index
        %get3A_772 = arith.constant 0 : index
        %get3A_773 = tpu.vector_load %arg13[%get3A_771, %get3A_772] {strides = array<i32>} : memref<64x64xf32, #tpu.memory_space<vmem>>, vector<1x16xf32>,
        %get3A_774 = vector.shape_cast %get3A_773 : vector<1x16xf32> to vector<16xf32>
        %mul3A_775 = vector.broadcast %squeeze3A_766 : f32 to vector<16xf32>
        %mul3A_776 = arith.mulf %get3A_774, %mul3A_775 : vector<16xf32>
        %swap3A_777 = arith.index_cast %add3A_770 : i32 to index
        %swap3A_778 = arith.constant 0 : index
        %swap3A_779 = tpu.vector_load %arg13[%swap3A_777, %swap3A_778] {strides = array<i32>} : memref<64x64xf32, #tpu.memory_space<vmem>>, vector<1x16xf32>,
        %swap3A_780 = vector.shape_cast %swap3A_779 : vector<1x16xf32> to vector<16xf32>
        %swap3A_781 = vector.shape_cast %mul3A_776 : vector<16xf32> to vector<1x16xf32>
        tpu.vector_store %arg13[%swap3A_777, %swap3A_778], %swap3A_781 {strides = array<i32>} : memref<64x64xf32, #tpu.memory_space<vmem>>, vector<1x16xf32>,
        %get3A_782 = arith.index_cast %add3A_770 : i32 to index
        %get3A_783 = arith.constant 16 : index
        %get3A_784 = tpu.vector_load %arg13[%get3A_782, %get3A_783] {strides = array<i32>} : memref<64x64xf32, #tpu.memory_space<vmem>>, vector<1x16xf32>,
        %get3A_785 = vector.shape_cast %get3A_784 : vector<1x16xf32> to vector<16xf32>
        %mul3A_786 = vector.broadcast %squeeze3A_766 : f32 to vector<16xf32>
        %mul3A_787 = arith.mulf %get3A_785, %mul3A_786 : vector<16xf32>
        %swap3A_788 = arith.index_cast %add3A_770 : i32 to index
        %swap3A_789 = arith.constant 16 : index
        %swap3A_790 = tpu.vector_load %arg13[%swap3A_788, %swap3A_789] {strides = array<i32>} : memref<64x64xf32, #tpu.memory_space<vmem>>, vector<1x16xf32>,
        %swap3A_791 = vector.shape_cast %swap3A_790 : vector<1x16xf32> to vector<16xf32>
        %swap3A_792 = vector.shape_cast %mul3A_787 : vector<16xf32> to vector<1x16xf32>
        tpu.vector_store %arg13[%swap3A_788, %swap3A_789], %swap3A_792 {strides = array<i32>} : memref<64x64xf32, #tpu.memory_space<vmem>>, vector<1x16xf32>,
        %get3A_793 = arith.index_cast %add3A_770 : i32 to index
        %get3A_794 = arith.constant 32 : index
        %get3A_795 = tpu.vector_load %arg13[%get3A_793, %get3A_794] {strides = array<i32>} : memref<64x64xf32, #tpu.memory_space<vmem>>, vector<1x16xf32>,
        %get3A_796 = vector.shape_cast %get3A_795 : vector<1x16xf32> to vector<16xf32>
        %mul3A_797 = vector.broadcast %squeeze3A_766 : f32 to vector<16xf32>
        %mul3A_798 = arith.mulf %get3A_796, %mul3A_797 : vector<16xf32>
        %swap3A_799 = arith.index_cast %add3A_770 : i32 to index
        %swap3A_800 = arith.constant 32 : index
        %swap3A_801 = tpu.vector_load %arg13[%swap3A_799, %swap3A_800] {strides = array<i32>} : memref<64x64xf32, #tpu.memory_space<vmem>>, vector<1x16xf32>,
        %swap3A_802 = vector.shape_cast %swap3A_801 : vector<1x16xf32> to vector<16xf32>
        %swap3A_803 = vector.shape_cast %mul3A_798 : vector<16xf32> to vector<1x16xf32>
        tpu.vector_store %arg13[%swap3A_799, %swap3A_800], %swap3A_803 {strides = array<i32>} : memref<64x64xf32, #tpu.memory_space<vmem>>, vector<1x16xf32>,
        %get3A_804 = arith.index_cast %add3A_770 : i32 to index
        %get3A_805 = arith.constant 48 : index
        %get3A_806 = tpu.vector_load %arg13[%get3A_804, %get3A_805] {strides = array<i32>} : memref<64x64xf32, #tpu.memory_space<vmem>>, vector<1x16xf32>,
        %get3A_807 = vector.shape_cast %get3A_806 : vector<1x16xf32> to vector<16xf32>
        %mul3A_808 = vector.broadcast %squeeze3A_766 : f32 to vector<16xf32>
        %mul3A_809 = arith.mulf %get3A_807, %mul3A_808 : vector<16xf32>
        %swap3A_810 = arith.index_cast %add3A_770 : i32 to index
        %swap3A_811 = arith.constant 48 : index
        %swap3A_812 = tpu.vector_load %arg13[%swap3A_810, %swap3A_811] {strides = array<i32>} : memref<64x64xf32, #tpu.memory_space<vmem>>, vector<1x16xf32>,
        %swap3A_813 = vector.shape_cast %swap3A_812 : vector<1x16xf32> to vector<16xf32>
        %swap3A_814 = vector.shape_cast %mul3A_809 : vector<16xf32> to vector<1x16xf32>
        tpu.vector_store %arg13[%swap3A_810, %swap3A_811], %swap3A_814 {strides = array<i32>} : memref<64x64xf32, #tpu.memory_space<vmem>>, vector<1x16xf32>,
        %slice3A_815 = vector.extract_strided_slice %div3A_267 {offsets = [11], sizes = [1], strides = [1]} : vector<16xf32> to vector<1xf32>
        %squeeze3A_816 = vector.extract %slice3A_815[0] : f32 from vector<1xf32>
        %mul3A_817 = arith.constant 16 : i32
        %mul3A_818 = arith.muli %mul3A_817, %scan3A_258 : i32
        %add3A_819 = arith.constant 11 : i32
        %add3A_820 = arith.addi %mul3A_818, %add3A_819 : i32
        %get3A_821 = arith.index_cast %add3A_820 : i32 to index
        %get3A_822 = arith.constant 0 : index
        %get3A_823 = tpu.vector_load %arg13[%get3A_821, %get3A_822] {strides = array<i32>} : memref<64x64xf32, #tpu.memory_space<vmem>>, vector<1x16xf32>,
        %get3A_824 = vector.shape_cast %get3A_823 : vector<1x16xf32> to vector<16xf32>
        %mul3A_825 = vector.broadcast %squeeze3A_816 : f32 to vector<16xf32>
        %mul3A_826 = arith.mulf %get3A_824, %mul3A_825 : vector<16xf32>
        %swap3A_827 = arith.index_cast %add3A_820 : i32 to index
        %swap3A_828 = arith.constant 0 : index
        %swap3A_829 = tpu.vector_load %arg13[%swap3A_827, %swap3A_828] {strides = array<i32>} : memref<64x64xf32, #tpu.memory_space<vmem>>, vector<1x16xf32>,
        %swap3A_830 = vector.shape_cast %swap3A_829 : vector<1x16xf32> to vector<16xf32>
        %swap3A_831 = vector.shape_cast %mul3A_826 : vector<16xf32> to vector<1x16xf32>
        tpu.vector_store %arg13[%swap3A_827, %swap3A_828], %swap3A_831 {strides = array<i32>} : memref<64x64xf32, #tpu.memory_space<vmem>>, vector<1x16xf32>,
        %get3A_832 = arith.index_cast %add3A_820 : i32 to index
        %get3A_833 = arith.constant 16 : index
        %get3A_834 = tpu.vector_load %arg13[%get3A_832, %get3A_833] {strides = array<i32>} : memref<64x64xf32, #tpu.memory_space<vmem>>, vector<1x16xf32>,
        %get3A_835 = vector.shape_cast %get3A_834 : vector<1x16xf32> to vector<16xf32>
        %mul3A_836 = vector.broadcast %squeeze3A_816 : f32 to vector<16xf32>
        %mul3A_837 = arith.mulf %get3A_835, %mul3A_836 : vector<16xf32>
        %swap3A_838 = arith.index_cast %add3A_820 : i32 to index
        %swap3A_839 = arith.constant 16 : index
        %swap3A_840 = tpu.vector_load %arg13[%swap3A_838, %swap3A_839] {strides = array<i32>} : memref<64x64xf32, #tpu.memory_space<vmem>>, vector<1x16xf32>,
        %swap3A_841 = vector.shape_cast %swap3A_840 : vector<1x16xf32> to vector<16xf32>
        %swap3A_842 = vector.shape_cast %mul3A_837 : vector<16xf32> to vector<1x16xf32>
        tpu.vector_store %arg13[%swap3A_838, %swap3A_839], %swap3A_842 {strides = array<i32>} : memref<64x64xf32, #tpu.memory_space<vmem>>, vector<1x16xf32>,
        %get3A_843 = arith.index_cast %add3A_820 : i32 to index
        %get3A_844 = arith.constant 32 : index
        %get3A_845 = tpu.vector_load %arg13[%get3A_843, %get3A_844] {strides = array<i32>} : memref<64x64xf32, #tpu.memory_space<vmem>>, vector<1x16xf32>,
        %get3A_846 = vector.shape_cast %get3A_845 : vector<1x16xf32> to vector<16xf32>
        %mul3A_847 = vector.broadcast %squeeze3A_816 : f32 to vector<16xf32>
        %mul3A_848 = arith.mulf %get3A_846, %mul3A_847 : vector<16xf32>
        %swap3A_849 = arith.index_cast %add3A_820 : i32 to index
        %swap3A_850 = arith.constant 32 : index
        %swap3A_851 = tpu.vector_load %arg13[%swap3A_849, %swap3A_850] {strides = array<i32>} : memref<64x64xf32, #tpu.memory_space<vmem>>, vector<1x16xf32>,
        %swap3A_852 = vector.shape_cast %swap3A_851 : vector<1x16xf32> to vector<16xf32>
        %swap3A_853 = vector.shape_cast %mul3A_848 : vector<16xf32> to vector<1x16xf32>
        tpu.vector_store %arg13[%swap3A_849, %swap3A_850], %swap3A_853 {strides = array<i32>} : memref<64x64xf32, #tpu.memory_space<vmem>>, vector<1x16xf32>,
        %get3A_854 = arith.index_cast %add3A_820 : i32 to index
        %get3A_855 = arith.constant 48 : index
        %get3A_856 = tpu.vector_load %arg13[%get3A_854, %get3A_855] {strides = array<i32>} : memref<64x64xf32, #tpu.memory_space<vmem>>, vector<1x16xf32>,
        %get3A_857 = vector.shape_cast %get3A_856 : vector<1x16xf32> to vector<16xf32>
        %mul3A_858 = vector.broadcast %squeeze3A_816 : f32 to vector<16xf32>
        %mul3A_859 = arith.mulf %get3A_857, %mul3A_858 : vector<16xf32>
        %swap3A_860 = arith.index_cast %add3A_820 : i32 to index
        %swap3A_861 = arith.constant 48 : index
        %swap3A_862 = tpu.vector_load %arg13[%swap3A_860, %swap3A_861] {strides = array<i32>} : memref<64x64xf32, #tpu.memory_space<vmem>>, vector<1x16xf32>,
        %swap3A_863 = vector.shape_cast %swap3A_862 : vector<1x16xf32> to vector<16xf32>
        %swap3A_864 = vector.shape_cast %mul3A_859 : vector<16xf32> to vector<1x16xf32>
        tpu.vector_store %arg13[%swap3A_860, %swap3A_861], %swap3A_864 {strides = array<i32>} : memref<64x64xf32, #tpu.memory_space<vmem>>, vector<1x16xf32>,
        %slice3A_865 = vector.extract_strided_slice %div3A_267 {offsets = [12], sizes = [1], strides = [1]} : vector<16xf32> to vector<1xf32>
        %squeeze3A_866 = vector.extract %slice3A_865[0] : f32 from vector<1xf32>
        %mul3A_867 = arith.constant 16 : i32
        %mul3A_868 = arith.muli %mul3A_867, %scan3A_258 : i32
        %add3A_869 = arith.constant 12 : i32
        %add3A_870 = arith.addi %mul3A_868, %add3A_869 : i32
        %get3A_871 = arith.index_cast %add3A_870 : i32 to index
        %get3A_872 = arith.constant 0 : index
        %get3A_873 = tpu.vector_load %arg13[%get3A_871, %get3A_872] {strides = array<i32>} : memref<64x64xf32, #tpu.memory_space<vmem>>, vector<1x16xf32>,
        %get3A_874 = vector.shape_cast %get3A_873 : vector<1x16xf32> to vector<16xf32>
        %mul3A_875 = vector.broadcast %squeeze3A_866 : f32 to vector<16xf32>
        %mul3A_876 = arith.mulf %get3A_874, %mul3A_875 : vector<16xf32>
        %swap3A_877 = arith.index_cast %add3A_870 : i32 to index
        %swap3A_878 = arith.constant 0 : index
        %swap3A_879 = tpu.vector_load %arg13[%swap3A_877, %swap3A_878] {strides = array<i32>} : memref<64x64xf32, #tpu.memory_space<vmem>>, vector<1x16xf32>,
        %swap3A_880 = vector.shape_cast %swap3A_879 : vector<1x16xf32> to vector<16xf32>
        %swap3A_881 = vector.shape_cast %mul3A_876 : vector<16xf32> to vector<1x16xf32>
        tpu.vector_store %arg13[%swap3A_877, %swap3A_878], %swap3A_881 {strides = array<i32>} : memref<64x64xf32, #tpu.memory_space<vmem>>, vector<1x16xf32>,
        %get3A_882 = arith.index_cast %add3A_870 : i32 to index
        %get3A_883 = arith.constant 16 : index
        %get3A_884 = tpu.vector_load %arg13[%get3A_882, %get3A_883] {strides = array<i32>} : memref<64x64xf32, #tpu.memory_space<vmem>>, vector<1x16xf32>,
        %get3A_885 = vector.shape_cast %get3A_884 : vector<1x16xf32> to vector<16xf32>
        %mul3A_886 = vector.broadcast %squeeze3A_866 : f32 to vector<16xf32>
        %mul3A_887 = arith.mulf %get3A_885, %mul3A_886 : vector<16xf32>
        %swap3A_888 = arith.index_cast %add3A_870 : i32 to index
        %swap3A_889 = arith.constant 16 : index
        %swap3A_890 = tpu.vector_load %arg13[%swap3A_888, %swap3A_889] {strides = array<i32>} : memref<64x64xf32, #tpu.memory_space<vmem>>, vector<1x16xf32>,
        %swap3A_891 = vector.shape_cast %swap3A_890 : vector<1x16xf32> to vector<16xf32>
        %swap3A_892 = vector.shape_cast %mul3A_887 : vector<16xf32> to vector<1x16xf32>
        tpu.vector_store %arg13[%swap3A_888, %swap3A_889], %swap3A_892 {strides = array<i32>} : memref<64x64xf32, #tpu.memory_space<vmem>>, vector<1x16xf32>,
        %get3A_893 = arith.index_cast %add3A_870 : i32 to index
        %get3A_894 = arith.constant 32 : index
        %get3A_895 = tpu.vector_load %arg13[%get3A_893, %get3A_894] {strides = array<i32>} : memref<64x64xf32, #tpu.memory_space<vmem>>, vector<1x16xf32>,
        %get3A_896 = vector.shape_cast %get3A_895 : vector<1x16xf32> to vector<16xf32>
        %mul3A_897 = vector.broadcast %squeeze3A_866 : f32 to vector<16xf32>
        %mul3A_898 = arith.mulf %get3A_896, %mul3A_897 : vector<16xf32>
        %swap3A_899 = arith.index_cast %add3A_870 : i32 to index
        %swap3A_900 = arith.constant 32 : index
        %swap3A_901 = tpu.vector_load %arg13[%swap3A_899, %swap3A_900] {strides = array<i32>} : memref<64x64xf32, #tpu.memory_space<vmem>>, vector<1x16xf32>,
        %swap3A_902 = vector.shape_cast %swap3A_901 : vector<1x16xf32> to vector<16xf32>
        %swap3A_903 = vector.shape_cast %mul3A_898 : vector<16xf32> to vector<1x16xf32>
        tpu.vector_store %arg13[%swap3A_899, %swap3A_900], %swap3A_903 {strides = array<i32>} : memref<64x64xf32, #tpu.memory_space<vmem>>, vector<1x16xf32>,
        %get3A_904 = arith.index_cast %add3A_870 : i32 to index
        %get3A_905 = arith.constant 48 : index
        %get3A_906 = tpu.vector_load %arg13[%get3A_904, %get3A_905] {strides = array<i32>} : memref<64x64xf32, #tpu.memory_space<vmem>>, vector<1x16xf32>,
        %get3A_907 = vector.shape_cast %get3A_906 : vector<1x16xf32> to vector<16xf32>
        %mul3A_908 = vector.broadcast %squeeze3A_866 : f32 to vector<16xf32>
        %mul3A_909 = arith.mulf %get3A_907, %mul3A_908 : vector<16xf32>
        %swap3A_910 = arith.index_cast %add3A_870 : i32 to index
        %swap3A_911 = arith.constant 48 : index
        %swap3A_912 = tpu.vector_load %arg13[%swap3A_910, %swap3A_911] {strides = array<i32>} : memref<64x64xf32, #tpu.memory_space<vmem>>, vector<1x16xf32>,
        %swap3A_913 = vector.shape_cast %swap3A_912 : vector<1x16xf32> to vector<16xf32>
        %swap3A_914 = vector.shape_cast %mul3A_909 : vector<16xf32> to vector<1x16xf32>
        tpu.vector_store %arg13[%swap3A_910, %swap3A_911], %swap3A_914 {strides = array<i32>} : memref<64x64xf32, #tpu.memory_space<vmem>>, vector<1x16xf32>,
        %slice3A_915 = vector.extract_strided_slice %div3A_267 {offsets = [13], sizes = [1], strides = [1]} : vector<16xf32> to vector<1xf32>
        %squeeze3A_916 = vector.extract %slice3A_915[0] : f32 from vector<1xf32>
        %mul3A_917 = arith.constant 16 : i32
        %mul3A_918 = arith.muli %mul3A_917, %scan3A_258 : i32
        %add3A_919 = arith.constant 13 : i32
        %add3A_920 = arith.addi %mul3A_918, %add3A_919 : i32
        %get3A_921 = arith.index_cast %add3A_920 : i32 to index
        %get3A_922 = arith.constant 0 : index
        %get3A_923 = tpu.vector_load %arg13[%get3A_921, %get3A_922] {strides = array<i32>} : memref<64x64xf32, #tpu.memory_space<vmem>>, vector<1x16xf32>,
        %get3A_924 = vector.shape_cast %get3A_923 : vector<1x16xf32> to vector<16xf32>
        %mul3A_925 = vector.broadcast %squeeze3A_916 : f32 to vector<16xf32>
        %mul3A_926 = arith.mulf %get3A_924, %mul3A_925 : vector<16xf32>
        %swap3A_927 = arith.index_cast %add3A_920 : i32 to index
        %swap3A_928 = arith.constant 0 : index
        %swap3A_929 = tpu.vector_load %arg13[%swap3A_927, %swap3A_928] {strides = array<i32>} : memref<64x64xf32, #tpu.memory_space<vmem>>, vector<1x16xf32>,
        %swap3A_930 = vector.shape_cast %swap3A_929 : vector<1x16xf32> to vector<16xf32>
        %swap3A_931 = vector.shape_cast %mul3A_926 : vector<16xf32> to vector<1x16xf32>
        tpu.vector_store %arg13[%swap3A_927, %swap3A_928], %swap3A_931 {strides = array<i32>} : memref<64x64xf32, #tpu.memory_space<vmem>>, vector<1x16xf32>,
        %get3A_932 = arith.index_cast %add3A_920 : i32 to index
        %get3A_933 = arith.constant 16 : index
        %get3A_934 = tpu.vector_load %arg13[%get3A_932, %get3A_933] {strides = array<i32>} : memref<64x64xf32, #tpu.memory_space<vmem>>, vector<1x16xf32>,
        %get3A_935 = vector.shape_cast %get3A_934 : vector<1x16xf32> to vector<16xf32>
        %mul3A_936 = vector.broadcast %squeeze3A_916 : f32 to vector<16xf32>
        %mul3A_937 = arith.mulf %get3A_935, %mul3A_936 : vector<16xf32>
        %swap3A_938 = arith.index_cast %add3A_920 : i32 to index
        %swap3A_939 = arith.constant 16 : index
        %swap3A_940 = tpu.vector_load %arg13[%swap3A_938, %swap3A_939] {strides = array<i32>} : memref<64x64xf32, #tpu.memory_space<vmem>>, vector<1x16xf32>,
        %swap3A_941 = vector.shape_cast %swap3A_940 : vector<1x16xf32> to vector<16xf32>
        %swap3A_942 = vector.shape_cast %mul3A_937 : vector<16xf32> to vector<1x16xf32>
        tpu.vector_store %arg13[%swap3A_938, %swap3A_939], %swap3A_942 {strides = array<i32>} : memref<64x64xf32, #tpu.memory_space<vmem>>, vector<1x16xf32>,
        %get3A_943 = arith.index_cast %add3A_920 : i32 to index
        %get3A_944 = arith.constant 32 : index
        %get3A_945 = tpu.vector_load %arg13[%get3A_943, %get3A_944] {strides = array<i32>} : memref<64x64xf32, #tpu.memory_space<vmem>>, vector<1x16xf32>,
        %get3A_946 = vector.shape_cast %get3A_945 : vector<1x16xf32> to vector<16xf32>
        %mul3A_947 = vector.broadcast %squeeze3A_916 : f32 to vector<16xf32>
        %mul3A_948 = arith.mulf %get3A_946, %mul3A_947 : vector<16xf32>
        %swap3A_949 = arith.index_cast %add3A_920 : i32 to index
        %swap3A_950 = arith.constant 32 : index
        %swap3A_951 = tpu.vector_load %arg13[%swap3A_949, %swap3A_950] {strides = array<i32>} : memref<64x64xf32, #tpu.memory_space<vmem>>, vector<1x16xf32>,
        %swap3A_952 = vector.shape_cast %swap3A_951 : vector<1x16xf32> to vector<16xf32>
        %swap3A_953 = vector.shape_cast %mul3A_948 : vector<16xf32> to vector<1x16xf32>
        tpu.vector_store %arg13[%swap3A_949, %swap3A_950], %swap3A_953 {strides = array<i32>} : memref<64x64xf32, #tpu.memory_space<vmem>>, vector<1x16xf32>,
        %get3A_954 = arith.index_cast %add3A_920 : i32 to index
        %get3A_955 = arith.constant 48 : index
        %get3A_956 = tpu.vector_load %arg13[%get3A_954, %get3A_955] {strides = array<i32>} : memref<64x64xf32, #tpu.memory_space<vmem>>, vector<1x16xf32>,
        %get3A_957 = vector.shape_cast %get3A_956 : vector<1x16xf32> to vector<16xf32>
        %mul3A_958 = vector.broadcast %squeeze3A_916 : f32 to vector<16xf32>
        %mul3A_959 = arith.mulf %get3A_957, %mul3A_958 : vector<16xf32>
        %swap3A_960 = arith.index_cast %add3A_920 : i32 to index
        %swap3A_961 = arith.constant 48 : index
        %swap3A_962 = tpu.vector_load %arg13[%swap3A_960, %swap3A_961] {strides = array<i32>} : memref<64x64xf32, #tpu.memory_space<vmem>>, vector<1x16xf32>,
        %swap3A_963 = vector.shape_cast %swap3A_962 : vector<1x16xf32> to vector<16xf32>
        %swap3A_964 = vector.shape_cast %mul3A_959 : vector<16xf32> to vector<1x16xf32>
        tpu.vector_store %arg13[%swap3A_960, %swap3A_961], %swap3A_964 {strides = array<i32>} : memref<64x64xf32, #tpu.memory_space<vmem>>, vector<1x16xf32>,
        %slice3A_965 = vector.extract_strided_slice %div3A_267 {offsets = [14], sizes = [1], strides = [1]} : vector<16xf32> to vector<1xf32>
        %squeeze3A_966 = vector.extract %slice3A_965[0] : f32 from vector<1xf32>
        %mul3A_967 = arith.constant 16 : i32
        %mul3A_968 = arith.muli %mul3A_967, %scan3A_258 : i32
        %add3A_969 = arith.constant 14 : i32
        %add3A_970 = arith.addi %mul3A_968, %add3A_969 : i32
        %get3A_971 = arith.index_cast %add3A_970 : i32 to index
        %get3A_972 = arith.constant 0 : index
        %get3A_973 = tpu.vector_load %arg13[%get3A_971, %get3A_972] {strides = array<i32>} : memref<64x64xf32, #tpu.memory_space<vmem>>, vector<1x16xf32>,
        %get3A_974 = vector.shape_cast %get3A_973 : vector<1x16xf32> to vector<16xf32>
        %mul3A_975 = vector.broadcast %squeeze3A_966 : f32 to vector<16xf32>
        %mul3A_976 = arith.mulf %get3A_974, %mul3A_975 : vector<16xf32>
        %swap3A_977 = arith.index_cast %add3A_970 : i32 to index
        %swap3A_978 = arith.constant 0 : index
        %swap3A_979 = tpu.vector_load %arg13[%swap3A_977, %swap3A_978] {strides = array<i32>} : memref<64x64xf32, #tpu.memory_space<vmem>>, vector<1x16xf32>,
        %swap3A_980 = vector.shape_cast %swap3A_979 : vector<1x16xf32> to vector<16xf32>
        %swap3A_981 = vector.shape_cast %mul3A_976 : vector<16xf32> to vector<1x16xf32>
        tpu.vector_store %arg13[%swap3A_977, %swap3A_978], %swap3A_981 {strides = array<i32>} : memref<64x64xf32, #tpu.memory_space<vmem>>, vector<1x16xf32>,
        %get3A_982 = arith.index_cast %add3A_970 : i32 to index
        %get3A_983 = arith.constant 16 : index
        %get3A_984 = tpu.vector_load %arg13[%get3A_982, %get3A_983] {strides = array<i32>} : memref<64x64xf32, #tpu.memory_space<vmem>>, vector<1x16xf32>,
        %get3A_985 = vector.shape_cast %get3A_984 : vector<1x16xf32> to vector<16xf32>
        %mul3A_986 = vector.broadcast %squeeze3A_966 : f32 to vector<16xf32>
        %mul3A_987 = arith.mulf %get3A_985, %mul3A_986 : vector<16xf32>
        %swap3A_988 = arith.index_cast %add3A_970 : i32 to index
        %swap3A_989 = arith.constant 16 : index
        %swap3A_990 = tpu.vector_load %arg13[%swap3A_988, %swap3A_989] {strides = array<i32>} : memref<64x64xf32, #tpu.memory_space<vmem>>, vector<1x16xf32>,
        %swap3A_991 = vector.shape_cast %swap3A_990 : vector<1x16xf32> to vector<16xf32>
        %swap3A_992 = vector.shape_cast %mul3A_987 : vector<16xf32> to vector<1x16xf32>
        tpu.vector_store %arg13[%swap3A_988, %swap3A_989], %swap3A_992 {strides = array<i32>} : memref<64x64xf32, #tpu.memory_space<vmem>>, vector<1x16xf32>,
        %get3A_993 = arith.index_cast %add3A_970 : i32 to index
        %get3A_994 = arith.constant 32 : index
        %get3A_995 = tpu.vector_load %arg13[%get3A_993, %get3A_994] {strides = array<i32>} : memref<64x64xf32, #tpu.memory_space<vmem>>, vector<1x16xf32>,
        %get3A_996 = vector.shape_cast %get3A_995 : vector<1x16xf32> to vector<16xf32>
        %mul3A_997 = vector.broadcast %squeeze3A_966 : f32 to vector<16xf32>
        %mul3A_998 = arith.mulf %get3A_996, %mul3A_997 : vector<16xf32>
        %swap3A_999 = arith.index_cast %add3A_970 : i32 to index
        %swap3A_1000 = arith.constant 32 : index
        %swap3A_1001 = tpu.vector_load %arg13[%swap3A_999, %swap3A_1000] {strides = array<i32>} : memref<64x64xf32, #tpu.memory_space<vmem>>, vector<1x16xf32>,
        %swap3A_1002 = vector.shape_cast %swap3A_1001 : vector<1x16xf32> to vector<16xf32>
        %swap3A_1003 = vector.shape_cast %mul3A_998 : vector<16xf32> to vector<1x16xf32>
        tpu.vector_store %arg13[%swap3A_999, %swap3A_1000], %swap3A_1003 {strides = array<i32>} : memref<64x64xf32, #tpu.memory_space<vmem>>, vector<1x16xf32>,
        %get3A_1004 = arith.index_cast %add3A_970 : i32 to index
        %get3A_1005 = arith.constant 48 : index
        %get3A_1006 = tpu.vector_load %arg13[%get3A_1004, %get3A_1005] {strides = array<i32>} : memref<64x64xf32, #tpu.memory_space<vmem>>, vector<1x16xf32>,
        %get3A_1007 = vector.shape_cast %get3A_1006 : vector<1x16xf32> to vector<16xf32>
        %mul3A_1008 = vector.broadcast %squeeze3A_966 : f32 to vector<16xf32>
        %mul3A_1009 = arith.mulf %get3A_1007, %mul3A_1008 : vector<16xf32>
        %swap3A_1010 = arith.index_cast %add3A_970 : i32 to index
        %swap3A_1011 = arith.constant 48 : index
        %swap3A_1012 = tpu.vector_load %arg13[%swap3A_1010, %swap3A_1011] {strides = array<i32>} : memref<64x64xf32, #tpu.memory_space<vmem>>, vector<1x16xf32>,
        %swap3A_1013 = vector.shape_cast %swap3A_1012 : vector<1x16xf32> to vector<16xf32>
        %swap3A_1014 = vector.shape_cast %mul3A_1009 : vector<16xf32> to vector<1x16xf32>
        tpu.vector_store %arg13[%swap3A_1010, %swap3A_1011], %swap3A_1014 {strides = array<i32>} : memref<64x64xf32, #tpu.memory_space<vmem>>, vector<1x16xf32>,
        %slice3A_1015 = vector.extract_strided_slice %div3A_267 {offsets = [15], sizes = [1], strides = [1]} : vector<16xf32> to vector<1xf32>
        %squeeze3A_1016 = vector.extract %slice3A_1015[0] : f32 from vector<1xf32>
        %mul3A_1017 = arith.constant 16 : i32
        %mul3A_1018 = arith.muli %mul3A_1017, %scan3A_258 : i32
        %add3A_1019 = arith.constant 15 : i32
        %add3A_1020 = arith.addi %mul3A_1018, %add3A_1019 : i32
        %get3A_1021 = arith.index_cast %add3A_1020 : i32 to index
        %get3A_1022 = arith.constant 0 : index
        %get3A_1023 = tpu.vector_load %arg13[%get3A_1021, %get3A_1022] {strides = array<i32>} : memref<64x64xf32, #tpu.memory_space<vmem>>, vector<1x16xf32>,
        %get3A_1024 = vector.shape_cast %get3A_1023 : vector<1x16xf32> to vector<16xf32>
        %mul3A_1025 = vector.broadcast %squeeze3A_1016 : f32 to vector<16xf32>
        %mul3A_1026 = arith.mulf %get3A_1024, %mul3A_1025 : vector<16xf32>
        %swap3A_1027 = arith.index_cast %add3A_1020 : i32 to index
        %swap3A_1028 = arith.constant 0 : index
        %swap3A_1029 = tpu.vector_load %arg13[%swap3A_1027, %swap3A_1028] {strides = array<i32>} : memref<64x64xf32, #tpu.memory_space<vmem>>, vector<1x16xf32>,
        %swap3A_1030 = vector.shape_cast %swap3A_1029 : vector<1x16xf32> to vector<16xf32>
        %swap3A_1031 = vector.shape_cast %mul3A_1026 : vector<16xf32> to vector<1x16xf32>
        tpu.vector_store %arg13[%swap3A_1027, %swap3A_1028], %swap3A_1031 {strides = array<i32>} : memref<64x64xf32, #tpu.memory_space<vmem>>, vector<1x16xf32>,
        %get3A_1032 = arith.index_cast %add3A_1020 : i32 to index
        %get3A_1033 = arith.constant 16 : index
        %get3A_1034 = tpu.vector_load %arg13[%get3A_1032, %get3A_1033] {strides = array<i32>} : memref<64x64xf32, #tpu.memory_space<vmem>>, vector<1x16xf32>,
        %get3A_1035 = vector.shape_cast %get3A_1034 : vector<1x16xf32> to vector<16xf32>
        %mul3A_1036 = vector.broadcast %squeeze3A_1016 : f32 to vector<16xf32>
        %mul3A_1037 = arith.mulf %get3A_1035, %mul3A_1036 : vector<16xf32>
        %swap3A_1038 = arith.index_cast %add3A_1020 : i32 to index
        %swap3A_1039 = arith.constant 16 : index
        %swap3A_1040 = tpu.vector_load %arg13[%swap3A_1038, %swap3A_1039] {strides = array<i32>} : memref<64x64xf32, #tpu.memory_space<vmem>>, vector<1x16xf32>,
        %swap3A_1041 = vector.shape_cast %swap3A_1040 : vector<1x16xf32> to vector<16xf32>
        %swap3A_1042 = vector.shape_cast %mul3A_1037 : vector<16xf32> to vector<1x16xf32>
        tpu.vector_store %arg13[%swap3A_1038, %swap3A_1039], %swap3A_1042 {strides = array<i32>} : memref<64x64xf32, #tpu.memory_space<vmem>>, vector<1x16xf32>,
        %get3A_1043 = arith.index_cast %add3A_1020 : i32 to index
        %get3A_1044 = arith.constant 32 : index
        %get3A_1045 = tpu.vector_load %arg13[%get3A_1043, %get3A_1044] {strides = array<i32>} : memref<64x64xf32, #tpu.memory_space<vmem>>, vector<1x16xf32>,
        %get3A_1046 = vector.shape_cast %get3A_1045 : vector<1x16xf32> to vector<16xf32>
        %mul3A_1047 = vector.broadcast %squeeze3A_1016 : f32 to vector<16xf32>
        %mul3A_1048 = arith.mulf %get3A_1046, %mul3A_1047 : vector<16xf32>
        %swap3A_1049 = arith.index_cast %add3A_1020 : i32 to index
        %swap3A_1050 = arith.constant 32 : index
        %swap3A_1051 = tpu.vector_load %arg13[%swap3A_1049, %swap3A_1050] {strides = array<i32>} : memref<64x64xf32, #tpu.memory_space<vmem>>, vector<1x16xf32>,
        %swap3A_1052 = vector.shape_cast %swap3A_1051 : vector<1x16xf32> to vector<16xf32>
        %swap3A_1053 = vector.shape_cast %mul3A_1048 : vector<16xf32> to vector<1x16xf32>
        tpu.vector_store %arg13[%swap3A_1049, %swap3A_1050], %swap3A_1053 {strides = array<i32>} : memref<64x64xf32, #tpu.memory_space<vmem>>, vector<1x16xf32>,
        %get3A_1054 = arith.index_cast %add3A_1020 : i32 to index
        %get3A_1055 = arith.constant 48 : index
        %get3A_1056 = tpu.vector_load %arg13[%get3A_1054, %get3A_1055] {strides = array<i32>} : memref<64x64xf32, #tpu.memory_space<vmem>>, vector<1x16xf32>,
        %get3A_1057 = vector.shape_cast %get3A_1056 : vector<1x16xf32> to vector<16xf32>
        %mul3A_1058 = vector.broadcast %squeeze3A_1016 : f32 to vector<16xf32>
        %mul3A_1059 = arith.mulf %get3A_1057, %mul3A_1058 : vector<16xf32>
        %swap3A_1060 = arith.index_cast %add3A_1020 : i32 to index
        %swap3A_1061 = arith.constant 48 : index
        %swap3A_1062 = tpu.vector_load %arg13[%swap3A_1060, %swap3A_1061] {strides = array<i32>} : memref<64x64xf32, #tpu.memory_space<vmem>>, vector<1x16xf32>,
        %swap3A_1063 = vector.shape_cast %swap3A_1062 : vector<1x16xf32> to vector<16xf32>
        %swap3A_1064 = vector.shape_cast %mul3A_1059 : vector<16xf32> to vector<1x16xf32>
        tpu.vector_store %arg13[%swap3A_1060, %swap3A_1061], %swap3A_1064 {strides = array<i32>} : memref<64x64xf32, #tpu.memory_space<vmem>>, vector<1x16xf32>,
        %scan3A_1065 = arith.constant 0 : i32
        scf.yield %scan3A_1065 : i32
      }
      %scan3A_256 = arith.constant 4 : i32
      "tpu.region"() ({
        %run_scoped3A = tpu.sem_alloc : memref<!tpu.dma_semaphore, #tpu.memory_space<semaphore_mem>>
        %dma_start3A_258 = arith.constant 0 : i32
        %dma_start3A_259 = tpu.memref_slice %arg5[%arg0, %add3A, %dma_start3A_258] : memref<2x10240x64xf32, #tpu.memory_space<hbm>> -> memref<1x64x64xf32, #tpu.memory_space<hbm>>
        %dma_start3A_260 = tpu.memref_squeeze %dma_start3A_259 : memref<1x64x64xf32, #tpu.memory_space<hbm>> -> memref<64x64xf32, #tpu.memory_space<hbm>>
        %dma_start3A_261 = arith.constant 0 : i32
        %dma_start3A_262 = tpu.memref_slice %arg5[%arg0, %add3A, %dma_start3A_261] : memref<2x10240x64xf32, #tpu.memory_space<hbm>> -> memref<1x64x64xf32, #tpu.memory_space<hbm>>
        %dma_start3A_263 = tpu.memref_squeeze %dma_start3A_262 : memref<1x64x64xf32, #tpu.memory_space<hbm>> -> memref<64x64xf32, #tpu.memory_space<hbm>>
        tpu.enqueue_dma source(%arg13 : memref<64x64xf32, #tpu.memory_space<vmem>>) target(%dma_start3A_263 : memref<64x64xf32, #tpu.memory_space<hbm>>) target_semaphore(%run_scoped3A : memref<!tpu.dma_semaphore, #tpu.memory_space<semaphore_mem>>)
        %dma_wait3A_264 = arith.constant 0 : i32
        %dma_wait3A_265 = tpu.memref_slice %arg5[%arg0, %add3A, %dma_wait3A_264] : memref<2x10240x64xf32, #tpu.memory_space<hbm>> -> memref<1x64x64xf32, #tpu.memory_space<hbm>>
        %dma_wait3A_266 = tpu.memref_squeeze %dma_wait3A_265 : memref<1x64x64xf32, #tpu.memory_space<hbm>> -> memref<64x64xf32, #tpu.memory_space<hbm>>
        %dma_wait3A_267 = arith.constant 0 : i32
        %dma_wait3A_268 = tpu.memref_slice %arg5[%arg0, %add3A, %dma_wait3A_267] : memref<2x10240x64xf32, #tpu.memory_space<hbm>> -> memref<1x64x64xf32, #tpu.memory_space<hbm>>
        %dma_wait3A_269 = tpu.memref_squeeze %dma_wait3A_268 : memref<1x64x64xf32, #tpu.memory_space<hbm>> -> memref<64x64xf32, #tpu.memory_space<hbm>>
        tpu.wait_dma2 semaphore(%run_scoped3A : memref<!tpu.dma_semaphore, #tpu.memory_space<semaphore_mem>>) src(%arg13 : memref<64x64xf32, #tpu.memory_space<vmem>>) dst(%dma_wait3A_269 : memref<64x64xf32, #tpu.memory_space<hbm>>)
        tpu.yield
      }) : () -> ()
      %scan3A_257 = arith.constant 0 : i32
      scf.yield %scan3A_257 : i32
    }
    %scan3A_141 = arith.constant 10 : i32
    %broadcast_in_dim3A_142 = arith.constant 0.000000e+00 : f32
    %broadcast_in_dim3A_143 = vector.broadcast %broadcast_in_dim3A_142 : f32 to vector<16xf32>
    %scan3A_144 = arith.constant 0 : i32
    %scan3A_145 = arith.constant 0 : i32
    %scan3A_146 = arith.constant 64 : i32
    %scan3A_147 = arith.addi %scan3A_145, %scan3A_146 : i32
    %scan3A_148 = arith.constant 1 : i32
    %scan3A_149 = scf.for %scan3A_246 = %scan3A_145 to %scan3A_147 step %scan3A_148 iter_args(%scan3A_247 = %scan3A_144) -> (i32)  : i32 {
      %swap3A = arith.index_cast %scan3A_246 : i32 to index
      %swap3A_248 = arith.constant 0 : index
      %swap3A_249 = tpu.vector_load %arg13[%swap3A, %swap3A_248] {strides = array<i32>} : memref<64x64xf32, #tpu.memory_space<vmem>>, vector<1x16xf32>,
      %swap3A_250 = vector.shape_cast %swap3A_249 : vector<1x16xf32> to vector<16xf32>
      %swap3A_251 = vector.shape_cast %broadcast_in_dim3A_143 : vector<16xf32> to vector<1x16xf32>
      tpu.vector_store %arg13[%swap3A, %swap3A_248], %swap3A_251 {strides = array<i32>} : memref<64x64xf32, #tpu.memory_space<vmem>>, vector<1x16xf32>,
      %swap3A_252 = arith.index_cast %scan3A_246 : i32 to index
      %swap3A_253 = arith.constant 16 : index
      %swap3A_254 = tpu.vector_load %arg13[%swap3A_252, %swap3A_253] {strides = array<i32>} : memref<64x64xf32, #tpu.memory_space<vmem>>, vector<1x16xf32>,
      %swap3A_255 = vector.shape_cast %swap3A_254 : vector<1x16xf32> to vector<16xf32>
      %swap3A_256 = vector.shape_cast %broadcast_in_dim3A_143 : vector<16xf32> to vector<1x16xf32>
      tpu.vector_store %arg13[%swap3A_252, %swap3A_253], %swap3A_256 {strides = array<i32>} : memref<64x64xf32, #tpu.memory_space<vmem>>, vector<1x16xf32>,
      %swap3A_257 = arith.index_cast %scan3A_246 : i32 to index
      %swap3A_258 = arith.constant 32 : index
      %swap3A_259 = tpu.vector_load %arg13[%swap3A_257, %swap3A_258] {strides = array<i32>} : memref<64x64xf32, #tpu.memory_space<vmem>>, vector<1x16xf32>,
      %swap3A_260 = vector.shape_cast %swap3A_259 : vector<1x16xf32> to vector<16xf32>
      %swap3A_261 = vector.shape_cast %broadcast_in_dim3A_143 : vector<16xf32> to vector<1x16xf32>
      tpu.vector_store %arg13[%swap3A_257, %swap3A_258], %swap3A_261 {strides = array<i32>} : memref<64x64xf32, #tpu.memory_space<vmem>>, vector<1x16xf32>,
      %swap3A_262 = arith.index_cast %scan3A_246 : i32 to index
      %swap3A_263 = arith.constant 48 : index
      %swap3A_264 = tpu.vector_load %arg13[%swap3A_262, %swap3A_263] {strides = array<i32>} : memref<64x64xf32, #tpu.memory_space<vmem>>, vector<1x16xf32>,
      %swap3A_265 = vector.shape_cast %swap3A_264 : vector<1x16xf32> to vector<16xf32>
      %swap3A_266 = vector.shape_cast %broadcast_in_dim3A_143 : vector<16xf32> to vector<1x16xf32>
      tpu.vector_store %arg13[%swap3A_262, %swap3A_263], %swap3A_266 {strides = array<i32>} : memref<64x64xf32, #tpu.memory_space<vmem>>, vector<1x16xf32>,
      %scan3A_267 = arith.constant 0 : i32
      scf.yield %scan3A_267 : i32
    }
    %scan3A_150 = arith.constant 64 : i32
    %scan3A_151 = arith.constant 0 : i32
    %scan3A_152 = arith.constant 0 : i32
    %scan3A_153 = arith.constant 10 : i32
    %scan3A_154 = arith.addi %scan3A_152, %scan3A_153 : i32
    %scan3A_155 = arith.constant 1 : i32
    %scan3A_156 = scf.for %scan3A_246 = %scan3A_152 to %scan3A_154 step %scan3A_155 iter_args(%scan3A_247 = %scan3A_151) -> (i32)  : i32 {
      %mul3A_248 = arith.constant 64 : i32
      %mul3A_249 = arith.muli %scan3A_246, %mul3A_248 : i32
      %add3A = arith.addi %mul3A_0, %mul3A_249 : i32
      "tpu.region"() ({
        %run_scoped3A = tpu.sem_alloc : memref<!tpu.dma_semaphore, #tpu.memory_space<semaphore_mem>>
        %dma_start3A_251 = arith.constant 0 : i32
        %dma_start3A_252 = tpu.memref_slice %arg7[%add3A, %dma_start3A_251] : memref<10240x64xf32, #tpu.memory_space<vmem_shared>> -> memref<64x64xf32, #tpu.memory_space<vmem_shared>>
        %dma_start3A_253 = arith.constant 0 : i32
        %dma_start3A_254 = tpu.memref_slice %arg7[%add3A, %dma_start3A_253] : memref<10240x64xf32, #tpu.memory_space<vmem_shared>> -> memref<64x64xf32, #tpu.memory_space<vmem_shared>>
        tpu.enqueue_dma source(%arg13 : memref<64x64xf32, #tpu.memory_space<vmem>>) target(%dma_start3A_254 : memref<64x64xf32, #tpu.memory_space<vmem_shared>>) target_semaphore(%run_scoped3A : memref<!tpu.dma_semaphore, #tpu.memory_space<semaphore_mem>>)
        %dma_wait3A_255 = arith.constant 0 : i32
        %dma_wait3A_256 = tpu.memref_slice %arg7[%add3A, %dma_wait3A_255] : memref<10240x64xf32, #tpu.memory_space<vmem_shared>> -> memref<64x64xf32, #tpu.memory_space<vmem_shared>>
        %dma_wait3A_257 = arith.constant 0 : i32
        %dma_wait3A_258 = tpu.memref_slice %arg7[%add3A, %dma_wait3A_257] : memref<10240x64xf32, #tpu.memory_space<vmem_shared>> -> memref<64x64xf32, #tpu.memory_space<vmem_shared>>
        tpu.wait_dma2 semaphore(%run_scoped3A : memref<!tpu.dma_semaphore, #tpu.memory_space<semaphore_mem>>) src(%arg13 : memref<64x64xf32, #tpu.memory_space<vmem>>) dst(%dma_wait3A_258 : memref<64x64xf32, #tpu.memory_space<vmem_shared>>)
        tpu.yield
      }) : () -> ()
      %scan3A_250 = arith.constant 0 : i32
      scf.yield %scan3A_250 : i32
    }
    %scan3A_157 = arith.constant 10 : i32
    %barrier3A_158 = arith.constant 0 : index
    tpu.barrier barrier_id(%barrier3A_158)
    %dma_start3A_159 = arith.constant 0 : i32
    %dma_start3A_160 = arith.constant 0 : i32
    %dma_start3A_161 = arith.constant 0 : i32
    %dma_start3A_162 = arith.constant 0 : i32
    %dma_start3A_163 = tpu.memref_slice %arg12[%dma_start3A_160, %dma_start3A_161, %dma_start3A_162] : memref<5x128x64xf32, #tpu.memory_space<vmem>> -> memref<1x128x64xf32, #tpu.memory_space<vmem>>
    %dma_start3A_164 = tpu.memref_squeeze %dma_start3A_163 : memref<1x128x64xf32, #tpu.memory_space<vmem>> -> memref<128x64xf32, #tpu.memory_space<vmem>>
    %dma_start3A_165 = arith.constant 0 : i32
    %dma_start3A_166 = tpu.memref_slice %arg11[%dma_start3A_159, %dma_start3A_165] : memref<157x128xi32, #tpu.memory_space<vmem>> -> memref<1x128xi32, #tpu.memory_space<vmem>>
    %dma_start3A_167 = tpu.memref_squeeze %dma_start3A_166 : memref<1x128xi32, #tpu.memory_space<vmem>> -> memref<128xi32, #tpu.memory_space<vmem>>
    %dma_start3A_168 = arith.constant 0 : i32
    %dma_start3A_169 = arith.constant 0 : i32
    %dma_start3A_170 = tpu.memref_slice %arg5[%arg0, %dma_start3A_168, %dma_start3A_169] : memref<2x10240x64xf32, #tpu.memory_space<hbm>> -> memref<1x10240x64xf32, #tpu.memory_space<hbm>>
    %dma_start3A_171 = tpu.memref_squeeze %dma_start3A_170 : memref<1x10240x64xf32, #tpu.memory_space<hbm>> -> memref<10240x64xf32, #tpu.memory_space<hbm>>
    %dma_start3A_172 = arith.constant 0 : i32
    %dma_start3A_173 = arith.constant 0 : i32
    %dma_start3A_174 = tpu.memref_slice %dma_start3A_171[%dma_start3A_172, %dma_start3A_173] : memref<10240x64xf32, #tpu.memory_space<hbm>> -> memref<10240x64xf32, #tpu.memory_space<hbm>>
    tpu.enqueue_indirect_dma source(%dma_start3A_174 : memref<10240x64xf32, #tpu.memory_space<hbm>>) target(%dma_start3A_164 : memref<128x64xf32, #tpu.memory_space<vmem>>) offsets(%dma_start3A_167 : memref<128xi32, #tpu.memory_space<vmem>>) semaphore(%arg16 : memref<!tpu.dma_semaphore, #tpu.memory_space<semaphore_mem>>)
    %dma_start3A_175 = arith.constant 1 : i32
    %dma_start3A_176 = arith.constant 1 : i32
    %dma_start3A_177 = arith.constant 0 : i32
    %dma_start3A_178 = arith.constant 0 : i32
    %dma_start3A_179 = tpu.memref_slice %arg12[%dma_start3A_176, %dma_start3A_177, %dma_start3A_178] : memref<5x128x64xf32, #tpu.memory_space<vmem>> -> memref<1x128x64xf32, #tpu.memory_space<vmem>>
    %dma_start3A_180 = tpu.memref_squeeze %dma_start3A_179 : memref<1x128x64xf32, #tpu.memory_space<vmem>> -> memref<128x64xf32, #tpu.memory_space<vmem>>
    %dma_start3A_181 = arith.constant 0 : i32
    %dma_start3A_182 = tpu.memref_slice %arg11[%dma_start3A_175, %dma_start3A_181] : memref<157x128xi32, #tpu.memory_space<vmem>> -> memref<1x128xi32, #tpu.memory_space<vmem>>
    %dma_start3A_183 = tpu.memref_squeeze %dma_start3A_182 : memref<1x128xi32, #tpu.memory_space<vmem>> -> memref<128xi32, #tpu.memory_space<vmem>>
    %dma_start3A_184 = arith.constant 0 : i32
    %dma_start3A_185 = arith.constant 0 : i32
    %dma_start3A_186 = tpu.memref_slice %arg5[%arg0, %dma_start3A_184, %dma_start3A_185] : memref<2x10240x64xf32, #tpu.memory_space<hbm>> -> memref<1x10240x64xf32, #tpu.memory_space<hbm>>
    %dma_start3A_187 = tpu.memref_squeeze %dma_start3A_186 : memref<1x10240x64xf32, #tpu.memory_space<hbm>> -> memref<10240x64xf32, #tpu.memory_space<hbm>>
    %dma_start3A_188 = arith.constant 0 : i32
    %dma_start3A_189 = arith.constant 0 : i32
    %dma_start3A_190 = tpu.memref_slice %dma_start3A_187[%dma_start3A_188, %dma_start3A_189] : memref<10240x64xf32, #tpu.memory_space<hbm>> -> memref<10240x64xf32, #tpu.memory_space<hbm>>
    tpu.enqueue_indirect_dma source(%dma_start3A_190 : memref<10240x64xf32, #tpu.memory_space<hbm>>) target(%dma_start3A_180 : memref<128x64xf32, #tpu.memory_space<vmem>>) offsets(%dma_start3A_183 : memref<128xi32, #tpu.memory_space<vmem>>) semaphore(%arg16 : memref<!tpu.dma_semaphore, #tpu.memory_space<semaphore_mem>>)
    %dma_start3A_191 = arith.constant 2 : i32
    %dma_start3A_192 = arith.constant 2 : i32
    %dma_start3A_193 = arith.constant 0 : i32
    %dma_start3A_194 = arith.constant 0 : i32
    %dma_start3A_195 = tpu.memref_slice %arg12[%dma_start3A_192, %dma_start3A_193, %dma_start3A_194] : memref<5x128x64xf32, #tpu.memory_space<vmem>> -> memref<1x128x64xf32, #tpu.memory_space<vmem>>
    %dma_start3A_196 = tpu.memref_squeeze %dma_start3A_195 : memref<1x128x64xf32, #tpu.memory_space<vmem>> -> memref<128x64xf32, #tpu.memory_space<vmem>>
    %dma_start3A_197 = arith.constant 0 : i32
    %dma_start3A_198 = tpu.memref_slice %arg11[%dma_start3A_191, %dma_start3A_197] : memref<157x128xi32, #tpu.memory_space<vmem>> -> memref<1x128xi32, #tpu.memory_space<vmem>>
    %dma_start3A_199 = tpu.memref_squeeze %dma_start3A_198 : memref<1x128xi32, #tpu.memory_space<vmem>> -> memref<128xi32, #tpu.memory_space<vmem>>
    %dma_start3A_200 = arith.constant 0 : i32
    %dma_start3A_201 = arith.constant 0 : i32
    %dma_start3A_202 = tpu.memref_slice %arg5[%arg0, %dma_start3A_200, %dma_start3A_201] : memref<2x10240x64xf32, #tpu.memory_space<hbm>> -> memref<1x10240x64xf32, #tpu.memory_space<hbm>>
    %dma_start3A_203 = tpu.memref_squeeze %dma_start3A_202 : memref<1x10240x64xf32, #tpu.memory_space<hbm>> -> memref<10240x64xf32, #tpu.memory_space<hbm>>
    %dma_start3A_204 = arith.constant 0 : i32
    %dma_start3A_205 = arith.constant 0 : i32
    %dma_start3A_206 = tpu.memref_slice %dma_start3A_203[%dma_start3A_204, %dma_start3A_205] : memref<10240x64xf32, #tpu.memory_space<hbm>> -> memref<10240x64xf32, #tpu.memory_space<hbm>>
    tpu.enqueue_indirect_dma source(%dma_start3A_206 : memref<10240x64xf32, #tpu.memory_space<hbm>>) target(%dma_start3A_196 : memref<128x64xf32, #tpu.memory_space<vmem>>) offsets(%dma_start3A_199 : memref<128xi32, #tpu.memory_space<vmem>>) semaphore(%arg16 : memref<!tpu.dma_semaphore, #tpu.memory_space<semaphore_mem>>)
    %scan3A_207 = arith.constant 0 : i32
    %scan3A_208 = arith.constant 0 : i32
    %scan3A_209 = arith.constant 157 : i32
    %scan3A_210 = arith.addi %scan3A_208, %scan3A_209 : i32
    %scan3A_211 = arith.constant 1 : i32
    %scan3A_212 = scf.for %scan3A_246 = %scan3A_208 to %scan3A_210 step %scan3A_211 iter_args(%scan3A_247 = %scan3A_207) -> (i32)  : i32 {
      %rem3A = arith.constant 5 : i32
      %rem3A_248 = arith.remsi %scan3A_246, %rem3A : i32
      %dma_wait3A_249 = arith.constant 0 : i32
      %dma_wait3A_250 = arith.constant 0 : i32
      %dma_wait3A_251 = tpu.memref_slice %arg12[%rem3A_248, %dma_wait3A_249, %dma_wait3A_250] : memref<5x128x64xf32, #tpu.memory_space<vmem>> -> memref<1x128x64xf32, #tpu.memory_space<vmem>>
      %dma_wait3A_252 = tpu.memref_squeeze %dma_wait3A_251 : memref<1x128x64xf32, #tpu.memory_space<vmem>> -> memref<128x64xf32, #tpu.memory_space<vmem>>
      %dma_wait3A_253 = arith.constant 0 : i32
      %dma_wait3A_254 = tpu.memref_slice %arg11[%scan3A_246, %dma_wait3A_253] : memref<157x128xi32, #tpu.memory_space<vmem>> -> memref<1x128xi32, #tpu.memory_space<vmem>>
      %dma_wait3A_255 = tpu.memref_squeeze %dma_wait3A_254 : memref<1x128xi32, #tpu.memory_space<vmem>> -> memref<128xi32, #tpu.memory_space<vmem>>
      %dma_wait3A_256 = arith.constant 0 : i32
      %dma_wait3A_257 = arith.constant 0 : i32
      %dma_wait3A_258 = tpu.memref_slice %arg5[%arg0, %dma_wait3A_256, %dma_wait3A_257] : memref<2x10240x64xf32, #tpu.memory_space<hbm>> -> memref<1x10240x64xf32, #tpu.memory_space<hbm>>
      %dma_wait3A_259 = tpu.memref_squeeze %dma_wait3A_258 : memref<1x10240x64xf32, #tpu.memory_space<hbm>> -> memref<10240x64xf32, #tpu.memory_space<hbm>>
      %dma_wait3A_260 = arith.constant 0 : i32
      %dma_wait3A_261 = arith.constant 0 : i32
      %dma_wait3A_262 = tpu.memref_slice %dma_wait3A_259[%dma_wait3A_260, %dma_wait3A_261] : memref<10240x64xf32, #tpu.memory_space<hbm>> -> memref<10240x64xf32, #tpu.memory_space<hbm>>
      tpu.wait_indirect_dma semaphore(%arg16 : memref<!tpu.dma_semaphore, #tpu.memory_space<semaphore_mem>>) src(%dma_wait3A_262 : memref<10240x64xf32, #tpu.memory_space<hbm>>) dst(%dma_wait3A_252 : memref<128x64xf32, #tpu.memory_space<vmem>>)
      %ge3A = arith.constant 2 : i32
      %ge3A_263 = arith.cmpi sge, %scan3A_246, %ge3A : i32
      %convert_element_type3A = arith.extui %ge3A_263 : i1 to i32
      %cond3A = arith.constant 0 : i32
      %cond3A_264 = arith.cmpi ne, %convert_element_type3A, %cond3A : i32
      scf.if %cond3A_264 {
        %dma_wait3A_281 = arith.constant 0 : i32
        %dma_wait3A_282 = arith.constant 0 : i32
        %dma_wait3A_283 = tpu.memref_slice %arg12[%rem3A_248, %dma_wait3A_281, %dma_wait3A_282] : memref<5x128x64xf32, #tpu.memory_space<vmem>> -> memref<1x128x64xf32, #tpu.memory_space<vmem>>
        %dma_wait3A_284 = tpu.memref_squeeze %dma_wait3A_283 : memref<1x128x64xf32, #tpu.memory_space<vmem>> -> memref<128x64xf32, #tpu.memory_space<vmem>>
        %dma_wait3A_285 = arith.constant 0 : i32
        %dma_wait3A_286 = tpu.memref_slice %arg10[%scan3A_246, %dma_wait3A_285] : memref<157x128xi32, #tpu.memory_space<vmem>> -> memref<1x128xi32, #tpu.memory_space<vmem>>
        %dma_wait3A_287 = tpu.memref_squeeze %dma_wait3A_286 : memref<1x128xi32, #tpu.memory_space<vmem>> -> memref<128xi32, #tpu.memory_space<vmem>>
        %dma_wait3A_288 = arith.constant 0 : i32
        %dma_wait3A_289 = arith.constant 0 : i32
        %dma_wait3A_290 = tpu.memref_slice %arg7[%dma_wait3A_288, %dma_wait3A_289] : memref<10240x64xf32, #tpu.memory_space<vmem_shared>> -> memref<10240x64xf32, #tpu.memory_space<vmem_shared>>
        tpu.wait_indirect_dma semaphore(%arg17 : memref<!tpu.dma_semaphore, #tpu.memory_space<semaphore_mem>>) src(%dma_wait3A_284 : memref<128x64xf32, #tpu.memory_space<vmem>>) dst(%dma_wait3A_290 : memref<10240x64xf32, #tpu.memory_space<vmem_shared>>)
      } else {
      }
      %add3A = arith.constant 3 : i32
      %add3A_265 = arith.addi %scan3A_246, %add3A : i32
      %lt3A = arith.constant 157 : i32
      %lt3A_266 = arith.cmpi slt, %add3A_265, %lt3A : i32
      %convert_element_type3A_267 = arith.extui %lt3A_266 : i1 to i32
      %cond3A_268 = arith.constant 0 : i32
      %cond3A_269 = arith.cmpi ne, %convert_element_type3A_267, %cond3A_268 : i32
      scf.if %cond3A_269 {
        %add3A_281 = arith.constant 3 : i32
        %add3A_282 = arith.addi %scan3A_246, %add3A_281 : i32
        %add3A_283 = arith.constant 3 : i32
        %add3A_284 = arith.addi %scan3A_246, %add3A_283 : i32
        %rem3A_285 = arith.constant 5 : i32
        %rem3A_286 = arith.remsi %add3A_284, %rem3A_285 : i32
        %dma_start3A_287 = arith.constant 0 : i32
        %dma_start3A_288 = arith.constant 0 : i32
        %dma_start3A_289 = tpu.memref_slice %arg12[%rem3A_286, %dma_start3A_287, %dma_start3A_288] : memref<5x128x64xf32, #tpu.memory_space<vmem>> -> memref<1x128x64xf32, #tpu.memory_space<vmem>>
        %dma_start3A_290 = tpu.memref_squeeze %dma_start3A_289 : memref<1x128x64xf32, #tpu.memory_space<vmem>> -> memref<128x64xf32, #tpu.memory_space<vmem>>
        %dma_start3A_291 = arith.constant 0 : i32
        %dma_start3A_292 = tpu.memref_slice %arg11[%add3A_282, %dma_start3A_291] : memref<157x128xi32, #tpu.memory_space<vmem>> -> memref<1x128xi32, #tpu.memory_space<vmem>>
        %dma_start3A_293 = tpu.memref_squeeze %dma_start3A_292 : memref<1x128xi32, #tpu.memory_space<vmem>> -> memref<128xi32, #tpu.memory_space<vmem>>
        %dma_start3A_294 = arith.constant 0 : i32
        %dma_start3A_295 = arith.constant 0 : i32
        %dma_start3A_296 = tpu.memref_slice %arg5[%arg0, %dma_start3A_294, %dma_start3A_295] : memref<2x10240x64xf32, #tpu.memory_space<hbm>> -> memref<1x10240x64xf32, #tpu.memory_space<hbm>>
        %dma_start3A_297 = tpu.memref_squeeze %dma_start3A_296 : memref<1x10240x64xf32, #tpu.memory_space<hbm>> -> memref<10240x64xf32, #tpu.memory_space<hbm>>
        %dma_start3A_298 = arith.constant 0 : i32
        %dma_start3A_299 = arith.constant 0 : i32
        %dma_start3A_300 = tpu.memref_slice %dma_start3A_297[%dma_start3A_298, %dma_start3A_299] : memref<10240x64xf32, #tpu.memory_space<hbm>> -> memref<10240x64xf32, #tpu.memory_space<hbm>>
        tpu.enqueue_indirect_dma source(%dma_start3A_300 : memref<10240x64xf32, #tpu.memory_space<hbm>>) target(%dma_start3A_290 : memref<128x64xf32, #tpu.memory_space<vmem>>) offsets(%dma_start3A_293 : memref<128xi32, #tpu.memory_space<vmem>>) semaphore(%arg16 : memref<!tpu.dma_semaphore, #tpu.memory_space<semaphore_mem>>)
      } else {
      }
      %dma_start3A_270 = arith.constant 0 : i32
      %dma_start3A_271 = arith.constant 0 : i32
      %dma_start3A_272 = tpu.memref_slice %arg12[%rem3A_248, %dma_start3A_270, %dma_start3A_271] : memref<5x128x64xf32, #tpu.memory_space<vmem>> -> memref<1x128x64xf32, #tpu.memory_space<vmem>>
      %dma_start3A_273 = tpu.memref_squeeze %dma_start3A_272 : memref<1x128x64xf32, #tpu.memory_space<vmem>> -> memref<128x64xf32, #tpu.memory_space<vmem>>
      %dma_start3A_274 = arith.constant 0 : i32
      %dma_start3A_275 = tpu.memref_slice %arg10[%scan3A_246, %dma_start3A_274] : memref<157x128xi32, #tpu.memory_space<vmem>> -> memref<1x128xi32, #tpu.memory_space<vmem>>
      %dma_start3A_276 = tpu.memref_squeeze %dma_start3A_275 : memref<1x128xi32, #tpu.memory_space<vmem>> -> memref<128xi32, #tpu.memory_space<vmem>>
      %dma_start3A_277 = arith.constant 0 : i32
      %dma_start3A_278 = arith.constant 0 : i32
      %dma_start3A_279 = tpu.memref_slice %arg7[%dma_start3A_277, %dma_start3A_278] : memref<10240x64xf32, #tpu.memory_space<vmem_shared>> -> memref<10240x64xf32, #tpu.memory_space<vmem_shared>>
      tpu.enqueue_indirect_dma source(%dma_start3A_273 : memref<128x64xf32, #tpu.memory_space<vmem>>) target(%dma_start3A_279 : memref<10240x64xf32, #tpu.memory_space<vmem_shared>>) offsets(%dma_start3A_276 : memref<128xi32, #tpu.memory_space<vmem>>) semaphore(%arg17 : memref<!tpu.dma_semaphore, #tpu.memory_space<semaphore_mem>>) {add = true}
      %scan3A_280 = arith.constant 0 : i32
      scf.yield %scan3A_280 : i32
    }
    %scan3A_213 = arith.constant 157 : i32
    %dma_wait3A_214 = arith.constant 0 : i32
    %dma_wait3A_215 = arith.constant 0 : i32
    %dma_wait3A_216 = arith.constant 0 : i32
    %dma_wait3A_217 = arith.constant 0 : i32
    %dma_wait3A_218 = tpu.memref_slice %arg12[%dma_wait3A_214, %dma_wait3A_216, %dma_wait3A_217] : memref<5x128x64xf32, #tpu.memory_space<vmem>> -> memref<1x128x64xf32, #tpu.memory_space<vmem>>
    %dma_wait3A_219 = tpu.memref_squeeze %dma_wait3A_218 : memref<1x128x64xf32, #tpu.memory_space<vmem>> -> memref<128x64xf32, #tpu.memory_space<vmem>>
    %dma_wait3A_220 = arith.constant 0 : i32
    %dma_wait3A_221 = tpu.memref_slice %arg10[%dma_wait3A_215, %dma_wait3A_220] : memref<157x128xi32, #tpu.memory_space<vmem>> -> memref<1x128xi32, #tpu.memory_space<vmem>>
    %dma_wait3A_222 = tpu.memref_squeeze %dma_wait3A_221 : memref<1x128xi32, #tpu.memory_space<vmem>> -> memref<128xi32, #tpu.memory_space<vmem>>
    %dma_wait3A_223 = arith.constant 0 : i32
    %dma_wait3A_224 = arith.constant 0 : i32
    %dma_wait3A_225 = tpu.memref_slice %arg7[%dma_wait3A_223, %dma_wait3A_224] : memref<10240x64xf32, #tpu.memory_space<vmem_shared>> -> memref<10240x64xf32, #tpu.memory_space<vmem_shared>>
    tpu.wait_indirect_dma semaphore(%arg17 : memref<!tpu.dma_semaphore, #tpu.memory_space<semaphore_mem>>) src(%dma_wait3A_219 : memref<128x64xf32, #tpu.memory_space<vmem>>) dst(%dma_wait3A_225 : memref<10240x64xf32, #tpu.memory_space<vmem_shared>>)
    %dma_wait3A_226 = arith.constant 0 : i32
    %dma_wait3A_227 = arith.constant 0 : i32
    %dma_wait3A_228 = arith.constant 0 : i32
    %dma_wait3A_229 = arith.constant 0 : i32
    %dma_wait3A_230 = tpu.memref_slice %arg12[%dma_wait3A_226, %dma_wait3A_228, %dma_wait3A_229] : memref<5x128x64xf32, #tpu.memory_space<vmem>> -> memref<1x128x64xf32, #tpu.memory_space<vmem>>
    %dma_wait3A_231 = tpu.memref_squeeze %dma_wait3A_230 : memref<1x128x64xf32, #tpu.memory_space<vmem>> -> memref<128x64xf32, #tpu.memory_space<vmem>>
    %dma_wait3A_232 = arith.constant 0 : i32
    %dma_wait3A_233 = tpu.memref_slice %arg10[%dma_wait3A_227, %dma_wait3A_232] : memref<157x128xi32, #tpu.memory_space<vmem>> -> memref<1x128xi32, #tpu.memory_space<vmem>>
    %dma_wait3A_234 = tpu.memref_squeeze %dma_wait3A_233 : memref<1x128xi32, #tpu.memory_space<vmem>> -> memref<128xi32, #tpu.memory_space<vmem>>
    %dma_wait3A_235 = arith.constant 0 : i32
    %dma_wait3A_236 = arith.constant 0 : i32
    %dma_wait3A_237 = tpu.memref_slice %arg7[%dma_wait3A_235, %dma_wait3A_236] : memref<10240x64xf32, #tpu.memory_space<vmem_shared>> -> memref<10240x64xf32, #tpu.memory_space<vmem_shared>>
    tpu.wait_indirect_dma semaphore(%arg17 : memref<!tpu.dma_semaphore, #tpu.memory_space<semaphore_mem>>) src(%dma_wait3A_231 : memref<128x64xf32, #tpu.memory_space<vmem>>) dst(%dma_wait3A_237 : memref<10240x64xf32, #tpu.memory_space<vmem_shared>>)
    %barrier3A_238 = arith.constant 0 : index
    tpu.barrier barrier_id(%barrier3A_238)
    %scan3A_239 = arith.constant 0 : i32
    %scan3A_240 = arith.constant 0 : i32
    %scan3A_241 = arith.constant 10 : i32
    %scan3A_242 = arith.addi %scan3A_240, %scan3A_241 : i32
    %scan3A_243 = arith.constant 1 : i32
    %scan3A_244 = scf.for %scan3A_246 = %scan3A_240 to %scan3A_242 step %scan3A_243 iter_args(%scan3A_247 = %scan3A_239) -> (i32)  : i32 {
      %mul3A_248 = arith.constant 64 : i32
      %mul3A_249 = arith.muli %scan3A_246, %mul3A_248 : i32
      %add3A = arith.addi %mul3A_0, %mul3A_249 : i32
      "tpu.region"() ({
        %run_scoped3A = tpu.sem_alloc : memref<!tpu.dma_semaphore, #tpu.memory_space<semaphore_mem>>
        %dma_start3A_258 = tpu.memref_slice %arg9[%add3A] : memref<10240xf32, #tpu.memory_space<vmem_shared>> -> memref<64xf32, #tpu.memory_space<vmem_shared>>
        %dma_start3A_259 = tpu.memref_slice %arg9[%add3A] : memref<10240xf32, #tpu.memory_space<vmem_shared>> -> memref<64xf32, #tpu.memory_space<vmem_shared>>
        tpu.enqueue_dma source(%dma_start3A_259 : memref<64xf32, #tpu.memory_space<vmem_shared>>) target(%arg14 : memref<64xf32, #tpu.memory_space<vmem>>) target_semaphore(%run_scoped3A : memref<!tpu.dma_semaphore, #tpu.memory_space<semaphore_mem>>)
        %dma_wait3A_260 = tpu.memref_slice %arg9[%add3A] : memref<10240xf32, #tpu.memory_space<vmem_shared>> -> memref<64xf32, #tpu.memory_space<vmem_shared>>
        %dma_wait3A_261 = tpu.memref_slice %arg9[%add3A] : memref<10240xf32, #tpu.memory_space<vmem_shared>> -> memref<64xf32, #tpu.memory_space<vmem_shared>>
        tpu.wait_dma2 semaphore(%run_scoped3A : memref<!tpu.dma_semaphore, #tpu.memory_space<semaphore_mem>>) src(%dma_wait3A_261 : memref<64xf32, #tpu.memory_space<vmem_shared>>) dst(%arg14 : memref<64xf32, #tpu.memory_space<vmem>>)
        tpu.yield
      }) : () -> ()
      "tpu.region"() ({
        %run_scoped3A = tpu.sem_alloc : memref<!tpu.dma_semaphore, #tpu.memory_space<semaphore_mem>>
        %dma_start3A_258 = arith.constant 0 : i32
        %dma_start3A_259 = tpu.memref_slice %arg7[%add3A, %dma_start3A_258] : memref<10240x64xf32, #tpu.memory_space<vmem_shared>> -> memref<64x64xf32, #tpu.memory_space<vmem_shared>>
        %dma_start3A_260 = arith.constant 0 : i32
        %dma_start3A_261 = tpu.memref_slice %arg7[%add3A, %dma_start3A_260] : memref<10240x64xf32, #tpu.memory_space<vmem_shared>> -> memref<64x64xf32, #tpu.memory_space<vmem_shared>>
        tpu.enqueue_dma source(%dma_start3A_261 : memref<64x64xf32, #tpu.memory_space<vmem_shared>>) target(%arg13 : memref<64x64xf32, #tpu.memory_space<vmem>>) target_semaphore(%run_scoped3A : memref<!tpu.dma_semaphore, #tpu.memory_space<semaphore_mem>>)
        %dma_wait3A_262 = arith.constant 0 : i32
        %dma_wait3A_263 = tpu.memref_slice %arg7[%add3A, %dma_wait3A_262] : memref<10240x64xf32, #tpu.memory_space<vmem_shared>> -> memref<64x64xf32, #tpu.memory_space<vmem_shared>>
        %dma_wait3A_264 = arith.constant 0 : i32
        %dma_wait3A_265 = tpu.memref_slice %arg7[%add3A, %dma_wait3A_264] : memref<10240x64xf32, #tpu.memory_space<vmem_shared>> -> memref<64x64xf32, #tpu.memory_space<vmem_shared>>
        tpu.wait_dma2 semaphore(%run_scoped3A : memref<!tpu.dma_semaphore, #tpu.memory_space<semaphore_mem>>) src(%dma_wait3A_265 : memref<64x64xf32, #tpu.memory_space<vmem_shared>>) dst(%arg13 : memref<64x64xf32, #tpu.memory_space<vmem>>)
        tpu.yield
      }) : () -> ()
      %scan3A_250 = arith.constant 0 : i32
      %scan3A_251 = arith.constant 0 : i32
      %scan3A_252 = arith.constant 4 : i32
      %scan3A_253 = arith.addi %scan3A_251, %scan3A_252 : i32
      %scan3A_254 = arith.constant 1 : i32
      %scan3A_255 = scf.for %scan3A_258 = %scan3A_251 to %scan3A_253 step %scan3A_254 iter_args(%scan3A_259 = %scan3A_250) -> (i32)  : i32 {
        %mul3A_260 = arith.constant 16 : i32
        %mul3A_261 = arith.muli %mul3A_260, %scan3A_258 : i32
        %get3A = arith.index_cast %mul3A_261 : i32 to index
        %get3A_262 = tpu.vector_load %arg14[%get3A] {strides = array<i32>} : memref<64xf32, #tpu.memory_space<vmem>>, vector<16xf32>,
        %get3A_263 = vector.shape_cast %get3A_262 : vector<16xf32> to vector<16xf32>
        %max3A = arith.constant 1.000000e+00 : f32
        %max3A_264 = vector.broadcast %max3A : f32 to vector<16xf32>
        %max3A_265 = arith.maximumf %get3A_263, %max3A_264 : vector<16xf32>
        %div3A = arith.constant 1.000000e+00 : f32
        %div3A_266 = vector.broadcast %div3A : f32 to vector<16xf32>
        %div3A_267 = arith.divf %div3A_266, %max3A_265 : vector<16xf32>
        %slice3A = vector.extract_strided_slice %div3A_267 {offsets = [0], sizes = [1], strides = [1]} : vector<16xf32> to vector<1xf32>
        %squeeze3A = vector.extract %slice3A[0] : f32 from vector<1xf32>
        %mul3A_268 = arith.constant 16 : i32
        %mul3A_269 = arith.muli %mul3A_268, %scan3A_258 : i32
        %add3A_270 = arith.constant 0 : i32
        %add3A_271 = arith.addi %mul3A_269, %add3A_270 : i32
        %get3A_272 = arith.index_cast %add3A_271 : i32 to index
        %get3A_273 = arith.constant 0 : index
        %get3A_274 = tpu.vector_load %arg13[%get3A_272, %get3A_273] {strides = array<i32>} : memref<64x64xf32, #tpu.memory_space<vmem>>, vector<1x16xf32>,
        %get3A_275 = vector.shape_cast %get3A_274 : vector<1x16xf32> to vector<16xf32>
        %mul3A_276 = vector.broadcast %squeeze3A : f32 to vector<16xf32>
        %mul3A_277 = arith.mulf %get3A_275, %mul3A_276 : vector<16xf32>
        %swap3A = arith.index_cast %add3A_271 : i32 to index
        %swap3A_278 = arith.constant 0 : index
        %swap3A_279 = tpu.vector_load %arg13[%swap3A, %swap3A_278] {strides = array<i32>} : memref<64x64xf32, #tpu.memory_space<vmem>>, vector<1x16xf32>,
        %swap3A_280 = vector.shape_cast %swap3A_279 : vector<1x16xf32> to vector<16xf32>
        %swap3A_281 = vector.shape_cast %mul3A_277 : vector<16xf32> to vector<1x16xf32>
        tpu.vector_store %arg13[%swap3A, %swap3A_278], %swap3A_281 {strides = array<i32>} : memref<64x64xf32, #tpu.memory_space<vmem>>, vector<1x16xf32>,
        %get3A_282 = arith.index_cast %add3A_271 : i32 to index
        %get3A_283 = arith.constant 16 : index
        %get3A_284 = tpu.vector_load %arg13[%get3A_282, %get3A_283] {strides = array<i32>} : memref<64x64xf32, #tpu.memory_space<vmem>>, vector<1x16xf32>,
        %get3A_285 = vector.shape_cast %get3A_284 : vector<1x16xf32> to vector<16xf32>
        %mul3A_286 = vector.broadcast %squeeze3A : f32 to vector<16xf32>
        %mul3A_287 = arith.mulf %get3A_285, %mul3A_286 : vector<16xf32>
        %swap3A_288 = arith.index_cast %add3A_271 : i32 to index
        %swap3A_289 = arith.constant 16 : index
        %swap3A_290 = tpu.vector_load %arg13[%swap3A_288, %swap3A_289] {strides = array<i32>} : memref<64x64xf32, #tpu.memory_space<vmem>>, vector<1x16xf32>,
        %swap3A_291 = vector.shape_cast %swap3A_290 : vector<1x16xf32> to vector<16xf32>
        %swap3A_292 = vector.shape_cast %mul3A_287 : vector<16xf32> to vector<1x16xf32>
        tpu.vector_store %arg13[%swap3A_288, %swap3A_289], %swap3A_292 {strides = array<i32>} : memref<64x64xf32, #tpu.memory_space<vmem>>, vector<1x16xf32>,
        %get3A_293 = arith.index_cast %add3A_271 : i32 to index
        %get3A_294 = arith.constant 32 : index
        %get3A_295 = tpu.vector_load %arg13[%get3A_293, %get3A_294] {strides = array<i32>} : memref<64x64xf32, #tpu.memory_space<vmem>>, vector<1x16xf32>,
        %get3A_296 = vector.shape_cast %get3A_295 : vector<1x16xf32> to vector<16xf32>
        %mul3A_297 = vector.broadcast %squeeze3A : f32 to vector<16xf32>
        %mul3A_298 = arith.mulf %get3A_296, %mul3A_297 : vector<16xf32>
        %swap3A_299 = arith.index_cast %add3A_271 : i32 to index
        %swap3A_300 = arith.constant 32 : index
        %swap3A_301 = tpu.vector_load %arg13[%swap3A_299, %swap3A_300] {strides = array<i32>} : memref<64x64xf32, #tpu.memory_space<vmem>>, vector<1x16xf32>,
        %swap3A_302 = vector.shape_cast %swap3A_301 : vector<1x16xf32> to vector<16xf32>
        %swap3A_303 = vector.shape_cast %mul3A_298 : vector<16xf32> to vector<1x16xf32>
        tpu.vector_store %arg13[%swap3A_299, %swap3A_300], %swap3A_303 {strides = array<i32>} : memref<64x64xf32, #tpu.memory_space<vmem>>, vector<1x16xf32>,
        %get3A_304 = arith.index_cast %add3A_271 : i32 to index
        %get3A_305 = arith.constant 48 : index
        %get3A_306 = tpu.vector_load %arg13[%get3A_304, %get3A_305] {strides = array<i32>} : memref<64x64xf32, #tpu.memory_space<vmem>>, vector<1x16xf32>,
        %get3A_307 = vector.shape_cast %get3A_306 : vector<1x16xf32> to vector<16xf32>
        %mul3A_308 = vector.broadcast %squeeze3A : f32 to vector<16xf32>
        %mul3A_309 = arith.mulf %get3A_307, %mul3A_308 : vector<16xf32>
        %swap3A_310 = arith.index_cast %add3A_271 : i32 to index
        %swap3A_311 = arith.constant 48 : index
        %swap3A_312 = tpu.vector_load %arg13[%swap3A_310, %swap3A_311] {strides = array<i32>} : memref<64x64xf32, #tpu.memory_space<vmem>>, vector<1x16xf32>,
        %swap3A_313 = vector.shape_cast %swap3A_312 : vector<1x16xf32> to vector<16xf32>
        %swap3A_314 = vector.shape_cast %mul3A_309 : vector<16xf32> to vector<1x16xf32>
        tpu.vector_store %arg13[%swap3A_310, %swap3A_311], %swap3A_314 {strides = array<i32>} : memref<64x64xf32, #tpu.memory_space<vmem>>, vector<1x16xf32>,
        %slice3A_315 = vector.extract_strided_slice %div3A_267 {offsets = [1], sizes = [1], strides = [1]} : vector<16xf32> to vector<1xf32>
        %squeeze3A_316 = vector.extract %slice3A_315[0] : f32 from vector<1xf32>
        %mul3A_317 = arith.constant 16 : i32
        %mul3A_318 = arith.muli %mul3A_317, %scan3A_258 : i32
        %add3A_319 = arith.constant 1 : i32
        %add3A_320 = arith.addi %mul3A_318, %add3A_319 : i32
        %get3A_321 = arith.index_cast %add3A_320 : i32 to index
        %get3A_322 = arith.constant 0 : index
        %get3A_323 = tpu.vector_load %arg13[%get3A_321, %get3A_322] {strides = array<i32>} : memref<64x64xf32, #tpu.memory_space<vmem>>, vector<1x16xf32>,
        %get3A_324 = vector.shape_cast %get3A_323 : vector<1x16xf32> to vector<16xf32>
        %mul3A_325 = vector.broadcast %squeeze3A_316 : f32 to vector<16xf32>
        %mul3A_326 = arith.mulf %get3A_324, %mul3A_325 : vector<16xf32>
        %swap3A_327 = arith.index_cast %add3A_320 : i32 to index
        %swap3A_328 = arith.constant 0 : index
        %swap3A_329 = tpu.vector_load %arg13[%swap3A_327, %swap3A_328] {strides = array<i32>} : memref<64x64xf32, #tpu.memory_space<vmem>>, vector<1x16xf32>,
        %swap3A_330 = vector.shape_cast %swap3A_329 : vector<1x16xf32> to vector<16xf32>
        %swap3A_331 = vector.shape_cast %mul3A_326 : vector<16xf32> to vector<1x16xf32>
        tpu.vector_store %arg13[%swap3A_327, %swap3A_328], %swap3A_331 {strides = array<i32>} : memref<64x64xf32, #tpu.memory_space<vmem>>, vector<1x16xf32>,
        %get3A_332 = arith.index_cast %add3A_320 : i32 to index
        %get3A_333 = arith.constant 16 : index
        %get3A_334 = tpu.vector_load %arg13[%get3A_332, %get3A_333] {strides = array<i32>} : memref<64x64xf32, #tpu.memory_space<vmem>>, vector<1x16xf32>,
        %get3A_335 = vector.shape_cast %get3A_334 : vector<1x16xf32> to vector<16xf32>
        %mul3A_336 = vector.broadcast %squeeze3A_316 : f32 to vector<16xf32>
        %mul3A_337 = arith.mulf %get3A_335, %mul3A_336 : vector<16xf32>
        %swap3A_338 = arith.index_cast %add3A_320 : i32 to index
        %swap3A_339 = arith.constant 16 : index
        %swap3A_340 = tpu.vector_load %arg13[%swap3A_338, %swap3A_339] {strides = array<i32>} : memref<64x64xf32, #tpu.memory_space<vmem>>, vector<1x16xf32>,
        %swap3A_341 = vector.shape_cast %swap3A_340 : vector<1x16xf32> to vector<16xf32>
        %swap3A_342 = vector.shape_cast %mul3A_337 : vector<16xf32> to vector<1x16xf32>
        tpu.vector_store %arg13[%swap3A_338, %swap3A_339], %swap3A_342 {strides = array<i32>} : memref<64x64xf32, #tpu.memory_space<vmem>>, vector<1x16xf32>,
        %get3A_343 = arith.index_cast %add3A_320 : i32 to index
        %get3A_344 = arith.constant 32 : index
        %get3A_345 = tpu.vector_load %arg13[%get3A_343, %get3A_344] {strides = array<i32>} : memref<64x64xf32, #tpu.memory_space<vmem>>, vector<1x16xf32>,
        %get3A_346 = vector.shape_cast %get3A_345 : vector<1x16xf32> to vector<16xf32>
        %mul3A_347 = vector.broadcast %squeeze3A_316 : f32 to vector<16xf32>
        %mul3A_348 = arith.mulf %get3A_346, %mul3A_347 : vector<16xf32>
        %swap3A_349 = arith.index_cast %add3A_320 : i32 to index
        %swap3A_350 = arith.constant 32 : index
        %swap3A_351 = tpu.vector_load %arg13[%swap3A_349, %swap3A_350] {strides = array<i32>} : memref<64x64xf32, #tpu.memory_space<vmem>>, vector<1x16xf32>,
        %swap3A_352 = vector.shape_cast %swap3A_351 : vector<1x16xf32> to vector<16xf32>
        %swap3A_353 = vector.shape_cast %mul3A_348 : vector<16xf32> to vector<1x16xf32>
        tpu.vector_store %arg13[%swap3A_349, %swap3A_350], %swap3A_353 {strides = array<i32>} : memref<64x64xf32, #tpu.memory_space<vmem>>, vector<1x16xf32>,
        %get3A_354 = arith.index_cast %add3A_320 : i32 to index
        %get3A_355 = arith.constant 48 : index
        %get3A_356 = tpu.vector_load %arg13[%get3A_354, %get3A_355] {strides = array<i32>} : memref<64x64xf32, #tpu.memory_space<vmem>>, vector<1x16xf32>,
        %get3A_357 = vector.shape_cast %get3A_356 : vector<1x16xf32> to vector<16xf32>
        %mul3A_358 = vector.broadcast %squeeze3A_316 : f32 to vector<16xf32>
        %mul3A_359 = arith.mulf %get3A_357, %mul3A_358 : vector<16xf32>
        %swap3A_360 = arith.index_cast %add3A_320 : i32 to index
        %swap3A_361 = arith.constant 48 : index
        %swap3A_362 = tpu.vector_load %arg13[%swap3A_360, %swap3A_361] {strides = array<i32>} : memref<64x64xf32, #tpu.memory_space<vmem>>, vector<1x16xf32>,
        %swap3A_363 = vector.shape_cast %swap3A_362 : vector<1x16xf32> to vector<16xf32>
        %swap3A_364 = vector.shape_cast %mul3A_359 : vector<16xf32> to vector<1x16xf32>
        tpu.vector_store %arg13[%swap3A_360, %swap3A_361], %swap3A_364 {strides = array<i32>} : memref<64x64xf32, #tpu.memory_space<vmem>>, vector<1x16xf32>,
        %slice3A_365 = vector.extract_strided_slice %div3A_267 {offsets = [2], sizes = [1], strides = [1]} : vector<16xf32> to vector<1xf32>
        %squeeze3A_366 = vector.extract %slice3A_365[0] : f32 from vector<1xf32>
        %mul3A_367 = arith.constant 16 : i32
        %mul3A_368 = arith.muli %mul3A_367, %scan3A_258 : i32
        %add3A_369 = arith.constant 2 : i32
        %add3A_370 = arith.addi %mul3A_368, %add3A_369 : i32
        %get3A_371 = arith.index_cast %add3A_370 : i32 to index
        %get3A_372 = arith.constant 0 : index
        %get3A_373 = tpu.vector_load %arg13[%get3A_371, %get3A_372] {strides = array<i32>} : memref<64x64xf32, #tpu.memory_space<vmem>>, vector<1x16xf32>,
        %get3A_374 = vector.shape_cast %get3A_373 : vector<1x16xf32> to vector<16xf32>
        %mul3A_375 = vector.broadcast %squeeze3A_366 : f32 to vector<16xf32>
        %mul3A_376 = arith.mulf %get3A_374, %mul3A_375 : vector<16xf32>
        %swap3A_377 = arith.index_cast %add3A_370 : i32 to index
        %swap3A_378 = arith.constant 0 : index
        %swap3A_379 = tpu.vector_load %arg13[%swap3A_377, %swap3A_378] {strides = array<i32>} : memref<64x64xf32, #tpu.memory_space<vmem>>, vector<1x16xf32>,
        %swap3A_380 = vector.shape_cast %swap3A_379 : vector<1x16xf32> to vector<16xf32>
        %swap3A_381 = vector.shape_cast %mul3A_376 : vector<16xf32> to vector<1x16xf32>
        tpu.vector_store %arg13[%swap3A_377, %swap3A_378], %swap3A_381 {strides = array<i32>} : memref<64x64xf32, #tpu.memory_space<vmem>>, vector<1x16xf32>,
        %get3A_382 = arith.index_cast %add3A_370 : i32 to index
        %get3A_383 = arith.constant 16 : index
        %get3A_384 = tpu.vector_load %arg13[%get3A_382, %get3A_383] {strides = array<i32>} : memref<64x64xf32, #tpu.memory_space<vmem>>, vector<1x16xf32>,
        %get3A_385 = vector.shape_cast %get3A_384 : vector<1x16xf32> to vector<16xf32>
        %mul3A_386 = vector.broadcast %squeeze3A_366 : f32 to vector<16xf32>
        %mul3A_387 = arith.mulf %get3A_385, %mul3A_386 : vector<16xf32>
        %swap3A_388 = arith.index_cast %add3A_370 : i32 to index
        %swap3A_389 = arith.constant 16 : index
        %swap3A_390 = tpu.vector_load %arg13[%swap3A_388, %swap3A_389] {strides = array<i32>} : memref<64x64xf32, #tpu.memory_space<vmem>>, vector<1x16xf32>,
        %swap3A_391 = vector.shape_cast %swap3A_390 : vector<1x16xf32> to vector<16xf32>
        %swap3A_392 = vector.shape_cast %mul3A_387 : vector<16xf32> to vector<1x16xf32>
        tpu.vector_store %arg13[%swap3A_388, %swap3A_389], %swap3A_392 {strides = array<i32>} : memref<64x64xf32, #tpu.memory_space<vmem>>, vector<1x16xf32>,
        %get3A_393 = arith.index_cast %add3A_370 : i32 to index
        %get3A_394 = arith.constant 32 : index
        %get3A_395 = tpu.vector_load %arg13[%get3A_393, %get3A_394] {strides = array<i32>} : memref<64x64xf32, #tpu.memory_space<vmem>>, vector<1x16xf32>,
        %get3A_396 = vector.shape_cast %get3A_395 : vector<1x16xf32> to vector<16xf32>
        %mul3A_397 = vector.broadcast %squeeze3A_366 : f32 to vector<16xf32>
        %mul3A_398 = arith.mulf %get3A_396, %mul3A_397 : vector<16xf32>
        %swap3A_399 = arith.index_cast %add3A_370 : i32 to index
        %swap3A_400 = arith.constant 32 : index
        %swap3A_401 = tpu.vector_load %arg13[%swap3A_399, %swap3A_400] {strides = array<i32>} : memref<64x64xf32, #tpu.memory_space<vmem>>, vector<1x16xf32>,
        %swap3A_402 = vector.shape_cast %swap3A_401 : vector<1x16xf32> to vector<16xf32>
        %swap3A_403 = vector.shape_cast %mul3A_398 : vector<16xf32> to vector<1x16xf32>
        tpu.vector_store %arg13[%swap3A_399, %swap3A_400], %swap3A_403 {strides = array<i32>} : memref<64x64xf32, #tpu.memory_space<vmem>>, vector<1x16xf32>,
        %get3A_404 = arith.index_cast %add3A_370 : i32 to index
        %get3A_405 = arith.constant 48 : index
        %get3A_406 = tpu.vector_load %arg13[%get3A_404, %get3A_405] {strides = array<i32>} : memref<64x64xf32, #tpu.memory_space<vmem>>, vector<1x16xf32>,
        %get3A_407 = vector.shape_cast %get3A_406 : vector<1x16xf32> to vector<16xf32>
        %mul3A_408 = vector.broadcast %squeeze3A_366 : f32 to vector<16xf32>
        %mul3A_409 = arith.mulf %get3A_407, %mul3A_408 : vector<16xf32>
        %swap3A_410 = arith.index_cast %add3A_370 : i32 to index
        %swap3A_411 = arith.constant 48 : index
        %swap3A_412 = tpu.vector_load %arg13[%swap3A_410, %swap3A_411] {strides = array<i32>} : memref<64x64xf32, #tpu.memory_space<vmem>>, vector<1x16xf32>,
        %swap3A_413 = vector.shape_cast %swap3A_412 : vector<1x16xf32> to vector<16xf32>
        %swap3A_414 = vector.shape_cast %mul3A_409 : vector<16xf32> to vector<1x16xf32>
        tpu.vector_store %arg13[%swap3A_410, %swap3A_411], %swap3A_414 {strides = array<i32>} : memref<64x64xf32, #tpu.memory_space<vmem>>, vector<1x16xf32>,
        %slice3A_415 = vector.extract_strided_slice %div3A_267 {offsets = [3], sizes = [1], strides = [1]} : vector<16xf32> to vector<1xf32>
        %squeeze3A_416 = vector.extract %slice3A_415[0] : f32 from vector<1xf32>
        %mul3A_417 = arith.constant 16 : i32
        %mul3A_418 = arith.muli %mul3A_417, %scan3A_258 : i32
        %add3A_419 = arith.constant 3 : i32
        %add3A_420 = arith.addi %mul3A_418, %add3A_419 : i32
        %get3A_421 = arith.index_cast %add3A_420 : i32 to index
        %get3A_422 = arith.constant 0 : index
        %get3A_423 = tpu.vector_load %arg13[%get3A_421, %get3A_422] {strides = array<i32>} : memref<64x64xf32, #tpu.memory_space<vmem>>, vector<1x16xf32>,
        %get3A_424 = vector.shape_cast %get3A_423 : vector<1x16xf32> to vector<16xf32>
        %mul3A_425 = vector.broadcast %squeeze3A_416 : f32 to vector<16xf32>
        %mul3A_426 = arith.mulf %get3A_424, %mul3A_425 : vector<16xf32>
        %swap3A_427 = arith.index_cast %add3A_420 : i32 to index
        %swap3A_428 = arith.constant 0 : index
        %swap3A_429 = tpu.vector_load %arg13[%swap3A_427, %swap3A_428] {strides = array<i32>} : memref<64x64xf32, #tpu.memory_space<vmem>>, vector<1x16xf32>,
        %swap3A_430 = vector.shape_cast %swap3A_429 : vector<1x16xf32> to vector<16xf32>
        %swap3A_431 = vector.shape_cast %mul3A_426 : vector<16xf32> to vector<1x16xf32>
        tpu.vector_store %arg13[%swap3A_427, %swap3A_428], %swap3A_431 {strides = array<i32>} : memref<64x64xf32, #tpu.memory_space<vmem>>, vector<1x16xf32>,
        %get3A_432 = arith.index_cast %add3A_420 : i32 to index
        %get3A_433 = arith.constant 16 : index
        %get3A_434 = tpu.vector_load %arg13[%get3A_432, %get3A_433] {strides = array<i32>} : memref<64x64xf32, #tpu.memory_space<vmem>>, vector<1x16xf32>,
        %get3A_435 = vector.shape_cast %get3A_434 : vector<1x16xf32> to vector<16xf32>
        %mul3A_436 = vector.broadcast %squeeze3A_416 : f32 to vector<16xf32>
        %mul3A_437 = arith.mulf %get3A_435, %mul3A_436 : vector<16xf32>
        %swap3A_438 = arith.index_cast %add3A_420 : i32 to index
        %swap3A_439 = arith.constant 16 : index
        %swap3A_440 = tpu.vector_load %arg13[%swap3A_438, %swap3A_439] {strides = array<i32>} : memref<64x64xf32, #tpu.memory_space<vmem>>, vector<1x16xf32>,
        %swap3A_441 = vector.shape_cast %swap3A_440 : vector<1x16xf32> to vector<16xf32>
        %swap3A_442 = vector.shape_cast %mul3A_437 : vector<16xf32> to vector<1x16xf32>
        tpu.vector_store %arg13[%swap3A_438, %swap3A_439], %swap3A_442 {strides = array<i32>} : memref<64x64xf32, #tpu.memory_space<vmem>>, vector<1x16xf32>,
        %get3A_443 = arith.index_cast %add3A_420 : i32 to index
        %get3A_444 = arith.constant 32 : index
        %get3A_445 = tpu.vector_load %arg13[%get3A_443, %get3A_444] {strides = array<i32>} : memref<64x64xf32, #tpu.memory_space<vmem>>, vector<1x16xf32>,
        %get3A_446 = vector.shape_cast %get3A_445 : vector<1x16xf32> to vector<16xf32>
        %mul3A_447 = vector.broadcast %squeeze3A_416 : f32 to vector<16xf32>
        %mul3A_448 = arith.mulf %get3A_446, %mul3A_447 : vector<16xf32>
        %swap3A_449 = arith.index_cast %add3A_420 : i32 to index
        %swap3A_450 = arith.constant 32 : index
        %swap3A_451 = tpu.vector_load %arg13[%swap3A_449, %swap3A_450] {strides = array<i32>} : memref<64x64xf32, #tpu.memory_space<vmem>>, vector<1x16xf32>,
        %swap3A_452 = vector.shape_cast %swap3A_451 : vector<1x16xf32> to vector<16xf32>
        %swap3A_453 = vector.shape_cast %mul3A_448 : vector<16xf32> to vector<1x16xf32>
        tpu.vector_store %arg13[%swap3A_449, %swap3A_450], %swap3A_453 {strides = array<i32>} : memref<64x64xf32, #tpu.memory_space<vmem>>, vector<1x16xf32>,
        %get3A_454 = arith.index_cast %add3A_420 : i32 to index
        %get3A_455 = arith.constant 48 : index
        %get3A_456 = tpu.vector_load %arg13[%get3A_454, %get3A_455] {strides = array<i32>} : memref<64x64xf32, #tpu.memory_space<vmem>>, vector<1x16xf32>,
        %get3A_457 = vector.shape_cast %get3A_456 : vector<1x16xf32> to vector<16xf32>
        %mul3A_458 = vector.broadcast %squeeze3A_416 : f32 to vector<16xf32>
        %mul3A_459 = arith.mulf %get3A_457, %mul3A_458 : vector<16xf32>
        %swap3A_460 = arith.index_cast %add3A_420 : i32 to index
        %swap3A_461 = arith.constant 48 : index
        %swap3A_462 = tpu.vector_load %arg13[%swap3A_460, %swap3A_461] {strides = array<i32>} : memref<64x64xf32, #tpu.memory_space<vmem>>, vector<1x16xf32>,
        %swap3A_463 = vector.shape_cast %swap3A_462 : vector<1x16xf32> to vector<16xf32>
        %swap3A_464 = vector.shape_cast %mul3A_459 : vector<16xf32> to vector<1x16xf32>
        tpu.vector_store %arg13[%swap3A_460, %swap3A_461], %swap3A_464 {strides = array<i32>} : memref<64x64xf32, #tpu.memory_space<vmem>>, vector<1x16xf32>,
        %slice3A_465 = vector.extract_strided_slice %div3A_267 {offsets = [4], sizes = [1], strides = [1]} : vector<16xf32> to vector<1xf32>
        %squeeze3A_466 = vector.extract %slice3A_465[0] : f32 from vector<1xf32>
        %mul3A_467 = arith.constant 16 : i32
        %mul3A_468 = arith.muli %mul3A_467, %scan3A_258 : i32
        %add3A_469 = arith.constant 4 : i32
        %add3A_470 = arith.addi %mul3A_468, %add3A_469 : i32
        %get3A_471 = arith.index_cast %add3A_470 : i32 to index
        %get3A_472 = arith.constant 0 : index
        %get3A_473 = tpu.vector_load %arg13[%get3A_471, %get3A_472] {strides = array<i32>} : memref<64x64xf32, #tpu.memory_space<vmem>>, vector<1x16xf32>,
        %get3A_474 = vector.shape_cast %get3A_473 : vector<1x16xf32> to vector<16xf32>
        %mul3A_475 = vector.broadcast %squeeze3A_466 : f32 to vector<16xf32>
        %mul3A_476 = arith.mulf %get3A_474, %mul3A_475 : vector<16xf32>
        %swap3A_477 = arith.index_cast %add3A_470 : i32 to index
        %swap3A_478 = arith.constant 0 : index
        %swap3A_479 = tpu.vector_load %arg13[%swap3A_477, %swap3A_478] {strides = array<i32>} : memref<64x64xf32, #tpu.memory_space<vmem>>, vector<1x16xf32>,
        %swap3A_480 = vector.shape_cast %swap3A_479 : vector<1x16xf32> to vector<16xf32>
        %swap3A_481 = vector.shape_cast %mul3A_476 : vector<16xf32> to vector<1x16xf32>
        tpu.vector_store %arg13[%swap3A_477, %swap3A_478], %swap3A_481 {strides = array<i32>} : memref<64x64xf32, #tpu.memory_space<vmem>>, vector<1x16xf32>,
        %get3A_482 = arith.index_cast %add3A_470 : i32 to index
        %get3A_483 = arith.constant 16 : index
        %get3A_484 = tpu.vector_load %arg13[%get3A_482, %get3A_483] {strides = array<i32>} : memref<64x64xf32, #tpu.memory_space<vmem>>, vector<1x16xf32>,
        %get3A_485 = vector.shape_cast %get3A_484 : vector<1x16xf32> to vector<16xf32>
        %mul3A_486 = vector.broadcast %squeeze3A_466 : f32 to vector<16xf32>
        %mul3A_487 = arith.mulf %get3A_485, %mul3A_486 : vector<16xf32>
        %swap3A_488 = arith.index_cast %add3A_470 : i32 to index
        %swap3A_489 = arith.constant 16 : index
        %swap3A_490 = tpu.vector_load %arg13[%swap3A_488, %swap3A_489] {strides = array<i32>} : memref<64x64xf32, #tpu.memory_space<vmem>>, vector<1x16xf32>,
        %swap3A_491 = vector.shape_cast %swap3A_490 : vector<1x16xf32> to vector<16xf32>
        %swap3A_492 = vector.shape_cast %mul3A_487 : vector<16xf32> to vector<1x16xf32>
        tpu.vector_store %arg13[%swap3A_488, %swap3A_489], %swap3A_492 {strides = array<i32>} : memref<64x64xf32, #tpu.memory_space<vmem>>, vector<1x16xf32>,
        %get3A_493 = arith.index_cast %add3A_470 : i32 to index
        %get3A_494 = arith.constant 32 : index
        %get3A_495 = tpu.vector_load %arg13[%get3A_493, %get3A_494] {strides = array<i32>} : memref<64x64xf32, #tpu.memory_space<vmem>>, vector<1x16xf32>,
        %get3A_496 = vector.shape_cast %get3A_495 : vector<1x16xf32> to vector<16xf32>
        %mul3A_497 = vector.broadcast %squeeze3A_466 : f32 to vector<16xf32>
        %mul3A_498 = arith.mulf %get3A_496, %mul3A_497 : vector<16xf32>
        %swap3A_499 = arith.index_cast %add3A_470 : i32 to index
        %swap3A_500 = arith.constant 32 : index
        %swap3A_501 = tpu.vector_load %arg13[%swap3A_499, %swap3A_500] {strides = array<i32>} : memref<64x64xf32, #tpu.memory_space<vmem>>, vector<1x16xf32>,
        %swap3A_502 = vector.shape_cast %swap3A_501 : vector<1x16xf32> to vector<16xf32>
        %swap3A_503 = vector.shape_cast %mul3A_498 : vector<16xf32> to vector<1x16xf32>
        tpu.vector_store %arg13[%swap3A_499, %swap3A_500], %swap3A_503 {strides = array<i32>} : memref<64x64xf32, #tpu.memory_space<vmem>>, vector<1x16xf32>,
        %get3A_504 = arith.index_cast %add3A_470 : i32 to index
        %get3A_505 = arith.constant 48 : index
        %get3A_506 = tpu.vector_load %arg13[%get3A_504, %get3A_505] {strides = array<i32>} : memref<64x64xf32, #tpu.memory_space<vmem>>, vector<1x16xf32>,
        %get3A_507 = vector.shape_cast %get3A_506 : vector<1x16xf32> to vector<16xf32>
        %mul3A_508 = vector.broadcast %squeeze3A_466 : f32 to vector<16xf32>
        %mul3A_509 = arith.mulf %get3A_507, %mul3A_508 : vector<16xf32>
        %swap3A_510 = arith.index_cast %add3A_470 : i32 to index
        %swap3A_511 = arith.constant 48 : index
        %swap3A_512 = tpu.vector_load %arg13[%swap3A_510, %swap3A_511] {strides = array<i32>} : memref<64x64xf32, #tpu.memory_space<vmem>>, vector<1x16xf32>,
        %swap3A_513 = vector.shape_cast %swap3A_512 : vector<1x16xf32> to vector<16xf32>
        %swap3A_514 = vector.shape_cast %mul3A_509 : vector<16xf32> to vector<1x16xf32>
        tpu.vector_store %arg13[%swap3A_510, %swap3A_511], %swap3A_514 {strides = array<i32>} : memref<64x64xf32, #tpu.memory_space<vmem>>, vector<1x16xf32>,
        %slice3A_515 = vector.extract_strided_slice %div3A_267 {offsets = [5], sizes = [1], strides = [1]} : vector<16xf32> to vector<1xf32>
        %squeeze3A_516 = vector.extract %slice3A_515[0] : f32 from vector<1xf32>
        %mul3A_517 = arith.constant 16 : i32
        %mul3A_518 = arith.muli %mul3A_517, %scan3A_258 : i32
        %add3A_519 = arith.constant 5 : i32
        %add3A_520 = arith.addi %mul3A_518, %add3A_519 : i32
        %get3A_521 = arith.index_cast %add3A_520 : i32 to index
        %get3A_522 = arith.constant 0 : index
        %get3A_523 = tpu.vector_load %arg13[%get3A_521, %get3A_522] {strides = array<i32>} : memref<64x64xf32, #tpu.memory_space<vmem>>, vector<1x16xf32>,
        %get3A_524 = vector.shape_cast %get3A_523 : vector<1x16xf32> to vector<16xf32>
        %mul3A_525 = vector.broadcast %squeeze3A_516 : f32 to vector<16xf32>
        %mul3A_526 = arith.mulf %get3A_524, %mul3A_525 : vector<16xf32>
        %swap3A_527 = arith.index_cast %add3A_520 : i32 to index
        %swap3A_528 = arith.constant 0 : index
        %swap3A_529 = tpu.vector_load %arg13[%swap3A_527, %swap3A_528] {strides = array<i32>} : memref<64x64xf32, #tpu.memory_space<vmem>>, vector<1x16xf32>,
        %swap3A_530 = vector.shape_cast %swap3A_529 : vector<1x16xf32> to vector<16xf32>
        %swap3A_531 = vector.shape_cast %mul3A_526 : vector<16xf32> to vector<1x16xf32>
        tpu.vector_store %arg13[%swap3A_527, %swap3A_528], %swap3A_531 {strides = array<i32>} : memref<64x64xf32, #tpu.memory_space<vmem>>, vector<1x16xf32>,
        %get3A_532 = arith.index_cast %add3A_520 : i32 to index
        %get3A_533 = arith.constant 16 : index
        %get3A_534 = tpu.vector_load %arg13[%get3A_532, %get3A_533] {strides = array<i32>} : memref<64x64xf32, #tpu.memory_space<vmem>>, vector<1x16xf32>,
        %get3A_535 = vector.shape_cast %get3A_534 : vector<1x16xf32> to vector<16xf32>
        %mul3A_536 = vector.broadcast %squeeze3A_516 : f32 to vector<16xf32>
        %mul3A_537 = arith.mulf %get3A_535, %mul3A_536 : vector<16xf32>
        %swap3A_538 = arith.index_cast %add3A_520 : i32 to index
        %swap3A_539 = arith.constant 16 : index
        %swap3A_540 = tpu.vector_load %arg13[%swap3A_538, %swap3A_539] {strides = array<i32>} : memref<64x64xf32, #tpu.memory_space<vmem>>, vector<1x16xf32>,
        %swap3A_541 = vector.shape_cast %swap3A_540 : vector<1x16xf32> to vector<16xf32>
        %swap3A_542 = vector.shape_cast %mul3A_537 : vector<16xf32> to vector<1x16xf32>
        tpu.vector_store %arg13[%swap3A_538, %swap3A_539], %swap3A_542 {strides = array<i32>} : memref<64x64xf32, #tpu.memory_space<vmem>>, vector<1x16xf32>,
        %get3A_543 = arith.index_cast %add3A_520 : i32 to index
        %get3A_544 = arith.constant 32 : index
        %get3A_545 = tpu.vector_load %arg13[%get3A_543, %get3A_544] {strides = array<i32>} : memref<64x64xf32, #tpu.memory_space<vmem>>, vector<1x16xf32>,
        %get3A_546 = vector.shape_cast %get3A_545 : vector<1x16xf32> to vector<16xf32>
        %mul3A_547 = vector.broadcast %squeeze3A_516 : f32 to vector<16xf32>
        %mul3A_548 = arith.mulf %get3A_546, %mul3A_547 : vector<16xf32>
        %swap3A_549 = arith.index_cast %add3A_520 : i32 to index
        %swap3A_550 = arith.constant 32 : index
        %swap3A_551 = tpu.vector_load %arg13[%swap3A_549, %swap3A_550] {strides = array<i32>} : memref<64x64xf32, #tpu.memory_space<vmem>>, vector<1x16xf32>,
        %swap3A_552 = vector.shape_cast %swap3A_551 : vector<1x16xf32> to vector<16xf32>
        %swap3A_553 = vector.shape_cast %mul3A_548 : vector<16xf32> to vector<1x16xf32>
        tpu.vector_store %arg13[%swap3A_549, %swap3A_550], %swap3A_553 {strides = array<i32>} : memref<64x64xf32, #tpu.memory_space<vmem>>, vector<1x16xf32>,
        %get3A_554 = arith.index_cast %add3A_520 : i32 to index
        %get3A_555 = arith.constant 48 : index
        %get3A_556 = tpu.vector_load %arg13[%get3A_554, %get3A_555] {strides = array<i32>} : memref<64x64xf32, #tpu.memory_space<vmem>>, vector<1x16xf32>,
        %get3A_557 = vector.shape_cast %get3A_556 : vector<1x16xf32> to vector<16xf32>
        %mul3A_558 = vector.broadcast %squeeze3A_516 : f32 to vector<16xf32>
        %mul3A_559 = arith.mulf %get3A_557, %mul3A_558 : vector<16xf32>
        %swap3A_560 = arith.index_cast %add3A_520 : i32 to index
        %swap3A_561 = arith.constant 48 : index
        %swap3A_562 = tpu.vector_load %arg13[%swap3A_560, %swap3A_561] {strides = array<i32>} : memref<64x64xf32, #tpu.memory_space<vmem>>, vector<1x16xf32>,
        %swap3A_563 = vector.shape_cast %swap3A_562 : vector<1x16xf32> to vector<16xf32>
        %swap3A_564 = vector.shape_cast %mul3A_559 : vector<16xf32> to vector<1x16xf32>
        tpu.vector_store %arg13[%swap3A_560, %swap3A_561], %swap3A_564 {strides = array<i32>} : memref<64x64xf32, #tpu.memory_space<vmem>>, vector<1x16xf32>,
        %slice3A_565 = vector.extract_strided_slice %div3A_267 {offsets = [6], sizes = [1], strides = [1]} : vector<16xf32> to vector<1xf32>
        %squeeze3A_566 = vector.extract %slice3A_565[0] : f32 from vector<1xf32>
        %mul3A_567 = arith.constant 16 : i32
        %mul3A_568 = arith.muli %mul3A_567, %scan3A_258 : i32
        %add3A_569 = arith.constant 6 : i32
        %add3A_570 = arith.addi %mul3A_568, %add3A_569 : i32
        %get3A_571 = arith.index_cast %add3A_570 : i32 to index
        %get3A_572 = arith.constant 0 : index
        %get3A_573 = tpu.vector_load %arg13[%get3A_571, %get3A_572] {strides = array<i32>} : memref<64x64xf32, #tpu.memory_space<vmem>>, vector<1x16xf32>,
        %get3A_574 = vector.shape_cast %get3A_573 : vector<1x16xf32> to vector<16xf32>
        %mul3A_575 = vector.broadcast %squeeze3A_566 : f32 to vector<16xf32>
        %mul3A_576 = arith.mulf %get3A_574, %mul3A_575 : vector<16xf32>
        %swap3A_577 = arith.index_cast %add3A_570 : i32 to index
        %swap3A_578 = arith.constant 0 : index
        %swap3A_579 = tpu.vector_load %arg13[%swap3A_577, %swap3A_578] {strides = array<i32>} : memref<64x64xf32, #tpu.memory_space<vmem>>, vector<1x16xf32>,
        %swap3A_580 = vector.shape_cast %swap3A_579 : vector<1x16xf32> to vector<16xf32>
        %swap3A_581 = vector.shape_cast %mul3A_576 : vector<16xf32> to vector<1x16xf32>
        tpu.vector_store %arg13[%swap3A_577, %swap3A_578], %swap3A_581 {strides = array<i32>} : memref<64x64xf32, #tpu.memory_space<vmem>>, vector<1x16xf32>,
        %get3A_582 = arith.index_cast %add3A_570 : i32 to index
        %get3A_583 = arith.constant 16 : index
        %get3A_584 = tpu.vector_load %arg13[%get3A_582, %get3A_583] {strides = array<i32>} : memref<64x64xf32, #tpu.memory_space<vmem>>, vector<1x16xf32>,
        %get3A_585 = vector.shape_cast %get3A_584 : vector<1x16xf32> to vector<16xf32>
        %mul3A_586 = vector.broadcast %squeeze3A_566 : f32 to vector<16xf32>
        %mul3A_587 = arith.mulf %get3A_585, %mul3A_586 : vector<16xf32>
        %swap3A_588 = arith.index_cast %add3A_570 : i32 to index
        %swap3A_589 = arith.constant 16 : index
        %swap3A_590 = tpu.vector_load %arg13[%swap3A_588, %swap3A_589] {strides = array<i32>} : memref<64x64xf32, #tpu.memory_space<vmem>>, vector<1x16xf32>,
        %swap3A_591 = vector.shape_cast %swap3A_590 : vector<1x16xf32> to vector<16xf32>
        %swap3A_592 = vector.shape_cast %mul3A_587 : vector<16xf32> to vector<1x16xf32>
        tpu.vector_store %arg13[%swap3A_588, %swap3A_589], %swap3A_592 {strides = array<i32>} : memref<64x64xf32, #tpu.memory_space<vmem>>, vector<1x16xf32>,
        %get3A_593 = arith.index_cast %add3A_570 : i32 to index
        %get3A_594 = arith.constant 32 : index
        %get3A_595 = tpu.vector_load %arg13[%get3A_593, %get3A_594] {strides = array<i32>} : memref<64x64xf32, #tpu.memory_space<vmem>>, vector<1x16xf32>,
        %get3A_596 = vector.shape_cast %get3A_595 : vector<1x16xf32> to vector<16xf32>
        %mul3A_597 = vector.broadcast %squeeze3A_566 : f32 to vector<16xf32>
        %mul3A_598 = arith.mulf %get3A_596, %mul3A_597 : vector<16xf32>
        %swap3A_599 = arith.index_cast %add3A_570 : i32 to index
        %swap3A_600 = arith.constant 32 : index
        %swap3A_601 = tpu.vector_load %arg13[%swap3A_599, %swap3A_600] {strides = array<i32>} : memref<64x64xf32, #tpu.memory_space<vmem>>, vector<1x16xf32>,
        %swap3A_602 = vector.shape_cast %swap3A_601 : vector<1x16xf32> to vector<16xf32>
        %swap3A_603 = vector.shape_cast %mul3A_598 : vector<16xf32> to vector<1x16xf32>
        tpu.vector_store %arg13[%swap3A_599, %swap3A_600], %swap3A_603 {strides = array<i32>} : memref<64x64xf32, #tpu.memory_space<vmem>>, vector<1x16xf32>,
        %get3A_604 = arith.index_cast %add3A_570 : i32 to index
        %get3A_605 = arith.constant 48 : index
        %get3A_606 = tpu.vector_load %arg13[%get3A_604, %get3A_605] {strides = array<i32>} : memref<64x64xf32, #tpu.memory_space<vmem>>, vector<1x16xf32>,
        %get3A_607 = vector.shape_cast %get3A_606 : vector<1x16xf32> to vector<16xf32>
        %mul3A_608 = vector.broadcast %squeeze3A_566 : f32 to vector<16xf32>
        %mul3A_609 = arith.mulf %get3A_607, %mul3A_608 : vector<16xf32>
        %swap3A_610 = arith.index_cast %add3A_570 : i32 to index
        %swap3A_611 = arith.constant 48 : index
        %swap3A_612 = tpu.vector_load %arg13[%swap3A_610, %swap3A_611] {strides = array<i32>} : memref<64x64xf32, #tpu.memory_space<vmem>>, vector<1x16xf32>,
        %swap3A_613 = vector.shape_cast %swap3A_612 : vector<1x16xf32> to vector<16xf32>
        %swap3A_614 = vector.shape_cast %mul3A_609 : vector<16xf32> to vector<1x16xf32>
        tpu.vector_store %arg13[%swap3A_610, %swap3A_611], %swap3A_614 {strides = array<i32>} : memref<64x64xf32, #tpu.memory_space<vmem>>, vector<1x16xf32>,
        %slice3A_615 = vector.extract_strided_slice %div3A_267 {offsets = [7], sizes = [1], strides = [1]} : vector<16xf32> to vector<1xf32>
        %squeeze3A_616 = vector.extract %slice3A_615[0] : f32 from vector<1xf32>
        %mul3A_617 = arith.constant 16 : i32
        %mul3A_618 = arith.muli %mul3A_617, %scan3A_258 : i32
        %add3A_619 = arith.constant 7 : i32
        %add3A_620 = arith.addi %mul3A_618, %add3A_619 : i32
        %get3A_621 = arith.index_cast %add3A_620 : i32 to index
        %get3A_622 = arith.constant 0 : index
        %get3A_623 = tpu.vector_load %arg13[%get3A_621, %get3A_622] {strides = array<i32>} : memref<64x64xf32, #tpu.memory_space<vmem>>, vector<1x16xf32>,
        %get3A_624 = vector.shape_cast %get3A_623 : vector<1x16xf32> to vector<16xf32>
        %mul3A_625 = vector.broadcast %squeeze3A_616 : f32 to vector<16xf32>
        %mul3A_626 = arith.mulf %get3A_624, %mul3A_625 : vector<16xf32>
        %swap3A_627 = arith.index_cast %add3A_620 : i32 to index
        %swap3A_628 = arith.constant 0 : index
        %swap3A_629 = tpu.vector_load %arg13[%swap3A_627, %swap3A_628] {strides = array<i32>} : memref<64x64xf32, #tpu.memory_space<vmem>>, vector<1x16xf32>,
        %swap3A_630 = vector.shape_cast %swap3A_629 : vector<1x16xf32> to vector<16xf32>
        %swap3A_631 = vector.shape_cast %mul3A_626 : vector<16xf32> to vector<1x16xf32>
        tpu.vector_store %arg13[%swap3A_627, %swap3A_628], %swap3A_631 {strides = array<i32>} : memref<64x64xf32, #tpu.memory_space<vmem>>, vector<1x16xf32>,
        %get3A_632 = arith.index_cast %add3A_620 : i32 to index
        %get3A_633 = arith.constant 16 : index
        %get3A_634 = tpu.vector_load %arg13[%get3A_632, %get3A_633] {strides = array<i32>} : memref<64x64xf32, #tpu.memory_space<vmem>>, vector<1x16xf32>,
        %get3A_635 = vector.shape_cast %get3A_634 : vector<1x16xf32> to vector<16xf32>
        %mul3A_636 = vector.broadcast %squeeze3A_616 : f32 to vector<16xf32>
        %mul3A_637 = arith.mulf %get3A_635, %mul3A_636 : vector<16xf32>
        %swap3A_638 = arith.index_cast %add3A_620 : i32 to index
        %swap3A_639 = arith.constant 16 : index
        %swap3A_640 = tpu.vector_load %arg13[%swap3A_638, %swap3A_639] {strides = array<i32>} : memref<64x64xf32, #tpu.memory_space<vmem>>, vector<1x16xf32>,
        %swap3A_641 = vector.shape_cast %swap3A_640 : vector<1x16xf32> to vector<16xf32>
        %swap3A_642 = vector.shape_cast %mul3A_637 : vector<16xf32> to vector<1x16xf32>
        tpu.vector_store %arg13[%swap3A_638, %swap3A_639], %swap3A_642 {strides = array<i32>} : memref<64x64xf32, #tpu.memory_space<vmem>>, vector<1x16xf32>,
        %get3A_643 = arith.index_cast %add3A_620 : i32 to index
        %get3A_644 = arith.constant 32 : index
        %get3A_645 = tpu.vector_load %arg13[%get3A_643, %get3A_644] {strides = array<i32>} : memref<64x64xf32, #tpu.memory_space<vmem>>, vector<1x16xf32>,
        %get3A_646 = vector.shape_cast %get3A_645 : vector<1x16xf32> to vector<16xf32>
        %mul3A_647 = vector.broadcast %squeeze3A_616 : f32 to vector<16xf32>
        %mul3A_648 = arith.mulf %get3A_646, %mul3A_647 : vector<16xf32>
        %swap3A_649 = arith.index_cast %add3A_620 : i32 to index
        %swap3A_650 = arith.constant 32 : index
        %swap3A_651 = tpu.vector_load %arg13[%swap3A_649, %swap3A_650] {strides = array<i32>} : memref<64x64xf32, #tpu.memory_space<vmem>>, vector<1x16xf32>,
        %swap3A_652 = vector.shape_cast %swap3A_651 : vector<1x16xf32> to vector<16xf32>
        %swap3A_653 = vector.shape_cast %mul3A_648 : vector<16xf32> to vector<1x16xf32>
        tpu.vector_store %arg13[%swap3A_649, %swap3A_650], %swap3A_653 {strides = array<i32>} : memref<64x64xf32, #tpu.memory_space<vmem>>, vector<1x16xf32>,
        %get3A_654 = arith.index_cast %add3A_620 : i32 to index
        %get3A_655 = arith.constant 48 : index
        %get3A_656 = tpu.vector_load %arg13[%get3A_654, %get3A_655] {strides = array<i32>} : memref<64x64xf32, #tpu.memory_space<vmem>>, vector<1x16xf32>,
        %get3A_657 = vector.shape_cast %get3A_656 : vector<1x16xf32> to vector<16xf32>
        %mul3A_658 = vector.broadcast %squeeze3A_616 : f32 to vector<16xf32>
        %mul3A_659 = arith.mulf %get3A_657, %mul3A_658 : vector<16xf32>
        %swap3A_660 = arith.index_cast %add3A_620 : i32 to index
        %swap3A_661 = arith.constant 48 : index
        %swap3A_662 = tpu.vector_load %arg13[%swap3A_660, %swap3A_661] {strides = array<i32>} : memref<64x64xf32, #tpu.memory_space<vmem>>, vector<1x16xf32>,
        %swap3A_663 = vector.shape_cast %swap3A_662 : vector<1x16xf32> to vector<16xf32>
        %swap3A_664 = vector.shape_cast %mul3A_659 : vector<16xf32> to vector<1x16xf32>
        tpu.vector_store %arg13[%swap3A_660, %swap3A_661], %swap3A_664 {strides = array<i32>} : memref<64x64xf32, #tpu.memory_space<vmem>>, vector<1x16xf32>,
        %slice3A_665 = vector.extract_strided_slice %div3A_267 {offsets = [8], sizes = [1], strides = [1]} : vector<16xf32> to vector<1xf32>
        %squeeze3A_666 = vector.extract %slice3A_665[0] : f32 from vector<1xf32>
        %mul3A_667 = arith.constant 16 : i32
        %mul3A_668 = arith.muli %mul3A_667, %scan3A_258 : i32
        %add3A_669 = arith.constant 8 : i32
        %add3A_670 = arith.addi %mul3A_668, %add3A_669 : i32
        %get3A_671 = arith.index_cast %add3A_670 : i32 to index
        %get3A_672 = arith.constant 0 : index
        %get3A_673 = tpu.vector_load %arg13[%get3A_671, %get3A_672] {strides = array<i32>} : memref<64x64xf32, #tpu.memory_space<vmem>>, vector<1x16xf32>,
        %get3A_674 = vector.shape_cast %get3A_673 : vector<1x16xf32> to vector<16xf32>
        %mul3A_675 = vector.broadcast %squeeze3A_666 : f32 to vector<16xf32>
        %mul3A_676 = arith.mulf %get3A_674, %mul3A_675 : vector<16xf32>
        %swap3A_677 = arith.index_cast %add3A_670 : i32 to index
        %swap3A_678 = arith.constant 0 : index
        %swap3A_679 = tpu.vector_load %arg13[%swap3A_677, %swap3A_678] {strides = array<i32>} : memref<64x64xf32, #tpu.memory_space<vmem>>, vector<1x16xf32>,
        %swap3A_680 = vector.shape_cast %swap3A_679 : vector<1x16xf32> to vector<16xf32>
        %swap3A_681 = vector.shape_cast %mul3A_676 : vector<16xf32> to vector<1x16xf32>
        tpu.vector_store %arg13[%swap3A_677, %swap3A_678], %swap3A_681 {strides = array<i32>} : memref<64x64xf32, #tpu.memory_space<vmem>>, vector<1x16xf32>,
        %get3A_682 = arith.index_cast %add3A_670 : i32 to index
        %get3A_683 = arith.constant 16 : index
        %get3A_684 = tpu.vector_load %arg13[%get3A_682, %get3A_683] {strides = array<i32>} : memref<64x64xf32, #tpu.memory_space<vmem>>, vector<1x16xf32>,
        %get3A_685 = vector.shape_cast %get3A_684 : vector<1x16xf32> to vector<16xf32>
        %mul3A_686 = vector.broadcast %squeeze3A_666 : f32 to vector<16xf32>
        %mul3A_687 = arith.mulf %get3A_685, %mul3A_686 : vector<16xf32>
        %swap3A_688 = arith.index_cast %add3A_670 : i32 to index
        %swap3A_689 = arith.constant 16 : index
        %swap3A_690 = tpu.vector_load %arg13[%swap3A_688, %swap3A_689] {strides = array<i32>} : memref<64x64xf32, #tpu.memory_space<vmem>>, vector<1x16xf32>,
        %swap3A_691 = vector.shape_cast %swap3A_690 : vector<1x16xf32> to vector<16xf32>
        %swap3A_692 = vector.shape_cast %mul3A_687 : vector<16xf32> to vector<1x16xf32>
        tpu.vector_store %arg13[%swap3A_688, %swap3A_689], %swap3A_692 {strides = array<i32>} : memref<64x64xf32, #tpu.memory_space<vmem>>, vector<1x16xf32>,
        %get3A_693 = arith.index_cast %add3A_670 : i32 to index
        %get3A_694 = arith.constant 32 : index
        %get3A_695 = tpu.vector_load %arg13[%get3A_693, %get3A_694] {strides = array<i32>} : memref<64x64xf32, #tpu.memory_space<vmem>>, vector<1x16xf32>,
        %get3A_696 = vector.shape_cast %get3A_695 : vector<1x16xf32> to vector<16xf32>
        %mul3A_697 = vector.broadcast %squeeze3A_666 : f32 to vector<16xf32>
        %mul3A_698 = arith.mulf %get3A_696, %mul3A_697 : vector<16xf32>
        %swap3A_699 = arith.index_cast %add3A_670 : i32 to index
        %swap3A_700 = arith.constant 32 : index
        %swap3A_701 = tpu.vector_load %arg13[%swap3A_699, %swap3A_700] {strides = array<i32>} : memref<64x64xf32, #tpu.memory_space<vmem>>, vector<1x16xf32>,
        %swap3A_702 = vector.shape_cast %swap3A_701 : vector<1x16xf32> to vector<16xf32>
        %swap3A_703 = vector.shape_cast %mul3A_698 : vector<16xf32> to vector<1x16xf32>
        tpu.vector_store %arg13[%swap3A_699, %swap3A_700], %swap3A_703 {strides = array<i32>} : memref<64x64xf32, #tpu.memory_space<vmem>>, vector<1x16xf32>,
        %get3A_704 = arith.index_cast %add3A_670 : i32 to index
        %get3A_705 = arith.constant 48 : index
        %get3A_706 = tpu.vector_load %arg13[%get3A_704, %get3A_705] {strides = array<i32>} : memref<64x64xf32, #tpu.memory_space<vmem>>, vector<1x16xf32>,
        %get3A_707 = vector.shape_cast %get3A_706 : vector<1x16xf32> to vector<16xf32>
        %mul3A_708 = vector.broadcast %squeeze3A_666 : f32 to vector<16xf32>
        %mul3A_709 = arith.mulf %get3A_707, %mul3A_708 : vector<16xf32>
        %swap3A_710 = arith.index_cast %add3A_670 : i32 to index
        %swap3A_711 = arith.constant 48 : index
        %swap3A_712 = tpu.vector_load %arg13[%swap3A_710, %swap3A_711] {strides = array<i32>} : memref<64x64xf32, #tpu.memory_space<vmem>>, vector<1x16xf32>,
        %swap3A_713 = vector.shape_cast %swap3A_712 : vector<1x16xf32> to vector<16xf32>
        %swap3A_714 = vector.shape_cast %mul3A_709 : vector<16xf32> to vector<1x16xf32>
        tpu.vector_store %arg13[%swap3A_710, %swap3A_711], %swap3A_714 {strides = array<i32>} : memref<64x64xf32, #tpu.memory_space<vmem>>, vector<1x16xf32>,
        %slice3A_715 = vector.extract_strided_slice %div3A_267 {offsets = [9], sizes = [1], strides = [1]} : vector<16xf32> to vector<1xf32>
        %squeeze3A_716 = vector.extract %slice3A_715[0] : f32 from vector<1xf32>
        %mul3A_717 = arith.constant 16 : i32
        %mul3A_718 = arith.muli %mul3A_717, %scan3A_258 : i32
        %add3A_719 = arith.constant 9 : i32
        %add3A_720 = arith.addi %mul3A_718, %add3A_719 : i32
        %get3A_721 = arith.index_cast %add3A_720 : i32 to index
        %get3A_722 = arith.constant 0 : index
        %get3A_723 = tpu.vector_load %arg13[%get3A_721, %get3A_722] {strides = array<i32>} : memref<64x64xf32, #tpu.memory_space<vmem>>, vector<1x16xf32>,
        %get3A_724 = vector.shape_cast %get3A_723 : vector<1x16xf32> to vector<16xf32>
        %mul3A_725 = vector.broadcast %squeeze3A_716 : f32 to vector<16xf32>
        %mul3A_726 = arith.mulf %get3A_724, %mul3A_725 : vector<16xf32>
        %swap3A_727 = arith.index_cast %add3A_720 : i32 to index
        %swap3A_728 = arith.constant 0 : index
        %swap3A_729 = tpu.vector_load %arg13[%swap3A_727, %swap3A_728] {strides = array<i32>} : memref<64x64xf32, #tpu.memory_space<vmem>>, vector<1x16xf32>,
        %swap3A_730 = vector.shape_cast %swap3A_729 : vector<1x16xf32> to vector<16xf32>
        %swap3A_731 = vector.shape_cast %mul3A_726 : vector<16xf32> to vector<1x16xf32>
        tpu.vector_store %arg13[%swap3A_727, %swap3A_728], %swap3A_731 {strides = array<i32>} : memref<64x64xf32, #tpu.memory_space<vmem>>, vector<1x16xf32>,
        %get3A_732 = arith.index_cast %add3A_720 : i32 to index
        %get3A_733 = arith.constant 16 : index
        %get3A_734 = tpu.vector_load %arg13[%get3A_732, %get3A_733] {strides = array<i32>} : memref<64x64xf32, #tpu.memory_space<vmem>>, vector<1x16xf32>,
        %get3A_735 = vector.shape_cast %get3A_734 : vector<1x16xf32> to vector<16xf32>
        %mul3A_736 = vector.broadcast %squeeze3A_716 : f32 to vector<16xf32>
        %mul3A_737 = arith.mulf %get3A_735, %mul3A_736 : vector<16xf32>
        %swap3A_738 = arith.index_cast %add3A_720 : i32 to index
        %swap3A_739 = arith.constant 16 : index
        %swap3A_740 = tpu.vector_load %arg13[%swap3A_738, %swap3A_739] {strides = array<i32>} : memref<64x64xf32, #tpu.memory_space<vmem>>, vector<1x16xf32>,
        %swap3A_741 = vector.shape_cast %swap3A_740 : vector<1x16xf32> to vector<16xf32>
        %swap3A_742 = vector.shape_cast %mul3A_737 : vector<16xf32> to vector<1x16xf32>
        tpu.vector_store %arg13[%swap3A_738, %swap3A_739], %swap3A_742 {strides = array<i32>} : memref<64x64xf32, #tpu.memory_space<vmem>>, vector<1x16xf32>,
        %get3A_743 = arith.index_cast %add3A_720 : i32 to index
        %get3A_744 = arith.constant 32 : index
        %get3A_745 = tpu.vector_load %arg13[%get3A_743, %get3A_744] {strides = array<i32>} : memref<64x64xf32, #tpu.memory_space<vmem>>, vector<1x16xf32>,
        %get3A_746 = vector.shape_cast %get3A_745 : vector<1x16xf32> to vector<16xf32>
        %mul3A_747 = vector.broadcast %squeeze3A_716 : f32 to vector<16xf32>
        %mul3A_748 = arith.mulf %get3A_746, %mul3A_747 : vector<16xf32>
        %swap3A_749 = arith.index_cast %add3A_720 : i32 to index
        %swap3A_750 = arith.constant 32 : index
        %swap3A_751 = tpu.vector_load %arg13[%swap3A_749, %swap3A_750] {strides = array<i32>} : memref<64x64xf32, #tpu.memory_space<vmem>>, vector<1x16xf32>,
        %swap3A_752 = vector.shape_cast %swap3A_751 : vector<1x16xf32> to vector<16xf32>
        %swap3A_753 = vector.shape_cast %mul3A_748 : vector<16xf32> to vector<1x16xf32>
        tpu.vector_store %arg13[%swap3A_749, %swap3A_750], %swap3A_753 {strides = array<i32>} : memref<64x64xf32, #tpu.memory_space<vmem>>, vector<1x16xf32>,
        %get3A_754 = arith.index_cast %add3A_720 : i32 to index
        %get3A_755 = arith.constant 48 : index
        %get3A_756 = tpu.vector_load %arg13[%get3A_754, %get3A_755] {strides = array<i32>} : memref<64x64xf32, #tpu.memory_space<vmem>>, vector<1x16xf32>,
        %get3A_757 = vector.shape_cast %get3A_756 : vector<1x16xf32> to vector<16xf32>
        %mul3A_758 = vector.broadcast %squeeze3A_716 : f32 to vector<16xf32>
        %mul3A_759 = arith.mulf %get3A_757, %mul3A_758 : vector<16xf32>
        %swap3A_760 = arith.index_cast %add3A_720 : i32 to index
        %swap3A_761 = arith.constant 48 : index
        %swap3A_762 = tpu.vector_load %arg13[%swap3A_760, %swap3A_761] {strides = array<i32>} : memref<64x64xf32, #tpu.memory_space<vmem>>, vector<1x16xf32>,
        %swap3A_763 = vector.shape_cast %swap3A_762 : vector<1x16xf32> to vector<16xf32>
        %swap3A_764 = vector.shape_cast %mul3A_759 : vector<16xf32> to vector<1x16xf32>
        tpu.vector_store %arg13[%swap3A_760, %swap3A_761], %swap3A_764 {strides = array<i32>} : memref<64x64xf32, #tpu.memory_space<vmem>>, vector<1x16xf32>,
        %slice3A_765 = vector.extract_strided_slice %div3A_267 {offsets = [10], sizes = [1], strides = [1]} : vector<16xf32> to vector<1xf32>
        %squeeze3A_766 = vector.extract %slice3A_765[0] : f32 from vector<1xf32>
        %mul3A_767 = arith.constant 16 : i32
        %mul3A_768 = arith.muli %mul3A_767, %scan3A_258 : i32
        %add3A_769 = arith.constant 10 : i32
        %add3A_770 = arith.addi %mul3A_768, %add3A_769 : i32
        %get3A_771 = arith.index_cast %add3A_770 : i32 to index
        %get3A_772 = arith.constant 0 : index
        %get3A_773 = tpu.vector_load %arg13[%get3A_771, %get3A_772] {strides = array<i32>} : memref<64x64xf32, #tpu.memory_space<vmem>>, vector<1x16xf32>,
        %get3A_774 = vector.shape_cast %get3A_773 : vector<1x16xf32> to vector<16xf32>
        %mul3A_775 = vector.broadcast %squeeze3A_766 : f32 to vector<16xf32>
        %mul3A_776 = arith.mulf %get3A_774, %mul3A_775 : vector<16xf32>
        %swap3A_777 = arith.index_cast %add3A_770 : i32 to index
        %swap3A_778 = arith.constant 0 : index
        %swap3A_779 = tpu.vector_load %arg13[%swap3A_777, %swap3A_778] {strides = array<i32>} : memref<64x64xf32, #tpu.memory_space<vmem>>, vector<1x16xf32>,
        %swap3A_780 = vector.shape_cast %swap3A_779 : vector<1x16xf32> to vector<16xf32>
        %swap3A_781 = vector.shape_cast %mul3A_776 : vector<16xf32> to vector<1x16xf32>
        tpu.vector_store %arg13[%swap3A_777, %swap3A_778], %swap3A_781 {strides = array<i32>} : memref<64x64xf32, #tpu.memory_space<vmem>>, vector<1x16xf32>,
        %get3A_782 = arith.index_cast %add3A_770 : i32 to index
        %get3A_783 = arith.constant 16 : index
        %get3A_784 = tpu.vector_load %arg13[%get3A_782, %get3A_783] {strides = array<i32>} : memref<64x64xf32, #tpu.memory_space<vmem>>, vector<1x16xf32>,
        %get3A_785 = vector.shape_cast %get3A_784 : vector<1x16xf32> to vector<16xf32>
        %mul3A_786 = vector.broadcast %squeeze3A_766 : f32 to vector<16xf32>
        %mul3A_787 = arith.mulf %get3A_785, %mul3A_786 : vector<16xf32>
        %swap3A_788 = arith.index_cast %add3A_770 : i32 to index
        %swap3A_789 = arith.constant 16 : index
        %swap3A_790 = tpu.vector_load %arg13[%swap3A_788, %swap3A_789] {strides = array<i32>} : memref<64x64xf32, #tpu.memory_space<vmem>>, vector<1x16xf32>,
        %swap3A_791 = vector.shape_cast %swap3A_790 : vector<1x16xf32> to vector<16xf32>
        %swap3A_792 = vector.shape_cast %mul3A_787 : vector<16xf32> to vector<1x16xf32>
        tpu.vector_store %arg13[%swap3A_788, %swap3A_789], %swap3A_792 {strides = array<i32>} : memref<64x64xf32, #tpu.memory_space<vmem>>, vector<1x16xf32>,
        %get3A_793 = arith.index_cast %add3A_770 : i32 to index
        %get3A_794 = arith.constant 32 : index
        %get3A_795 = tpu.vector_load %arg13[%get3A_793, %get3A_794] {strides = array<i32>} : memref<64x64xf32, #tpu.memory_space<vmem>>, vector<1x16xf32>,
        %get3A_796 = vector.shape_cast %get3A_795 : vector<1x16xf32> to vector<16xf32>
        %mul3A_797 = vector.broadcast %squeeze3A_766 : f32 to vector<16xf32>
        %mul3A_798 = arith.mulf %get3A_796, %mul3A_797 : vector<16xf32>
        %swap3A_799 = arith.index_cast %add3A_770 : i32 to index
        %swap3A_800 = arith.constant 32 : index
        %swap3A_801 = tpu.vector_load %arg13[%swap3A_799, %swap3A_800] {strides = array<i32>} : memref<64x64xf32, #tpu.memory_space<vmem>>, vector<1x16xf32>,
        %swap3A_802 = vector.shape_cast %swap3A_801 : vector<1x16xf32> to vector<16xf32>
        %swap3A_803 = vector.shape_cast %mul3A_798 : vector<16xf32> to vector<1x16xf32>
        tpu.vector_store %arg13[%swap3A_799, %swap3A_800], %swap3A_803 {strides = array<i32>} : memref<64x64xf32, #tpu.memory_space<vmem>>, vector<1x16xf32>,
        %get3A_804 = arith.index_cast %add3A_770 : i32 to index
        %get3A_805 = arith.constant 48 : index
        %get3A_806 = tpu.vector_load %arg13[%get3A_804, %get3A_805] {strides = array<i32>} : memref<64x64xf32, #tpu.memory_space<vmem>>, vector<1x16xf32>,
        %get3A_807 = vector.shape_cast %get3A_806 : vector<1x16xf32> to vector<16xf32>
        %mul3A_808 = vector.broadcast %squeeze3A_766 : f32 to vector<16xf32>
        %mul3A_809 = arith.mulf %get3A_807, %mul3A_808 : vector<16xf32>
        %swap3A_810 = arith.index_cast %add3A_770 : i32 to index
        %swap3A_811 = arith.constant 48 : index
        %swap3A_812 = tpu.vector_load %arg13[%swap3A_810, %swap3A_811] {strides = array<i32>} : memref<64x64xf32, #tpu.memory_space<vmem>>, vector<1x16xf32>,
        %swap3A_813 = vector.shape_cast %swap3A_812 : vector<1x16xf32> to vector<16xf32>
        %swap3A_814 = vector.shape_cast %mul3A_809 : vector<16xf32> to vector<1x16xf32>
        tpu.vector_store %arg13[%swap3A_810, %swap3A_811], %swap3A_814 {strides = array<i32>} : memref<64x64xf32, #tpu.memory_space<vmem>>, vector<1x16xf32>,
        %slice3A_815 = vector.extract_strided_slice %div3A_267 {offsets = [11], sizes = [1], strides = [1]} : vector<16xf32> to vector<1xf32>
        %squeeze3A_816 = vector.extract %slice3A_815[0] : f32 from vector<1xf32>
        %mul3A_817 = arith.constant 16 : i32
        %mul3A_818 = arith.muli %mul3A_817, %scan3A_258 : i32
        %add3A_819 = arith.constant 11 : i32
        %add3A_820 = arith.addi %mul3A_818, %add3A_819 : i32
        %get3A_821 = arith.index_cast %add3A_820 : i32 to index
        %get3A_822 = arith.constant 0 : index
        %get3A_823 = tpu.vector_load %arg13[%get3A_821, %get3A_822] {strides = array<i32>} : memref<64x64xf32, #tpu.memory_space<vmem>>, vector<1x16xf32>,
        %get3A_824 = vector.shape_cast %get3A_823 : vector<1x16xf32> to vector<16xf32>
        %mul3A_825 = vector.broadcast %squeeze3A_816 : f32 to vector<16xf32>
        %mul3A_826 = arith.mulf %get3A_824, %mul3A_825 : vector<16xf32>
        %swap3A_827 = arith.index_cast %add3A_820 : i32 to index
        %swap3A_828 = arith.constant 0 : index
        %swap3A_829 = tpu.vector_load %arg13[%swap3A_827, %swap3A_828] {strides = array<i32>} : memref<64x64xf32, #tpu.memory_space<vmem>>, vector<1x16xf32>,
        %swap3A_830 = vector.shape_cast %swap3A_829 : vector<1x16xf32> to vector<16xf32>
        %swap3A_831 = vector.shape_cast %mul3A_826 : vector<16xf32> to vector<1x16xf32>
        tpu.vector_store %arg13[%swap3A_827, %swap3A_828], %swap3A_831 {strides = array<i32>} : memref<64x64xf32, #tpu.memory_space<vmem>>, vector<1x16xf32>,
        %get3A_832 = arith.index_cast %add3A_820 : i32 to index
        %get3A_833 = arith.constant 16 : index
        %get3A_834 = tpu.vector_load %arg13[%get3A_832, %get3A_833] {strides = array<i32>} : memref<64x64xf32, #tpu.memory_space<vmem>>, vector<1x16xf32>,
        %get3A_835 = vector.shape_cast %get3A_834 : vector<1x16xf32> to vector<16xf32>
        %mul3A_836 = vector.broadcast %squeeze3A_816 : f32 to vector<16xf32>
        %mul3A_837 = arith.mulf %get3A_835, %mul3A_836 : vector<16xf32>
        %swap3A_838 = arith.index_cast %add3A_820 : i32 to index
        %swap3A_839 = arith.constant 16 : index
        %swap3A_840 = tpu.vector_load %arg13[%swap3A_838, %swap3A_839] {strides = array<i32>} : memref<64x64xf32, #tpu.memory_space<vmem>>, vector<1x16xf32>,
        %swap3A_841 = vector.shape_cast %swap3A_840 : vector<1x16xf32> to vector<16xf32>
        %swap3A_842 = vector.shape_cast %mul3A_837 : vector<16xf32> to vector<1x16xf32>
        tpu.vector_store %arg13[%swap3A_838, %swap3A_839], %swap3A_842 {strides = array<i32>} : memref<64x64xf32, #tpu.memory_space<vmem>>, vector<1x16xf32>,
        %get3A_843 = arith.index_cast %add3A_820 : i32 to index
        %get3A_844 = arith.constant 32 : index
        %get3A_845 = tpu.vector_load %arg13[%get3A_843, %get3A_844] {strides = array<i32>} : memref<64x64xf32, #tpu.memory_space<vmem>>, vector<1x16xf32>,
        %get3A_846 = vector.shape_cast %get3A_845 : vector<1x16xf32> to vector<16xf32>
        %mul3A_847 = vector.broadcast %squeeze3A_816 : f32 to vector<16xf32>
        %mul3A_848 = arith.mulf %get3A_846, %mul3A_847 : vector<16xf32>
        %swap3A_849 = arith.index_cast %add3A_820 : i32 to index
        %swap3A_850 = arith.constant 32 : index
        %swap3A_851 = tpu.vector_load %arg13[%swap3A_849, %swap3A_850] {strides = array<i32>} : memref<64x64xf32, #tpu.memory_space<vmem>>, vector<1x16xf32>,
        %swap3A_852 = vector.shape_cast %swap3A_851 : vector<1x16xf32> to vector<16xf32>
        %swap3A_853 = vector.shape_cast %mul3A_848 : vector<16xf32> to vector<1x16xf32>
        tpu.vector_store %arg13[%swap3A_849, %swap3A_850], %swap3A_853 {strides = array<i32>} : memref<64x64xf32, #tpu.memory_space<vmem>>, vector<1x16xf32>,
        %get3A_854 = arith.index_cast %add3A_820 : i32 to index
        %get3A_855 = arith.constant 48 : index
        %get3A_856 = tpu.vector_load %arg13[%get3A_854, %get3A_855] {strides = array<i32>} : memref<64x64xf32, #tpu.memory_space<vmem>>, vector<1x16xf32>,
        %get3A_857 = vector.shape_cast %get3A_856 : vector<1x16xf32> to vector<16xf32>
        %mul3A_858 = vector.broadcast %squeeze3A_816 : f32 to vector<16xf32>
        %mul3A_859 = arith.mulf %get3A_857, %mul3A_858 : vector<16xf32>
        %swap3A_860 = arith.index_cast %add3A_820 : i32 to index
        %swap3A_861 = arith.constant 48 : index
        %swap3A_862 = tpu.vector_load %arg13[%swap3A_860, %swap3A_861] {strides = array<i32>} : memref<64x64xf32, #tpu.memory_space<vmem>>, vector<1x16xf32>,
        %swap3A_863 = vector.shape_cast %swap3A_862 : vector<1x16xf32> to vector<16xf32>
        %swap3A_864 = vector.shape_cast %mul3A_859 : vector<16xf32> to vector<1x16xf32>
        tpu.vector_store %arg13[%swap3A_860, %swap3A_861], %swap3A_864 {strides = array<i32>} : memref<64x64xf32, #tpu.memory_space<vmem>>, vector<1x16xf32>,
        %slice3A_865 = vector.extract_strided_slice %div3A_267 {offsets = [12], sizes = [1], strides = [1]} : vector<16xf32> to vector<1xf32>
        %squeeze3A_866 = vector.extract %slice3A_865[0] : f32 from vector<1xf32>
        %mul3A_867 = arith.constant 16 : i32
        %mul3A_868 = arith.muli %mul3A_867, %scan3A_258 : i32
        %add3A_869 = arith.constant 12 : i32
        %add3A_870 = arith.addi %mul3A_868, %add3A_869 : i32
        %get3A_871 = arith.index_cast %add3A_870 : i32 to index
        %get3A_872 = arith.constant 0 : index
        %get3A_873 = tpu.vector_load %arg13[%get3A_871, %get3A_872] {strides = array<i32>} : memref<64x64xf32, #tpu.memory_space<vmem>>, vector<1x16xf32>,
        %get3A_874 = vector.shape_cast %get3A_873 : vector<1x16xf32> to vector<16xf32>
        %mul3A_875 = vector.broadcast %squeeze3A_866 : f32 to vector<16xf32>
        %mul3A_876 = arith.mulf %get3A_874, %mul3A_875 : vector<16xf32>
        %swap3A_877 = arith.index_cast %add3A_870 : i32 to index
        %swap3A_878 = arith.constant 0 : index
        %swap3A_879 = tpu.vector_load %arg13[%swap3A_877, %swap3A_878] {strides = array<i32>} : memref<64x64xf32, #tpu.memory_space<vmem>>, vector<1x16xf32>,
        %swap3A_880 = vector.shape_cast %swap3A_879 : vector<1x16xf32> to vector<16xf32>
        %swap3A_881 = vector.shape_cast %mul3A_876 : vector<16xf32> to vector<1x16xf32>
        tpu.vector_store %arg13[%swap3A_877, %swap3A_878], %swap3A_881 {strides = array<i32>} : memref<64x64xf32, #tpu.memory_space<vmem>>, vector<1x16xf32>,
        %get3A_882 = arith.index_cast %add3A_870 : i32 to index
        %get3A_883 = arith.constant 16 : index
        %get3A_884 = tpu.vector_load %arg13[%get3A_882, %get3A_883] {strides = array<i32>} : memref<64x64xf32, #tpu.memory_space<vmem>>, vector<1x16xf32>,
        %get3A_885 = vector.shape_cast %get3A_884 : vector<1x16xf32> to vector<16xf32>
        %mul3A_886 = vector.broadcast %squeeze3A_866 : f32 to vector<16xf32>
        %mul3A_887 = arith.mulf %get3A_885, %mul3A_886 : vector<16xf32>
        %swap3A_888 = arith.index_cast %add3A_870 : i32 to index
        %swap3A_889 = arith.constant 16 : index
        %swap3A_890 = tpu.vector_load %arg13[%swap3A_888, %swap3A_889] {strides = array<i32>} : memref<64x64xf32, #tpu.memory_space<vmem>>, vector<1x16xf32>,
        %swap3A_891 = vector.shape_cast %swap3A_890 : vector<1x16xf32> to vector<16xf32>
        %swap3A_892 = vector.shape_cast %mul3A_887 : vector<16xf32> to vector<1x16xf32>
        tpu.vector_store %arg13[%swap3A_888, %swap3A_889], %swap3A_892 {strides = array<i32>} : memref<64x64xf32, #tpu.memory_space<vmem>>, vector<1x16xf32>,
        %get3A_893 = arith.index_cast %add3A_870 : i32 to index
        %get3A_894 = arith.constant 32 : index
        %get3A_895 = tpu.vector_load %arg13[%get3A_893, %get3A_894] {strides = array<i32>} : memref<64x64xf32, #tpu.memory_space<vmem>>, vector<1x16xf32>,
        %get3A_896 = vector.shape_cast %get3A_895 : vector<1x16xf32> to vector<16xf32>
        %mul3A_897 = vector.broadcast %squeeze3A_866 : f32 to vector<16xf32>
        %mul3A_898 = arith.mulf %get3A_896, %mul3A_897 : vector<16xf32>
        %swap3A_899 = arith.index_cast %add3A_870 : i32 to index
        %swap3A_900 = arith.constant 32 : index
        %swap3A_901 = tpu.vector_load %arg13[%swap3A_899, %swap3A_900] {strides = array<i32>} : memref<64x64xf32, #tpu.memory_space<vmem>>, vector<1x16xf32>,
        %swap3A_902 = vector.shape_cast %swap3A_901 : vector<1x16xf32> to vector<16xf32>
        %swap3A_903 = vector.shape_cast %mul3A_898 : vector<16xf32> to vector<1x16xf32>
        tpu.vector_store %arg13[%swap3A_899, %swap3A_900], %swap3A_903 {strides = array<i32>} : memref<64x64xf32, #tpu.memory_space<vmem>>, vector<1x16xf32>,
        %get3A_904 = arith.index_cast %add3A_870 : i32 to index
        %get3A_905 = arith.constant 48 : index
        %get3A_906 = tpu.vector_load %arg13[%get3A_904, %get3A_905] {strides = array<i32>} : memref<64x64xf32, #tpu.memory_space<vmem>>, vector<1x16xf32>,
        %get3A_907 = vector.shape_cast %get3A_906 : vector<1x16xf32> to vector<16xf32>
        %mul3A_908 = vector.broadcast %squeeze3A_866 : f32 to vector<16xf32>
        %mul3A_909 = arith.mulf %get3A_907, %mul3A_908 : vector<16xf32>
        %swap3A_910 = arith.index_cast %add3A_870 : i32 to index
        %swap3A_911 = arith.constant 48 : index
        %swap3A_912 = tpu.vector_load %arg13[%swap3A_910, %swap3A_911] {strides = array<i32>} : memref<64x64xf32, #tpu.memory_space<vmem>>, vector<1x16xf32>,
        %swap3A_913 = vector.shape_cast %swap3A_912 : vector<1x16xf32> to vector<16xf32>
        %swap3A_914 = vector.shape_cast %mul3A_909 : vector<16xf32> to vector<1x16xf32>
        tpu.vector_store %arg13[%swap3A_910, %swap3A_911], %swap3A_914 {strides = array<i32>} : memref<64x64xf32, #tpu.memory_space<vmem>>, vector<1x16xf32>,
        %slice3A_915 = vector.extract_strided_slice %div3A_267 {offsets = [13], sizes = [1], strides = [1]} : vector<16xf32> to vector<1xf32>
        %squeeze3A_916 = vector.extract %slice3A_915[0] : f32 from vector<1xf32>
        %mul3A_917 = arith.constant 16 : i32
        %mul3A_918 = arith.muli %mul3A_917, %scan3A_258 : i32
        %add3A_919 = arith.constant 13 : i32
        %add3A_920 = arith.addi %mul3A_918, %add3A_919 : i32
        %get3A_921 = arith.index_cast %add3A_920 : i32 to index
        %get3A_922 = arith.constant 0 : index
        %get3A_923 = tpu.vector_load %arg13[%get3A_921, %get3A_922] {strides = array<i32>} : memref<64x64xf32, #tpu.memory_space<vmem>>, vector<1x16xf32>,
        %get3A_924 = vector.shape_cast %get3A_923 : vector<1x16xf32> to vector<16xf32>
        %mul3A_925 = vector.broadcast %squeeze3A_916 : f32 to vector<16xf32>
        %mul3A_926 = arith.mulf %get3A_924, %mul3A_925 : vector<16xf32>
        %swap3A_927 = arith.index_cast %add3A_920 : i32 to index
        %swap3A_928 = arith.constant 0 : index
        %swap3A_929 = tpu.vector_load %arg13[%swap3A_927, %swap3A_928] {strides = array<i32>} : memref<64x64xf32, #tpu.memory_space<vmem>>, vector<1x16xf32>,
        %swap3A_930 = vector.shape_cast %swap3A_929 : vector<1x16xf32> to vector<16xf32>
        %swap3A_931 = vector.shape_cast %mul3A_926 : vector<16xf32> to vector<1x16xf32>
        tpu.vector_store %arg13[%swap3A_927, %swap3A_928], %swap3A_931 {strides = array<i32>} : memref<64x64xf32, #tpu.memory_space<vmem>>, vector<1x16xf32>,
        %get3A_932 = arith.index_cast %add3A_920 : i32 to index
        %get3A_933 = arith.constant 16 : index
        %get3A_934 = tpu.vector_load %arg13[%get3A_932, %get3A_933] {strides = array<i32>} : memref<64x64xf32, #tpu.memory_space<vmem>>, vector<1x16xf32>,
        %get3A_935 = vector.shape_cast %get3A_934 : vector<1x16xf32> to vector<16xf32>
        %mul3A_936 = vector.broadcast %squeeze3A_916 : f32 to vector<16xf32>
        %mul3A_937 = arith.mulf %get3A_935, %mul3A_936 : vector<16xf32>
        %swap3A_938 = arith.index_cast %add3A_920 : i32 to index
        %swap3A_939 = arith.constant 16 : index
        %swap3A_940 = tpu.vector_load %arg13[%swap3A_938, %swap3A_939] {strides = array<i32>} : memref<64x64xf32, #tpu.memory_space<vmem>>, vector<1x16xf32>,
        %swap3A_941 = vector.shape_cast %swap3A_940 : vector<1x16xf32> to vector<16xf32>
        %swap3A_942 = vector.shape_cast %mul3A_937 : vector<16xf32> to vector<1x16xf32>
        tpu.vector_store %arg13[%swap3A_938, %swap3A_939], %swap3A_942 {strides = array<i32>} : memref<64x64xf32, #tpu.memory_space<vmem>>, vector<1x16xf32>,
        %get3A_943 = arith.index_cast %add3A_920 : i32 to index
        %get3A_944 = arith.constant 32 : index
        %get3A_945 = tpu.vector_load %arg13[%get3A_943, %get3A_944] {strides = array<i32>} : memref<64x64xf32, #tpu.memory_space<vmem>>, vector<1x16xf32>,
        %get3A_946 = vector.shape_cast %get3A_945 : vector<1x16xf32> to vector<16xf32>
        %mul3A_947 = vector.broadcast %squeeze3A_916 : f32 to vector<16xf32>
        %mul3A_948 = arith.mulf %get3A_946, %mul3A_947 : vector<16xf32>
        %swap3A_949 = arith.index_cast %add3A_920 : i32 to index
        %swap3A_950 = arith.constant 32 : index
        %swap3A_951 = tpu.vector_load %arg13[%swap3A_949, %swap3A_950] {strides = array<i32>} : memref<64x64xf32, #tpu.memory_space<vmem>>, vector<1x16xf32>,
        %swap3A_952 = vector.shape_cast %swap3A_951 : vector<1x16xf32> to vector<16xf32>
        %swap3A_953 = vector.shape_cast %mul3A_948 : vector<16xf32> to vector<1x16xf32>
        tpu.vector_store %arg13[%swap3A_949, %swap3A_950], %swap3A_953 {strides = array<i32>} : memref<64x64xf32, #tpu.memory_space<vmem>>, vector<1x16xf32>,
        %get3A_954 = arith.index_cast %add3A_920 : i32 to index
        %get3A_955 = arith.constant 48 : index
        %get3A_956 = tpu.vector_load %arg13[%get3A_954, %get3A_955] {strides = array<i32>} : memref<64x64xf32, #tpu.memory_space<vmem>>, vector<1x16xf32>,
        %get3A_957 = vector.shape_cast %get3A_956 : vector<1x16xf32> to vector<16xf32>
        %mul3A_958 = vector.broadcast %squeeze3A_916 : f32 to vector<16xf32>
        %mul3A_959 = arith.mulf %get3A_957, %mul3A_958 : vector<16xf32>
        %swap3A_960 = arith.index_cast %add3A_920 : i32 to index
        %swap3A_961 = arith.constant 48 : index
        %swap3A_962 = tpu.vector_load %arg13[%swap3A_960, %swap3A_961] {strides = array<i32>} : memref<64x64xf32, #tpu.memory_space<vmem>>, vector<1x16xf32>,
        %swap3A_963 = vector.shape_cast %swap3A_962 : vector<1x16xf32> to vector<16xf32>
        %swap3A_964 = vector.shape_cast %mul3A_959 : vector<16xf32> to vector<1x16xf32>
        tpu.vector_store %arg13[%swap3A_960, %swap3A_961], %swap3A_964 {strides = array<i32>} : memref<64x64xf32, #tpu.memory_space<vmem>>, vector<1x16xf32>,
        %slice3A_965 = vector.extract_strided_slice %div3A_267 {offsets = [14], sizes = [1], strides = [1]} : vector<16xf32> to vector<1xf32>
        %squeeze3A_966 = vector.extract %slice3A_965[0] : f32 from vector<1xf32>
        %mul3A_967 = arith.constant 16 : i32
        %mul3A_968 = arith.muli %mul3A_967, %scan3A_258 : i32
        %add3A_969 = arith.constant 14 : i32
        %add3A_970 = arith.addi %mul3A_968, %add3A_969 : i32
        %get3A_971 = arith.index_cast %add3A_970 : i32 to index
        %get3A_972 = arith.constant 0 : index
        %get3A_973 = tpu.vector_load %arg13[%get3A_971, %get3A_972] {strides = array<i32>} : memref<64x64xf32, #tpu.memory_space<vmem>>, vector<1x16xf32>,
        %get3A_974 = vector.shape_cast %get3A_973 : vector<1x16xf32> to vector<16xf32>
        %mul3A_975 = vector.broadcast %squeeze3A_966 : f32 to vector<16xf32>
        %mul3A_976 = arith.mulf %get3A_974, %mul3A_975 : vector<16xf32>
        %swap3A_977 = arith.index_cast %add3A_970 : i32 to index
        %swap3A_978 = arith.constant 0 : index
        %swap3A_979 = tpu.vector_load %arg13[%swap3A_977, %swap3A_978] {strides = array<i32>} : memref<64x64xf32, #tpu.memory_space<vmem>>, vector<1x16xf32>,
        %swap3A_980 = vector.shape_cast %swap3A_979 : vector<1x16xf32> to vector<16xf32>
        %swap3A_981 = vector.shape_cast %mul3A_976 : vector<16xf32> to vector<1x16xf32>
        tpu.vector_store %arg13[%swap3A_977, %swap3A_978], %swap3A_981 {strides = array<i32>} : memref<64x64xf32, #tpu.memory_space<vmem>>, vector<1x16xf32>,
        %get3A_982 = arith.index_cast %add3A_970 : i32 to index
        %get3A_983 = arith.constant 16 : index
        %get3A_984 = tpu.vector_load %arg13[%get3A_982, %get3A_983] {strides = array<i32>} : memref<64x64xf32, #tpu.memory_space<vmem>>, vector<1x16xf32>,
        %get3A_985 = vector.shape_cast %get3A_984 : vector<1x16xf32> to vector<16xf32>
        %mul3A_986 = vector.broadcast %squeeze3A_966 : f32 to vector<16xf32>
        %mul3A_987 = arith.mulf %get3A_985, %mul3A_986 : vector<16xf32>
        %swap3A_988 = arith.index_cast %add3A_970 : i32 to index
        %swap3A_989 = arith.constant 16 : index
        %swap3A_990 = tpu.vector_load %arg13[%swap3A_988, %swap3A_989] {strides = array<i32>} : memref<64x64xf32, #tpu.memory_space<vmem>>, vector<1x16xf32>,
        %swap3A_991 = vector.shape_cast %swap3A_990 : vector<1x16xf32> to vector<16xf32>
        %swap3A_992 = vector.shape_cast %mul3A_987 : vector<16xf32> to vector<1x16xf32>
        tpu.vector_store %arg13[%swap3A_988, %swap3A_989], %swap3A_992 {strides = array<i32>} : memref<64x64xf32, #tpu.memory_space<vmem>>, vector<1x16xf32>,
        %get3A_993 = arith.index_cast %add3A_970 : i32 to index
        %get3A_994 = arith.constant 32 : index
        %get3A_995 = tpu.vector_load %arg13[%get3A_993, %get3A_994] {strides = array<i32>} : memref<64x64xf32, #tpu.memory_space<vmem>>, vector<1x16xf32>,
        %get3A_996 = vector.shape_cast %get3A_995 : vector<1x16xf32> to vector<16xf32>
        %mul3A_997 = vector.broadcast %squeeze3A_966 : f32 to vector<16xf32>
        %mul3A_998 = arith.mulf %get3A_996, %mul3A_997 : vector<16xf32>
        %swap3A_999 = arith.index_cast %add3A_970 : i32 to index
        %swap3A_1000 = arith.constant 32 : index
        %swap3A_1001 = tpu.vector_load %arg13[%swap3A_999, %swap3A_1000] {strides = array<i32>} : memref<64x64xf32, #tpu.memory_space<vmem>>, vector<1x16xf32>,
        %swap3A_1002 = vector.shape_cast %swap3A_1001 : vector<1x16xf32> to vector<16xf32>
        %swap3A_1003 = vector.shape_cast %mul3A_998 : vector<16xf32> to vector<1x16xf32>
        tpu.vector_store %arg13[%swap3A_999, %swap3A_1000], %swap3A_1003 {strides = array<i32>} : memref<64x64xf32, #tpu.memory_space<vmem>>, vector<1x16xf32>,
        %get3A_1004 = arith.index_cast %add3A_970 : i32 to index
        %get3A_1005 = arith.constant 48 : index
        %get3A_1006 = tpu.vector_load %arg13[%get3A_1004, %get3A_1005] {strides = array<i32>} : memref<64x64xf32, #tpu.memory_space<vmem>>, vector<1x16xf32>,
        %get3A_1007 = vector.shape_cast %get3A_1006 : vector<1x16xf32> to vector<16xf32>
        %mul3A_1008 = vector.broadcast %squeeze3A_966 : f32 to vector<16xf32>
        %mul3A_1009 = arith.mulf %get3A_1007, %mul3A_1008 : vector<16xf32>
        %swap3A_1010 = arith.index_cast %add3A_970 : i32 to index
        %swap3A_1011 = arith.constant 48 : index
        %swap3A_1012 = tpu.vector_load %arg13[%swap3A_1010, %swap3A_1011] {strides = array<i32>} : memref<64x64xf32, #tpu.memory_space<vmem>>, vector<1x16xf32>,
        %swap3A_1013 = vector.shape_cast %swap3A_1012 : vector<1x16xf32> to vector<16xf32>
        %swap3A_1014 = vector.shape_cast %mul3A_1009 : vector<16xf32> to vector<1x16xf32>
        tpu.vector_store %arg13[%swap3A_1010, %swap3A_1011], %swap3A_1014 {strides = array<i32>} : memref<64x64xf32, #tpu.memory_space<vmem>>, vector<1x16xf32>,
        %slice3A_1015 = vector.extract_strided_slice %div3A_267 {offsets = [15], sizes = [1], strides = [1]} : vector<16xf32> to vector<1xf32>
        %squeeze3A_1016 = vector.extract %slice3A_1015[0] : f32 from vector<1xf32>
        %mul3A_1017 = arith.constant 16 : i32
        %mul3A_1018 = arith.muli %mul3A_1017, %scan3A_258 : i32
        %add3A_1019 = arith.constant 15 : i32
        %add3A_1020 = arith.addi %mul3A_1018, %add3A_1019 : i32
        %get3A_1021 = arith.index_cast %add3A_1020 : i32 to index
        %get3A_1022 = arith.constant 0 : index
        %get3A_1023 = tpu.vector_load %arg13[%get3A_1021, %get3A_1022] {strides = array<i32>} : memref<64x64xf32, #tpu.memory_space<vmem>>, vector<1x16xf32>,
        %get3A_1024 = vector.shape_cast %get3A_1023 : vector<1x16xf32> to vector<16xf32>
        %mul3A_1025 = vector.broadcast %squeeze3A_1016 : f32 to vector<16xf32>
        %mul3A_1026 = arith.mulf %get3A_1024, %mul3A_1025 : vector<16xf32>
        %swap3A_1027 = arith.index_cast %add3A_1020 : i32 to index
        %swap3A_1028 = arith.constant 0 : index
        %swap3A_1029 = tpu.vector_load %arg13[%swap3A_1027, %swap3A_1028] {strides = array<i32>} : memref<64x64xf32, #tpu.memory_space<vmem>>, vector<1x16xf32>,
        %swap3A_1030 = vector.shape_cast %swap3A_1029 : vector<1x16xf32> to vector<16xf32>
        %swap3A_1031 = vector.shape_cast %mul3A_1026 : vector<16xf32> to vector<1x16xf32>
        tpu.vector_store %arg13[%swap3A_1027, %swap3A_1028], %swap3A_1031 {strides = array<i32>} : memref<64x64xf32, #tpu.memory_space<vmem>>, vector<1x16xf32>,
        %get3A_1032 = arith.index_cast %add3A_1020 : i32 to index
        %get3A_1033 = arith.constant 16 : index
        %get3A_1034 = tpu.vector_load %arg13[%get3A_1032, %get3A_1033] {strides = array<i32>} : memref<64x64xf32, #tpu.memory_space<vmem>>, vector<1x16xf32>,
        %get3A_1035 = vector.shape_cast %get3A_1034 : vector<1x16xf32> to vector<16xf32>
        %mul3A_1036 = vector.broadcast %squeeze3A_1016 : f32 to vector<16xf32>
        %mul3A_1037 = arith.mulf %get3A_1035, %mul3A_1036 : vector<16xf32>
        %swap3A_1038 = arith.index_cast %add3A_1020 : i32 to index
        %swap3A_1039 = arith.constant 16 : index
        %swap3A_1040 = tpu.vector_load %arg13[%swap3A_1038, %swap3A_1039] {strides = array<i32>} : memref<64x64xf32, #tpu.memory_space<vmem>>, vector<1x16xf32>,
        %swap3A_1041 = vector.shape_cast %swap3A_1040 : vector<1x16xf32> to vector<16xf32>
        %swap3A_1042 = vector.shape_cast %mul3A_1037 : vector<16xf32> to vector<1x16xf32>
        tpu.vector_store %arg13[%swap3A_1038, %swap3A_1039], %swap3A_1042 {strides = array<i32>} : memref<64x64xf32, #tpu.memory_space<vmem>>, vector<1x16xf32>,
        %get3A_1043 = arith.index_cast %add3A_1020 : i32 to index
        %get3A_1044 = arith.constant 32 : index
        %get3A_1045 = tpu.vector_load %arg13[%get3A_1043, %get3A_1044] {strides = array<i32>} : memref<64x64xf32, #tpu.memory_space<vmem>>, vector<1x16xf32>,
        %get3A_1046 = vector.shape_cast %get3A_1045 : vector<1x16xf32> to vector<16xf32>
        %mul3A_1047 = vector.broadcast %squeeze3A_1016 : f32 to vector<16xf32>
        %mul3A_1048 = arith.mulf %get3A_1046, %mul3A_1047 : vector<16xf32>
        %swap3A_1049 = arith.index_cast %add3A_1020 : i32 to index
        %swap3A_1050 = arith.constant 32 : index
        %swap3A_1051 = tpu.vector_load %arg13[%swap3A_1049, %swap3A_1050] {strides = array<i32>} : memref<64x64xf32, #tpu.memory_space<vmem>>, vector<1x16xf32>,
        %swap3A_1052 = vector.shape_cast %swap3A_1051 : vector<1x16xf32> to vector<16xf32>
        %swap3A_1053 = vector.shape_cast %mul3A_1048 : vector<16xf32> to vector<1x16xf32>
        tpu.vector_store %arg13[%swap3A_1049, %swap3A_1050], %swap3A_1053 {strides = array<i32>} : memref<64x64xf32, #tpu.memory_space<vmem>>, vector<1x16xf32>,
        %get3A_1054 = arith.index_cast %add3A_1020 : i32 to index
        %get3A_1055 = arith.constant 48 : index
        %get3A_1056 = tpu.vector_load %arg13[%get3A_1054, %get3A_1055] {strides = array<i32>} : memref<64x64xf32, #tpu.memory_space<vmem>>, vector<1x16xf32>,
        %get3A_1057 = vector.shape_cast %get3A_1056 : vector<1x16xf32> to vector<16xf32>
        %mul3A_1058 = vector.broadcast %squeeze3A_1016 : f32 to vector<16xf32>
        %mul3A_1059 = arith.mulf %get3A_1057, %mul3A_1058 : vector<16xf32>
        %swap3A_1060 = arith.index_cast %add3A_1020 : i32 to index
        %swap3A_1061 = arith.constant 48 : index
        %swap3A_1062 = tpu.vector_load %arg13[%swap3A_1060, %swap3A_1061] {strides = array<i32>} : memref<64x64xf32, #tpu.memory_space<vmem>>, vector<1x16xf32>,
        %swap3A_1063 = vector.shape_cast %swap3A_1062 : vector<1x16xf32> to vector<16xf32>
        %swap3A_1064 = vector.shape_cast %mul3A_1059 : vector<16xf32> to vector<1x16xf32>
        tpu.vector_store %arg13[%swap3A_1060, %swap3A_1061], %swap3A_1064 {strides = array<i32>} : memref<64x64xf32, #tpu.memory_space<vmem>>, vector<1x16xf32>,
        %scan3A_1065 = arith.constant 0 : i32
        scf.yield %scan3A_1065 : i32
      }
      %scan3A_256 = arith.constant 4 : i32
      "tpu.region"() ({
        %run_scoped3A = tpu.sem_alloc : memref<!tpu.dma_semaphore, #tpu.memory_space<semaphore_mem>>
        %dma_start3A_258 = arith.constant 0 : i32
        %dma_start3A_259 = tpu.memref_slice %arg6[%arg0, %add3A, %dma_start3A_258] : memref<2x10240x64xf32, #tpu.memory_space<hbm>> -> memref<1x64x64xf32, #tpu.memory_space<hbm>>
        %dma_start3A_260 = tpu.memref_squeeze %dma_start3A_259 : memref<1x64x64xf32, #tpu.memory_space<hbm>> -> memref<64x64xf32, #tpu.memory_space<hbm>>
        %dma_start3A_261 = arith.constant 0 : i32
        %dma_start3A_262 = tpu.memref_slice %arg6[%arg0, %add3A, %dma_start3A_261] : memref<2x10240x64xf32, #tpu.memory_space<hbm>> -> memref<1x64x64xf32, #tpu.memory_space<hbm>>
        %dma_start3A_263 = tpu.memref_squeeze %dma_start3A_262 : memref<1x64x64xf32, #tpu.memory_space<hbm>> -> memref<64x64xf32, #tpu.memory_space<hbm>>
        tpu.enqueue_dma source(%arg13 : memref<64x64xf32, #tpu.memory_space<vmem>>) target(%dma_start3A_263 : memref<64x64xf32, #tpu.memory_space<hbm>>) target_semaphore(%run_scoped3A : memref<!tpu.dma_semaphore, #tpu.memory_space<semaphore_mem>>)
        %dma_wait3A_264 = arith.constant 0 : i32
        %dma_wait3A_265 = tpu.memref_slice %arg6[%arg0, %add3A, %dma_wait3A_264] : memref<2x10240x64xf32, #tpu.memory_space<hbm>> -> memref<1x64x64xf32, #tpu.memory_space<hbm>>
        %dma_wait3A_266 = tpu.memref_squeeze %dma_wait3A_265 : memref<1x64x64xf32, #tpu.memory_space<hbm>> -> memref<64x64xf32, #tpu.memory_space<hbm>>
        %dma_wait3A_267 = arith.constant 0 : i32
        %dma_wait3A_268 = tpu.memref_slice %arg6[%arg0, %add3A, %dma_wait3A_267] : memref<2x10240x64xf32, #tpu.memory_space<hbm>> -> memref<1x64x64xf32, #tpu.memory_space<hbm>>
        %dma_wait3A_269 = tpu.memref_squeeze %dma_wait3A_268 : memref<1x64x64xf32, #tpu.memory_space<hbm>> -> memref<64x64xf32, #tpu.memory_space<hbm>>
        tpu.wait_dma2 semaphore(%run_scoped3A : memref<!tpu.dma_semaphore, #tpu.memory_space<semaphore_mem>>) src(%arg13 : memref<64x64xf32, #tpu.memory_space<vmem>>) dst(%dma_wait3A_269 : memref<64x64xf32, #tpu.memory_space<hbm>>)
        tpu.yield
      }) : () -> ()
      %scan3A_257 = arith.constant 0 : i32
      scf.yield %scan3A_257 : i32
    }
    %scan3A_245 = arith.constant 10 : i32
    return
  }
}

</mosaic_0001>

<sc_bundles>
// kernel: kernel.3.cloned.1.call-start
scs
__scs_entry_jumppad:
0x0: {  	(pc) =	sbr.rel $0x88, $3  }
0x1: {  	(tag) =	ssettag $0x0;
	lr =	simm.s32 $0x1  }
0x2: {  	[smem:$0x3F9F] =	sst lr;
	_ =	strace $0xD0000000  }
0x3: {  	_ = 	snop  }
0x4: {  	_ = 	snop  }
0x5: {  	_ = 	snop  }
0x6: {  	_ = 	snop  }
0x7: {  	_ = 	snop  }
__scs_overlays_trampoline_lowered:
0x8: {  	[smem:$0x3FAE] =	sst s0  }
0x9: {  	[smem:$0x3FAF] =	sst s1  }
0xa: {  	[smem:$0x3FB0] =	sst s2  }
0xb: {  	[smem:$0x3FB1] =	sst s3  }
0xc: {  	[smem:$0x3FB2] =	sst s4  }
0xd: {  	[smem:$0x3FB3] =	sst s5  }
0xe: {  	[smem:$0x3FB4] =	sst s6  }
0xf: {  	[smem:$0x3FB5] =	sst s7  }
0x10: {  	[smem:$0x3FB6] =	sst s8  }
0x11: {  	[smem:$0x3FB7] =	sst s9;
	s0 =	simm.s32 @!p0 $0x0  }
0x12: {  	s1 =	sld [smem:$0x3F9D];
	s0 =	simm.s32 @p0 $0x1  }
0x13: {  	[smem:$0x3FB8] =	sst s0;
	s0 =	simm.s32 @!p1 $0x0  }
0x14: {  	s2 =	sld [smem:$0x3F9C];
	s0 =	simm.s32 @p1 $0x1  }
0x15: {  	[smem:$0x3FB9] =	sst s0;
	s0 =	simm.s32 @!p2 $0x0  }
0x16: {  	s3 =	sld [smem:$0x3FDB];
	s0 =	simm.s32 @p2 $0x1  }
0x17: {  	s4 =	simm.s32 $0x1BF5;
	[smem:$0x3FBB] =	sst s0  }
0x18: {  	s0 =	sld [smem:$0x3F9E];
	_ =	swait.ge [sflag:s4], $0x0  }
0x19: {  	s7 =	sld [smem:$0x3F9F]  }
0x1a: {  	s8 =	sadd.s32 $0xFFFFE003, lr  }
0x1b: {  	s9 =	sadd.s32 $0xFFFFFEF7, lr;
	s5 =	simm.s32 $0xFFFFFFFF;
	p2 =	slt.u32 s8, $0xFFFFF086  }
0x1c: {  	p1 =	slt.u32 s9, $0xF7A;
	s5 =	simm.s32 @!p2 $0x0  }
0x1d: {  	s5 =	simm.s32 @p1 $0x1;
	p0 =	seq.s32 s7, s2  }
0x1e: {  	s7 =	smul.u32 @!p0 $0xF7A, s2;
	p2 =	seq.s32 @!p0 s5, $0x0  }
0x1f: {  	s9 =	smul.u32 $0xF7A, s1;
	s8 =	simm.s32 @!p0 $0x1BF5;
	p2 =	por !p2, p0  }
0x20: {  	[sflag:s8] =	ssyncset.s32 @!p0 $0xFFFFF086;
	s6 =	sadd.s32 @!p0 s3, s7;
	s7 =	simm.s32 @!p0 $0x108  }
0x21: {  	s3 =	sadd.s32 s3, s9;
	s6 =	sadd.s32 @!p0 $0x88, s6;
	s7 =	simm.s32 @p2 $0x1082  }
0x22: {  	[simem:s7], [sflag:s8] =	dma.local @!p0 [hbm:s6], $0xF7A  }
0x23: {  	s9 =	sor.u32 $0xD0000000, s2;
	s6 =	simm.s32 $0x108;
	_ =	swait.ge @!p0 [sflag:s8], $0x0  }
0x24: {  	s3 =	sadd.s32 $0x88, s3;
	s6 =	simm.s32 @!p1 $0x1082;
	[sflag:s4] =	ssyncset.s32 $0xFFFFF086  }
0x25: {  	[simem:s6], [sflag:s4] =	dma.local [hbm:s3], $0xF7A  }
0x26: {  	[smem:$0x3F9F] =	sst s1;
	(tag) =	ssettag s2;
	_ =	strace s9  }
0x27: {  	s1 =	sld [smem:$0x3FAF]  }
0x28: {  	s2 =	sld [smem:$0x3FB0]  }
0x29: {  	s4 =	sld [smem:$0x3FB2]  }
0x2a: {  	p0 =	seq.s32 s5, $0x0;
	s5 =	sld [smem:$0x3FB3]  }
0x2b: {  	s6 =	sld [smem:$0x3FB4]  }
0x2c: {  	s7 =	sld [smem:$0x3FB5]  }
0x2d: {  	s3 =	simm.s32 $0x108;
	s8 =	sld [smem:$0x3FB6]  }
0x2e: {  	s3 =	simm.s32 @!p0 $0x1082;
	s9 =	sld [smem:$0x3FB7]  }
0x2f: {  	lr =	sadd.s32 s0, s3;
	s0 =	sld [smem:$0x3FAE]  }
0x30: {  	s3 =	sld [smem:$0x3FB1]  }
0x31: {  	[smem:$0x3FBA] =	sst s10  }
0x32: {  	s10 =	sld [smem:$0x3FB8];
	_ =	sdelay $0x3  }
0x33: {  	p0 =	seq.s32 s10, $0x1;
	s10 =	sld [smem:$0x3FBA];
	_ =	sdelay $0x3  }
0x34: {  	[smem:$0x3FBA] =	sst s10  }
0x35: {  	s10 =	sld [smem:$0x3FB9];
	_ =	sdelay $0x3  }
0x36: {  	p1 =	seq.s32 s10, $0x1;
	s10 =	sld [smem:$0x3FBA];
	_ =	sdelay $0x3  }
0x37: {  	[smem:$0x3FBA] =	sst s10  }
0x38: {  	s10 =	sld [smem:$0x3FBB]  }
0x39: {  	_ = 	snop;
	(pc) =	sbr.ind lr, $3  }
0x3a: {  	_ = 	snop  }
0x3b: {  	_ = 	snop  }
0x3c: {  	p2 =	seq.s32 s10, $0x1;
	s10 =	sld [smem:$0x3FBA]  }
0x3d: {  	_ =	shalt  }
0x3e: {  	_ =	shalt  }
0x3f: {  	_ =	shalt  }
0x40: {  	_ =	shalt  }
0x41: {  	_ =	shalt  }
0x42: {  	_ =	shalt  }
0x43: {  	_ =	shalt  }
0x44: {  	_ =	shalt  }
0x45: {  	_ =	shalt  }
0x46: {  	_ =	shalt  }
0x47: {  	_ =	shalt  }
0x48: {  	_ =	shalt  }
0x49: {  	_ =	shalt  }
0x4a: {  	_ =	shalt  }
0x4b: {  	_ =	shalt  }
0x4c: {  	_ =	shalt  }
0x4d: {  	_ =	shalt  }
0x4e: {  	_ =	shalt  }
0x4f: {  	_ =	shalt  }
0x50: {  	_ =	shalt  }
0x51: {  	_ =	shalt  }
0x52: {  	_ =	shalt  }
0x53: {  	_ =	shalt  }
0x54: {  	_ =	shalt  }
0x55: {  	_ =	shalt  }
0x56: {  	_ =	shalt  }
0x57: {  	_ =	shalt  }
0x58: {  	_ =	shalt  }
0x59: {  	_ =	shalt  }
0x5a: {  	_ =	shalt  }
0x5b: {  	_ =	shalt  }
0x5c: {  	_ =	shalt  }
0x5d: {  	_ =	shalt  }
0x5e: {  	_ =	shalt  }
0x5f: {  	_ =	shalt  }
0x60: {  	_ =	shalt  }
0x61: {  	_ =	shalt  }
0x62: {  	_ =	shalt  }
0x63: {  	_ =	shalt  }
0x64: {  	_ =	shalt  }
0x65: {  	_ =	shalt  }
0x66: {  	_ =	shalt  }
0x67: {  	_ =	shalt  }
0x68: {  	_ =	shalt  }
0x69: {  	_ =	shalt  }
0x6a: {  	_ =	shalt  }
0x6b: {  	_ =	shalt  }
0x6c: {  	_ =	shalt  }
0x6d: {  	_ =	shalt  }
0x6e: {  	_ =	shalt  }
0x6f: {  	_ =	shalt  }
0x70: {  	_ =	shalt  }
0x71: {  	_ =	shalt  }
0x72: {  	_ =	shalt  }
0x73: {  	_ =	shalt  }
0x74: {  	_ =	shalt  }
0x75: {  	_ =	shalt  }
0x76: {  	_ =	shalt  }
0x77: {  	_ =	shalt  }
0x78: {  	_ =	shalt  }
0x79: {  	_ =	shalt  }
0x7a: {  	_ =	shalt  }
0x7b: {  	_ =	shalt  }
0x7c: {  	_ =	shalt  }
0x7d: {  	_ =	shalt  }
0x7e: {  	_ =	shalt  }
0x7f: {  	_ =	shalt  }
0x80: {  	_ =	shalt  }
0x81: {  	_ =	shalt  }
0x82: {  	_ =	shalt  }
0x83: {  	_ =	shalt  }
0x84: {  	_ =	shalt  }
0x85: {  	_ =	shalt  }
0x86: {  	_ =	shalt  }
0x87: {  	_ =	shalt  }
.Lfunc_end0:
.L_simem_size_0:
called_computation_lowered:
.L_overlay_start_0:
0x88: {  	s2 =	sld [smem:$0x3FD9]  }
0x89: {  	s3 =	sld [smem:$0x3FFE];
	_ =	sdelay $0x1  }
0x8a: {  	s1 =	srdreg.scid  }
0x8b: {  	s0 =	sand.u32 $0x1, s1  }
0x8c: {  	s14 =	sshll.u32 s0, $0xA;
	s2 =	sadd.s32 s3, s2  }
0x8d: {  	s2 =	sadd.s32 s2, s14  }
0x8e: {  	[smem:$0x3FC6] =	sst s2  }
0x8f: {  	_ = 	snop  }
0x90: {  	s2 =	sld [smem:$0x3FD0];
	_ =	sdelay $0x2  }
0x91: {  	s15 =	simm.s32 $0xA;
	s4 =	simm.s32 $0x10  }
0x92: {  	[smem:s4], [sflag:s15] =	dma.local [hbm:s2], $0x1  }
0x93: {  	_ =	swait.eq [sflag:s15], $0x1  }
0x94: {  	[sflag:s15] =	ssyncset.done $0x0  }
0x95: {  	s16 =	sld [smem:$0x10];
	[sflag:s15] =	ssyncadd.s32 $0xFFFFFFFF  }
0x96: {  	s17 =	sld [smem:$0x11];
	(tm) =	ssettm $0x1  }
0x97: {  	s18 =	sld [smem:$0x3FFB];
	_ =	sdelay $0x3  }
0x98: {  	_ =	strace s18  }
0x99: {  	s4 =	sld [smem:$0x3FFC];
	_ =	sdelay $0x3  }
0x9a: {  	_ =	strace s4  }
0x9b: {  	s4 =	sld [smem:$0x3FFD];
	_ =	sdelay $0x3  }
0x9c: {  	_ =	strace s4  }
0x9d: {  	_ =	strace $0x8FFFFFFF  }
0x9e: {  	s19 =	sld [smem:$0x3FDB];
	_ =	sdelay $0x1  }
0x9f: {  	s5 =	simm.s32 $_scs_section_size  }
0xa0: {  	s6 =	simm.s32 $_size__tile_overlayer_lowered;
	s7 =	simm.s32 $_tile_overlayer_lowered  }
0xa1: {  	s22 =	simm.s32 $0x1BFF;
	s21 =	sshll.u32 s7, $0x1;
	s4 =	sadd.s32 s5, s19  }
0xa2: {  	s8 =	simm.s32 $0x0;
	s20 =	sshll.u32 s6, $0x1;
	s6 =	sadd.s32 s21, s4  }
0xa3: {  	[timem:s8], [sflag:s22] =	dma.local [hbm:s6], s20  }
0xa4: {  	_ =	swait.ge [sflag:s22], s20  }
0xa5: {  	s5 =	ssub.s32 $0x0, s20;
	[sflag:s22] =	ssyncset.done $0x0  }
0xa6: {  	[sflag:s22] =	ssyncadd.s32 s5;
	_ =	sdelay $0x1  }
0xa7: {  	s23 =	simm.s32 $0x1B8B  }
0xa8: {  	_ =	swait.ge [sflag:s23], $0x1  }
0xa9: {  	[sflag:s23] =	ssyncset.done $0x0  }
0xaa: {  	s25 =	simm.s32 $0x1B8E;
	s24 =	sld [smem:$0x3FFE];
	[sflag:s23] =	ssyncadd.s32 $0xFFFFFFFF  }
0xab: {  	s26 =	simm.s32 $execute0_lowered;
	[smem:$0x3FD2] =	sst s25  }
0xac: {  	s6 =	sshll.u32 s26, $0x1;
	_ =	strace $0x80000046;
	[dreg:$0x1] =	wrdreg $0xFFFFFFFF  }
0xad: {  	s28 =	simm.s32 $_size_execute0_lowered;
	s4 =	sadd.s32 s4, s6;
	[dreg:$0x0] =	wrdreg $0x0  }
0xae: {  	s6 =	sshll.u32 s28, $0x1;
	[dreg:$0x2] =	wrdreg s4  }
0xaf: {  	[dreg:$0x3] =	wrdreg s6  }
0xb0: {  	[dreg:$0x4] =	wrdreg $0xC0  }
0xb1: {  	_ =	task [dreg:s8], $0x5FFFF  }
0xb2: {  	[dreg:$0x1] =	wrdreg $0xFFFFFFFF  }
0xb3: {  	[dreg:$0x0] =	wrdreg $0x60  }
0xb4: {  	[dreg:$0x2] =	wrdreg s24  }
0xb5: {  	[dreg:$0x3] =	wrdreg s16  }
0xb6: {  	[dreg:$0x4] =	wrdreg s17  }
0xb7: {  	[dreg:$0x5] =	wrdreg $0x0  }
0xb8: {  	[dreg:$0x6] =	wrdreg $0xA0000  }
0xb9: {  	[dreg:$0x7] =	wrdreg $0xA2800  }
0xba: {  	[dreg:$0x8] =	wrdreg $0x9  }
0xbb: {  	_ =	task.clear_ibuf [dreg:s8], $0x9FFFF;
	_ =	strace $0x90000046  }
0xbc: {  	s29 =	simm.s32 $0x9;
	_ =	strace $0x80000048  }
0xbd: {  	_ =	swait.ge [sflag:s29], $0x1  }
0xbe: {  	[sflag:s29] =	ssyncadd.s32 $0xFFFFFFFF  }
0xbf: {  	_ =	strace $0x90000048  }
0xc0: {  	_ =	sfence  }
0xc1: {  	s30 =	sld [smem:$0x0];
	_ =	sdelay $0x2  }
0xc2: {  	s31 =	sshll.u32 s1, $0xD;
	s1 =	sshrl.u32 s1, $0x2  }
0xc3: {  	s3 =	sand.u32 $0x4000, s31;
	s1 =	sadd.s32 s1, s30  }
0xc4: {  	s0 =	sor.u32 s3, s0;
	s1 =	sshll.u32 s1, $0x11  }
0xc5: {  	s0 =	sor.u32 s1, s0  }
0xc6: {  	s0 =	sadd.s32 $0x8F2B, s0  }
0xc7: {  	[sflag:s0] =	ssyncadd.remote.s32 $0x1  }
0xc8: {  	_ =	sfence.sel $0xFFFF  }
0xc9: {  	[dreg:$0x0] =	wrdreg $0xFFFFFFFF;
	(pc) =	sbr.abs _section_cstart, $3  }
0xca: {  	[dreg:$0x1] =	wrdreg $0xFFFFFFFF  }
0xcb: {  	_ =	task.clear_ibuf [dreg:s8], $0x2FFFF;
	_ =	strace $0x9FFFFFFF  }
0xcc: {  	(tm) =	ssettm $0x7FFFFFFF  }
0xcd: {  	_ =	shalt  }
tec
execute0_lowered:
.L_overlay_start_1:
0x0: {  	(tag) =	ssettag $0x1  }
0x1: {  	s0 =	rddreg [dreg:$0x0]  }
0x2: {  	s5 =	rddreg [dreg:$0x1]  }
0x3: {  	s10 =	rddreg [dreg:$0x2]  }
0x4: {  	s1 =	rddreg [dreg:$0x3]  }
0x5: {  	s2 =	rddreg [dreg:$0x4]  }
0x6: {  	s4 =	srdreg.scid;
	s16 =	stileid.u32  }
0x7: {  	s3 =	rddreg [dreg:$0x5];
	s13 =	smul.u32 $0x9D0, s16  }
0x8: {  	s7 =	sand.u32 $0x1, s4;
	s4 =	simm.s32 $0x0;
	s15 =	smul.u32 $0x28000, s16  }
0x9: {  	s8 =	sadd.s32 $0x50A00, s0;
	s6 =	smul.u32 $0xA0000, s7;
	[smem:$0x7FF] =	sst s4  }
0xa: {  	s9 =	ssub.s32 $0x2, s7;
	s7 =	sadd.s32 $0x28A00, s0;
	_ =	strace $0x80000047  }
0xb: {  	s14 =	sshrl.u32 s9, $0x1;
	s5 =	sadd.s32 s5, s13;
	s21 =	sadd.s32 s10, s13  }
0xc: {  	s20 =	ssub.s32 s9, s14;
	s9 =	smul.u32 $0x280, s16;
	[dreg:$0x7] =	wrdreg s5  }
0xd: {  	s22 =	sshrl.u32 s15, $0x2;
	s11 =	sshrl.u32 s6, $0x3;
	[dreg:$0x8] =	wrdreg s21  }
0xe: {  	s12 =	sadd.s32 s11, s0;
	s0 =	smax.u32 s20, $0x1;
	s23 =	sor.u32 $0x40, s9  }
0xf: {  	s14 =	sadd.s32 s7, s11;
	[dreg:$0x9] =	wrdreg s0;
	s25 =	sadd.s32 s23, s2  }
0x10: {  	s26 =	sadd.s32 $0x80, s9;
	s5 =	sadd.s32 s23, s3;
	[dreg:$0xb] =	wrdreg s25  }
0x11: {  	s29 =	sadd.s32 $0xC0, s9;
	s11 =	sadd.s32 s26, s2;
	[dreg:$0xc] =	wrdreg s5  }
0x12: {  	s13 =	sadd.s32 s22, s1;
	s18 =	sadd.s32 s29, s2;
	[dreg:$0xe] =	wrdreg s11  }
0x13: {  	s17 =	sadd.s32 $0x100, s9;
	s19 =	sadd.s32 s29, s3;
	[dreg:$0x11] =	wrdreg s18  }
0x14: {  	s24 =	sshll.u32 s23, $0x6;
	s21 =	sadd.s32 s17, s2;
	[dreg:$0x12] =	wrdreg s19  }
0x15: {  	s28 =	sshll.u32 s26, $0x6;
	s0 =	sadd.s32 s24, s1;
	[dreg:$0x14] =	wrdreg s21  }
0x16: {  	s15 =	sshll.u32 s29, $0x6;
	s5 =	sadd.s32 s28, s1;
	[dreg:$0xa] =	wrdreg s0  }
0x17: {  	s22 =	sadd.s32 $0x140, s9;
	s16 =	sadd.s32 s15, s1;
	[dreg:$0xd] =	wrdreg s5  }
0x18: {  	s30 =	sadd.s32 $0x5000, s13;
	s25 =	sadd.s32 s22, s2;
	[dreg:$0x10] =	wrdreg s16  }
0x19: {  	s20 =	sshll.u32 s17, $0x6;
	s0 =	sadd.s32 s26, s3;
	[dreg:$0x17] =	wrdreg s25  }
0x1a: {  	s24 =	sadd.s32 $0x180, s9;
	s5 =	sadd.s32 s20, s1;
	[dreg:$0xf] =	wrdreg s0  }
0x1b: {  	s31 =	sadd.s32 $0x6000, s13;
	s29 =	sadd.s32 s24, s2;
	[dreg:$0x13] =	wrdreg s5  }
0x1c: {  	s28 =	sadd.s32 $0x1C0, s9;
	s10 =	sadd.s32 s24, s3;
	[dreg:$0x1a] =	wrdreg s29  }
0x1d: {  	s18 =	sadd.s32 $0x240, s9;
	s15 =	sadd.s32 s28, s2;
	[dreg:$0x1b] =	wrdreg s10  }
0x1e: {  	s12 =	sadd.s32 $0xA00, s12;
	s21 =	sadd.s32 s18, s2;
	[dreg:$0x1d] =	wrdreg s15  }
0x1f: {  	s26 =	sshll.u32 s24, $0x6;
	s24 =	sadd.s32 s9, s3;
	[smem:$0x7F6] =	sst s21  }
0x20: {  	s23 =	sshll.u32 s22, $0x6;
	s25 =	sadd.s32 $0x1000, s13;
	[smem:$0x7F9] =	sst s24  }
0x21: {  	s11 =	sshll.u32 s28, $0x6;
	s0 =	sadd.s32 s17, s3;
	[smem:$0x7FA] =	sst s25  }
0x22: {  	s16 =	sadd.s32 $0x200, s9;
	s5 =	sadd.s32 s22, s3;
	[dreg:$0x15] =	wrdreg s0  }
0x23: {  	s20 =	sshll.u32 s18, $0x6;
	s19 =	sadd.s32 s16, s2;
	[dreg:$0x18] =	wrdreg s5  }
0x24: {  	s17 =	sshll.u32 s16, $0x6;
	s22 =	sadd.s32 s18, s3;
	[smem:$0x7F3] =	sst s19  }
0x25: {  	s29 =	sadd.s32 $0x4000, s13;
	s10 =	sadd.s32 $0x9000, s13;
	[smem:$0x7F7] =	sst s22  }
0x26: {  	s18 =	simm.s32 $0x80;
	s0 =	sadd.s32 s23, s1;
	[smem:$0x7FD] =	sst s29  }
0x27: {  	s21 =	simm.s32 $0x18200;
	s5 =	sadd.s32 s11, s1;
	[dreg:$0x16] =	wrdreg s0  }
0x28: {  	s15 =	simm.s32 $0x1F240;
	s23 =	sadd.s32 s9, s2;
	[dreg:$0x1c] =	wrdreg s5  }
0x29: {  	s24 =	simm.s32 $0x3;
	s0 =	sadd.s32 s26, s1;
	[smem:$0x7F8] =	sst s23  }
0x2a: {  	s25 =	simm.s32 $0x0;
	s5 =	sadd.s32 s16, s3;
	[dreg:$0x19] =	wrdreg s0  }
0x2b: {  	s11 =	simm.s32 $0x4;
	s26 =	sadd.s32 $0x2000, s13;
	[smem:$0x7F4] =	sst s5  }
0x2c: {  	s22 =	simm.s32 $0x1;
	s0 =	sadd.s32 s28, s3;
	[smem:$0x7FB] =	sst s26  }
0x2d: {  	s16 =	simm.s32 $0x1E200;
	s28 =	sadd.s32 $0x3000, s13;
	[dreg:$0x1e] =	wrdreg s0  }
0x2e: {  	s23 =	simm.s32 $0x2;
	s0 =	sadd.s32 s17, s1;
	[smem:$0x7FC] =	sst s28  }
0x2f: {  	s5 =	sadd.s32 $0x8000, s13;
	[dreg:$0x1f] =	wrdreg s0;
	s0 =	sadd.s32 s20, s1  }
0x30: {  	v0 =	vimm.f32 $0.0e+00;
	v1 =	vimm.f32 $1.000000000e+00;
	s17 =	simm.s32 $0x1F200;
	[smem:$0x7F5] =	sst s0;
	s0 =	sadd.s32 $0x7000, s13  }
.LBB2_1:
0x31: {  	s19 =	rddreg [dreg:$0x7];
	s20 =	simm.s32 $0xA500  }
0x32: {  	[tilespmem:s20], [sflag:$0x4] =	stream.linear.gather [hbm4b:s19+s4], $0x4E80, $0x38;
	[tilespmem:$0x1F2C0] =	vst v63  }
0x33: {  	_ =	swait.ge [sflag:s11], $0x4E80  }
0x34: {  	[sflag:s11] =	ssyncset.done $0x0  }
0x35: {  	s29 =	simm.s32 $0xF380;
	s28 =	rddreg [dreg:$0x8];
	[sflag:s11] =	ssyncadd.s32 $0xFFFFB180  }
0x36: {  	[tilespmem:s29], [sflag:$0x4] =	stream.linear.gather [hbm4b:s28+s4], $0x4E80, $0x38;
	[tilespmem:$0x1F2C0] =	vst v63  }
0x37: {  	_ =	swait.ge [sflag:s11], $0x4E80  }
0x38: {  	[sflag:s11] =	ssyncset.done $0x0  }
0x39: {  	s26 =	simm.s32 $0x100;
	s19 =	simm.s32 $0x0;
	[sflag:s11] =	ssyncadd.s32 $0xFFFFB180  }
.LBB2_2:
0x3a: {  	p0 =	sne.s32 s26, $0x3F00;
	[tilespmem:s19+$0x1E230] =	vst v0;
	s28 =	smov.u32 s26;
	s26 =	sadd.s32 $0x100, s26  }
.Ltmp0:
0x3b: {  	[tilespmem:s19+$0x1E220] =	vst v0;
	(pc) =	sbr.rel @p0 .LBB2_2-.Ltmp0, $3  }
0x3c: {  	[tilespmem:s19+$0x1E200] =	vst v0  }
0x3d: {  	[tilespmem:s19+$0x1E210] =	vst v0;
	_ =	sdelay $0x1  }
0x3e: {  	s19 =	sshra.s32 s28, $0x2  }
0x3f: {  	[tilespmem:s19+$0x1E230] =	vst v0  }
0x40: {  	[tilespmem:s19+$0x1E220] =	vst v0  }
0x41: {  	[tilespmem:s19+$0x1E200] =	vst v0  }
0x42: {  	[tilespmem:s19+$0x1E210] =	vst v0  }
0x43: {  	[tilespmem:$0x1F200] =	vst v0  }
0x44: {  	[tilespmem:$0x1F210] =	vst v0  }
0x45: {  	[tilespmem:$0x1F220] =	vst v0  }
0x46: {  	[tilespmem:$0x1F230] =	vst v0  }
0x47: {  	[tilespmem:$0x1F240] =	vst v1  }
0x48: {  	[tilespmem:$0x1F250] =	vst v1  }
0x49: {  	[tilespmem:$0x1F260] =	vst v1  }
0x4a: {  	[tilespmem:$0x1F270] =	vst v1  }
0x4b: {  	[tilespmem:$0x1F280] =	vst v1  }
0x4c: {  	[tilespmem:$0x1F290] =	vst v1  }
0x4d: {  	[tilespmem:$0x1F2A0] =	vst v1  }
0x4e: {  	[tilespmem:$0x1F2B0] =	vst v1  }
0x4f: {  	[spmem:s13] =	stream.linear.scatter [tilespmem:s16], [sflag:$0x4], $0x1000, $0x38;
	[tilespmem:$0x1F2C0] =	vst v63  }
0x50: {  	_ =	swait.ge [sflag:s11], $0x1000  }
0x51: {  	s20 =	sld [smem:$0x7F8]  }
0x52: {  	[sflag:s11] =	ssyncset.done $0x0  }
0x53: {  	[sflag:s11] =	ssyncadd.s32 $0xFFFFF000  }
0x54: {  	[spmem:s20] =	stream.linear.scatter [tilespmem:s17], [sflag:$0x4], $0x40, $0x38;
	[tilespmem:$0x1F2C0] =	vst v63  }
0x55: {  	_ =	swait.ge [sflag:s11], $0x40  }
0x56: {  	s26 =	sld [smem:$0x7F9]  }
0x57: {  	[sflag:s11] =	ssyncset.done $0x0  }
0x58: {  	[sflag:s11] =	ssyncadd.s32 $0xFFFFFFC0  }
0x59: {  	[spmem:s26] =	stream.linear.scatter [tilespmem:s17], [sflag:$0x4], $0x40, $0x38;
	[tilespmem:$0x1F2C0] =	vst v63  }
0x5a: {  	_ =	swait.ge [sflag:s11], $0x40  }
0x5b: {  	[sflag:s11] =	ssyncset.done $0x0  }
0x5c: {  	s29 =	rddreg [dreg:$0xa];
	[sflag:s11] =	ssyncadd.s32 $0xFFFFFFC0  }
0x5d: {  	[spmem:s29] =	stream.linear.scatter [tilespmem:s16], [sflag:$0x4], $0x1000, $0x38;
	[tilespmem:$0x1F2C0] =	vst v63  }
0x5e: {  	_ =	swait.ge [sflag:s11], $0x1000  }
0x5f: {  	[sflag:s11] =	ssyncset.done $0x0  }
0x60: {  	s20 =	rddreg [dreg:$0xb];
	[sflag:s11] =	ssyncadd.s32 $0xFFFFF000  }
0x61: {  	[spmem:s20] =	stream.linear.scatter [tilespmem:s17], [sflag:$0x4], $0x40, $0x38;
	[tilespmem:$0x1F2C0] =	vst v63  }
0x62: {  	_ =	swait.ge [sflag:s11], $0x40  }
0x63: {  	[sflag:s11] =	ssyncset.done $0x0  }
0x64: {  	s26 =	rddreg [dreg:$0xc];
	[sflag:s11] =	ssyncadd.s32 $0xFFFFFFC0  }
0x65: {  	[spmem:s26] =	stream.linear.scatter [tilespmem:s17], [sflag:$0x4], $0x40, $0x38;
	[tilespmem:$0x1F2C0] =	vst v63  }
0x66: {  	_ =	swait.ge [sflag:s11], $0x40  }
0x67: {  	[sflag:s11] =	ssyncset.done $0x0  }
0x68: {  	s29 =	rddreg [dreg:$0xd];
	[sflag:s11] =	ssyncadd.s32 $0xFFFFFFC0  }
0x69: {  	[spmem:s29] =	stream.linear.scatter [tilespmem:s16], [sflag:$0x4], $0x1000, $0x38;
	[tilespmem:$0x1F2C0] =	vst v63  }
0x6a: {  	_ =	swait.ge [sflag:s11], $0x1000  }
0x6b: {  	[sflag:s11] =	ssyncset.done $0x0  }
0x6c: {  	s20 =	rddreg [dreg:$0xe];
	[sflag:s11] =	ssyncadd.s32 $0xFFFFF000  }
0x6d: {  	[spmem:s20] =	stream.linear.scatter [tilespmem:s17], [sflag:$0x4], $0x40, $0x38;
	[tilespmem:$0x1F2C0] =	vst v63  }
0x6e: {  	_ =	swait.ge [sflag:s11], $0x40  }
0x6f: {  	[sflag:s11] =	ssyncset.done $0x0  }
0x70: {  	s26 =	rddreg [dreg:$0xf];
	[sflag:s11] =	ssyncadd.s32 $0xFFFFFFC0  }
0x71: {  	[spmem:s26] =	stream.linear.scatter [tilespmem:s17], [sflag:$0x4], $0x40, $0x38;
	[tilespmem:$0x1F2C0] =	vst v63  }
0x72: {  	_ =	swait.ge [sflag:s11], $0x40  }
0x73: {  	[sflag:s11] =	ssyncset.done $0x0  }
0x74: {  	s29 =	rddreg [dreg:$0x10];
	[sflag:s11] =	ssyncadd.s32 $0xFFFFFFC0  }
0x75: {  	[spmem:s29] =	stream.linear.scatter [tilespmem:s16], [sflag:$0x4], $0x1000, $0x38;
	[tilespmem:$0x1F2C0] =	vst v63  }
0x76: {  	_ =	swait.ge [sflag:s11], $0x1000  }
0x77: {  	[sflag:s11] =	ssyncset.done $0x0  }
0x78: {  	s20 =	rddreg [dreg:$0x11];
	[sflag:s11] =	ssyncadd.s32 $0xFFFFF000  }
0x79: {  	[spmem:s20] =	stream.linear.scatter [tilespmem:s17], [sflag:$0x4], $0x40, $0x38;
	[tilespmem:$0x1F2C0] =	vst v63  }
0x7a: {  	_ =	swait.ge [sflag:s11], $0x40  }
0x7b: {  	[sflag:s11] =	ssyncset.done $0x0  }
0x7c: {  	s26 =	rddreg [dreg:$0x12];
	[sflag:s11] =	ssyncadd.s32 $0xFFFFFFC0  }
0x7d: {  	[spmem:s26] =	stream.linear.scatter [tilespmem:s17], [sflag:$0x4], $0x40, $0x38;
	[tilespmem:$0x1F2C0] =	vst v63  }
0x7e: {  	_ =	swait.ge [sflag:s11], $0x40  }
0x7f: {  	[sflag:s11] =	ssyncset.done $0x0  }
0x80: {  	s29 =	rddreg [dreg:$0x13];
	[sflag:s11] =	ssyncadd.s32 $0xFFFFFFC0  }
0x81: {  	[spmem:s29] =	stream.linear.scatter [tilespmem:s16], [sflag:$0x4], $0x1000, $0x38;
	[tilespmem:$0x1F2C0] =	vst v63  }
0x82: {  	_ =	swait.ge [sflag:s11], $0x1000  }
0x83: {  	[sflag:s11] =	ssyncset.done $0x0  }
0x84: {  	s20 =	rddreg [dreg:$0x14];
	[sflag:s11] =	ssyncadd.s32 $0xFFFFF000  }
0x85: {  	[spmem:s20] =	stream.linear.scatter [tilespmem:s17], [sflag:$0x4], $0x40, $0x38;
	[tilespmem:$0x1F2C0] =	vst v63  }
0x86: {  	_ =	swait.ge [sflag:s11], $0x40  }
0x87: {  	[sflag:s11] =	ssyncset.done $0x0  }
0x88: {  	s26 =	rddreg [dreg:$0x15];
	[sflag:s11] =	ssyncadd.s32 $0xFFFFFFC0  }
0x89: {  	[spmem:s26] =	stream.linear.scatter [tilespmem:s17], [sflag:$0x4], $0x40, $0x38;
	[tilespmem:$0x1F2C0] =	vst v63  }
0x8a: {  	_ =	swait.ge [sflag:s11], $0x40  }
0x8b: {  	[sflag:s11] =	ssyncset.done $0x0  }
0x8c: {  	s29 =	rddreg [dreg:$0x16];
	[sflag:s11] =	ssyncadd.s32 $0xFFFFFFC0  }
0x8d: {  	[spmem:s29] =	stream.linear.scatter [tilespmem:s16], [sflag:$0x4], $0x1000, $0x38;
	[tilespmem:$0x1F2C0] =	vst v63  }
0x8e: {  	_ =	swait.ge [sflag:s11], $0x1000  }
0x8f: {  	[sflag:s11] =	ssyncset.done $0x0  }
0x90: {  	s20 =	rddreg [dreg:$0x17];
	[sflag:s11] =	ssyncadd.s32 $0xFFFFF000  }
0x91: {  	[spmem:s20] =	stream.linear.scatter [tilespmem:s17], [sflag:$0x4], $0x40, $0x38;
	[tilespmem:$0x1F2C0] =	vst v63  }
0x92: {  	_ =	swait.ge [sflag:s11], $0x40  }
0x93: {  	[sflag:s11] =	ssyncset.done $0x0  }
0x94: {  	s26 =	rddreg [dreg:$0x18];
	[sflag:s11] =	ssyncadd.s32 $0xFFFFFFC0  }
0x95: {  	[spmem:s26] =	stream.linear.scatter [tilespmem:s17], [sflag:$0x4], $0x40, $0x38;
	[tilespmem:$0x1F2C0] =	vst v63  }
0x96: {  	_ =	swait.ge [sflag:s11], $0x40  }
0x97: {  	[sflag:s11] =	ssyncset.done $0x0  }
0x98: {  	s29 =	rddreg [dreg:$0x19];
	[sflag:s11] =	ssyncadd.s32 $0xFFFFFFC0  }
0x99: {  	[spmem:s29] =	stream.linear.scatter [tilespmem:s16], [sflag:$0x4], $0x1000, $0x38;
	[tilespmem:$0x1F2C0] =	vst v63  }
0x9a: {  	_ =	swait.ge [sflag:s11], $0x1000  }
0x9b: {  	[sflag:s11] =	ssyncset.done $0x0  }
0x9c: {  	s20 =	rddreg [dreg:$0x1a];
	[sflag:s11] =	ssyncadd.s32 $0xFFFFF000  }
0x9d: {  	[spmem:s20] =	stream.linear.scatter [tilespmem:s17], [sflag:$0x4], $0x40, $0x38;
	[tilespmem:$0x1F2C0] =	vst v63  }
0x9e: {  	_ =	swait.ge [sflag:s11], $0x40  }
0x9f: {  	[sflag:s11] =	ssyncset.done $0x0  }
0xa0: {  	s26 =	rddreg [dreg:$0x1b];
	[sflag:s11] =	ssyncadd.s32 $0xFFFFFFC0  }
0xa1: {  	[spmem:s26] =	stream.linear.scatter [tilespmem:s17], [sflag:$0x4], $0x40, $0x38;
	[tilespmem:$0x1F2C0] =	vst v63  }
0xa2: {  	_ =	swait.ge [sflag:s11], $0x40  }
0xa3: {  	[sflag:s11] =	ssyncset.done $0x0  }
0xa4: {  	s29 =	rddreg [dreg:$0x1c];
	[sflag:s11] =	ssyncadd.s32 $0xFFFFFFC0  }
0xa5: {  	[spmem:s29] =	stream.linear.scatter [tilespmem:s16], [sflag:$0x4], $0x1000, $0x38;
	[tilespmem:$0x1F2C0] =	vst v63  }
0xa6: {  	_ =	swait.ge [sflag:s11], $0x1000  }
0xa7: {  	[sflag:s11] =	ssyncset.done $0x0  }
0xa8: {  	s20 =	rddreg [dreg:$0x1d];
	[sflag:s11] =	ssyncadd.s32 $0xFFFFF000  }
0xa9: {  	[spmem:s20] =	stream.linear.scatter [tilespmem:s17], [sflag:$0x4], $0x40, $0x38;
	[tilespmem:$0x1F2C0] =	vst v63  }
0xaa: {  	_ =	swait.ge [sflag:s11], $0x40  }
0xab: {  	[sflag:s11] =	ssyncset.done $0x0  }
0xac: {  	s26 =	rddreg [dreg:$0x1e];
	[sflag:s11] =	ssyncadd.s32 $0xFFFFFFC0  }
0xad: {  	[spmem:s26] =	stream.linear.scatter [tilespmem:s17], [sflag:$0x4], $0x40, $0x38;
	[tilespmem:$0x1F2C0] =	vst v63  }
0xae: {  	_ =	swait.ge [sflag:s11], $0x40  }
0xaf: {  	[sflag:s11] =	ssyncset.done $0x0  }
0xb0: {  	s29 =	rddreg [dreg:$0x1f];
	[sflag:s11] =	ssyncadd.s32 $0xFFFFFFC0  }
0xb1: {  	[spmem:s29] =	stream.linear.scatter [tilespmem:s16], [sflag:$0x4], $0x1000, $0x38;
	[tilespmem:$0x1F2C0] =	vst v63  }
0xb2: {  	_ =	swait.ge [sflag:s11], $0x1000  }
0xb3: {  	s20 =	sld [smem:$0x7F3]  }
0xb4: {  	[sflag:s11] =	ssyncset.done $0x0  }
0xb5: {  	[sflag:s11] =	ssyncadd.s32 $0xFFFFF000  }
0xb6: {  	[spmem:s20] =	stream.linear.scatter [tilespmem:s17], [sflag:$0x4], $0x40, $0x38;
	[tilespmem:$0x1F2C0] =	vst v63  }
0xb7: {  	_ =	swait.ge [sflag:s11], $0x40  }
0xb8: {  	s26 =	sld [smem:$0x7F4]  }
0xb9: {  	[sflag:s11] =	ssyncset.done $0x0  }
0xba: {  	[sflag:s11] =	ssyncadd.s32 $0xFFFFFFC0  }
0xbb: {  	[spmem:s26] =	stream.linear.scatter [tilespmem:s17], [sflag:$0x4], $0x40, $0x38;
	[tilespmem:$0x1F2C0] =	vst v63  }
0xbc: {  	_ =	swait.ge [sflag:s11], $0x40  }
0xbd: {  	s29 =	sld [smem:$0x7F5]  }
0xbe: {  	[sflag:s11] =	ssyncset.done $0x0  }
0xbf: {  	[sflag:s11] =	ssyncadd.s32 $0xFFFFFFC0  }
0xc0: {  	[spmem:s29] =	stream.linear.scatter [tilespmem:s16], [sflag:$0x4], $0x1000, $0x38;
	[tilespmem:$0x1F2C0] =	vst v63  }
0xc1: {  	_ =	swait.ge [sflag:s11], $0x1000  }
0xc2: {  	s20 =	sld [smem:$0x7F6]  }
0xc3: {  	[sflag:s11] =	ssyncset.done $0x0  }
0xc4: {  	[sflag:s11] =	ssyncadd.s32 $0xFFFFF000  }
0xc5: {  	[spmem:s20] =	stream.linear.scatter [tilespmem:s17], [sflag:$0x4], $0x40, $0x38;
	[tilespmem:$0x1F2C0] =	vst v63  }
0xc6: {  	_ =	swait.ge [sflag:s11], $0x40  }
0xc7: {  	s26 =	sld [smem:$0x7F7]  }
0xc8: {  	[sflag:s11] =	ssyncset.done $0x0  }
0xc9: {  	[sflag:s11] =	ssyncadd.s32 $0xFFFFFFC0  }
0xca: {  	[spmem:s26] =	stream.linear.scatter [tilespmem:s17], [sflag:$0x4], $0x40, $0x38;
	[tilespmem:$0x1F2C0] =	vst v63  }
0xcb: {  	_ =	swait.ge [sflag:s11], $0x40  }
0xcc: {  	[sflag:s11] =	ssyncset.done $0x0  }
0xcd: {  	[sflag:s11] =	ssyncadd.s32 $0xFFFFFFC0  }
0xce: {  	s19 =	simm.s32 $0xA500;
	s20 =	simm.s32 $0x14200;
	[bflag:$0x0] =	sbarrier.arrive $0xFFFF  }
0xcf: {  	[tilespmem:s20], [sflag:$0x1] =	stream.indirect.gather [hbm4b:s12+s18], $0x40, s19, s18, $0xb8;
	[tilespmem:$0x1F2C0] =	vst v63  }
0xd0: {  	s29 =	simm.s32 $0xA580;
	s26 =	simm.s32 $0x16200  }
0xd1: {  	[tilespmem:s26], [sflag:$0x1] =	stream.indirect.gather [hbm4b:s12+s18], $0x40, s29, s18, $0xb8;
	[tilespmem:$0x1F2C0] =	vst v63  }
0xd2: {  	s28 =	simm.s32 $0xF380;
	s29 =	simm.s32 $0xA600;
	s26 =	simm.s32 $0x0  }
0xd3: {  	[tilespmem:s21], [sflag:$0x1] =	stream.indirect.gather [hbm4b:s12+s18], $0x40, s29, s18, $0xb8;
	[tilespmem:$0x1F2C0] =	vst v63  }
.LBB2_4:
0xd4: {  	_ =	swait.ge [sflag:s22], $0x2000  }
0xd5: {  	p0 =	slt.u32 s26, $0x2;
	[sflag:s22] =	ssyncset.done $0x0  }
0xd6: {  	s29 =	simm.s32 @!p0 $0x2;
	[sflag:s22] =	ssyncadd.s32 $0xFFFFE000  }
0xd7: {  	_ =	swait.ge @!p0 [sflag:s29], $0x2000  }
0xd8: {  	[sflag:s29] =	ssyncset.done @!p0 $0x0  }
0xd9: {  	[sflag:s29] =	ssyncadd.s32 @!p0 $0xFFFFE000;
	s29 =	simm.s32 @!p0 $0x3  }
0xda: {  	_ =	swait.ge @!p0 [sflag:s29], $0x80  }
0xdb: {  	[sflag:s29] =	ssyncset.done @!p0 $0x0  }
0xdc: {  	[sflag:s29] =	ssyncadd.s32 @!p0 $0xFFFFFF80  }
0xdd: {  	p1 =	sgt.u32 @!p0 s26, $0x99;
	_ =	swait.ge @!p0 [sflag:s29], $0x80  }
0xde: {  	p1 =	por p0, !p1;
	[sflag:s29] =	ssyncset.done @!p0 $0x0  }
0xdf: {  	[sflag:s29] =	ssyncadd.s32 @!p0 $0xFFFFFF80;
	s29 =	sadd.s32 @p1 $0x3, s26  }
0xe0: {  	s20 =	smul.u32 @p1 $0xCD, s29;
	_ =	sdelay $0x1  }
0xe1: {  	s20 =	sshrl.u32 @p1 s20, $0xA  }
0xe2: {  	s20 =	sand.u32 @p1 $0x3F, s20  }
0xe3: {  	s20 =	smul.u32 @p1 $0x5, s20;
	_ =	sdelay $0x1  }
0xe4: {  	s20 =	ssub.s32 @p1 s29, s20  }
0xe5: {  	s20 =	sand.u32 @p1 $0xFF, s20  }
0xe6: {  	s20 =	sshll.u32 @p1 s20, $0xD  }
0xe7: {  	s29 =	sadd.s32 @p1 $0x180, s19;
	s20 =	sadd.s32 @p1 $0x14200, s20  }
0xe8: {  	[tilespmem:s20], [sflag:$0x1] =	stream.indirect.gather @p1 [hbm4b:s12+s18], $0x40, s29, s18, $0xb8;
	[tilespmem:$0x1F2C0] =	vst v63  }
0xe9: {  	s29 =	smul.u32 $0xCD, s26;
	_ =	sdelay $0x1  }
0xea: {  	s20 =	sshrl.u32 s29, $0xA  }
0xeb: {  	s20 =	sand.u32 $0x3F, s20  }
0xec: {  	s20 =	smul.u32 $0x5, s20;
	_ =	sdelay $0x1  }
0xed: {  	s20 =	ssub.s32 s26, s20  }
0xee: {  	s20 =	sand.u32 $0xFF, s20  }
0xef: {  	s26 =	sadd.s32 $0x1, s26;
	s20 =	sshll.u32 s20, $0xD  }
0xf0: {  	p0 =	sne.s32 s26, $0x9D;
	s20 =	sadd.s32 $0x14200, s20  }
0xf1: {  	[spmem:s1] =	stream.indirect.scatter.add.f32 [tilespmem:s20], [sflag:$0x2], $0x40, s28, s18, $0xb8;
	[tilespmem:$0x1F2C0] =	vst v63  }
.Ltmp1:
0xf2: {  	_ = 	snop;
	(pc) =	sbr.rel @p0 .LBB2_4-.Ltmp1, $4  }
0xf3: {  	[spmem:s2] =	stream.indirect.scatter.add.f32 [tilespmem:s15], [sflag:$0x3], $0x1, s28, s18, $0xb8;
	[tilespmem:$0x1F2C0] =	vst v63  }
0xf4: {  	_ = 	snop  }
0xf5: {  	[spmem:s3] =	stream.indirect.scatter.add.f32 [tilespmem:s15], [sflag:$0x3], $0x1, s19, s18, $0xb8;
	[tilespmem:$0x1F2C0] =	vst v63  }
0xf6: {  	s28 =	sadd.s32 $0x80, s28;
	s19 =	sadd.s32 $0x80, s19  }
0xf7: {  	_ =	swait.ge [sflag:s23], $0x2000  }
0xf8: {  	[sflag:s23] =	ssyncset.done $0x0  }
0xf9: {  	[sflag:s23] =	ssyncadd.s32 $0xFFFFE000  }
0xfa: {  	_ =	swait.ge [sflag:s24], $0x80  }
0xfb: {  	[sflag:s24] =	ssyncset.done $0x0  }
0xfc: {  	[sflag:s24] =	ssyncadd.s32 $0xFFFFFF80  }
0xfd: {  	_ =	swait.ge [sflag:s24], $0x80  }
0xfe: {  	[sflag:s24] =	ssyncset.done $0x0  }
0xff: {  	[sflag:s24] =	ssyncadd.s32 $0xFFFFFF80  }
0x100: {  	_ =	swait.ge [sflag:s23], $0x2000  }
0x101: {  	[sflag:s23] =	ssyncset.done $0x0  }
0x102: {  	[sflag:s23] =	ssyncadd.s32 $0xFFFFE000  }
0x103: {  	_ =	swait.ge [sflag:s24], $0x80  }
0x104: {  	[sflag:s24] =	ssyncset.done $0x0  }
0x105: {  	[sflag:s24] =	ssyncadd.s32 $0xFFFFFF80  }
0x106: {  	_ =	swait.ge [sflag:s24], $0x80  }
0x107: {  	[sflag:s24] =	ssyncset.done $0x0  }
0x108: {  	[sflag:s24] =	ssyncadd.s32 $0xFFFFFF80  }
0x109: {  	s26 =	simm.s32 $0x0;
	[bflag:$0x0] =	sbarrier.arrive $0xFFFF  }
.LBB2_6:
0x10a: {  	s19 =	sshll.u32 s26, $0x6  }
0x10b: {  	s19 =	sadd.s32 s9, s19  }
0x10c: {  	s20 =	sadd.s32 s19, s2  }
0x10d: {  	[tilespmem:s17], [sflag:$0x4] =	stream.linear.gather [spmem:s20], $0x40, $0x38;
	[tilespmem:$0x1F2C0] =	vst v63  }
0x10e: {  	_ =	swait.ge [sflag:s11], $0x40  }
0x10f: {  	s19 =	sshll.u32 s19, $0x6;
	[sflag:s11] =	ssyncset.done $0x0  }
0x110: {  	s20 =	sadd.s32 s19, s1;
	[sflag:s11] =	ssyncadd.s32 $0xFFFFFFC0  }
0x111: {  	[tilespmem:s16], [sflag:$0x4] =	stream.linear.gather [spmem:s20], $0x1000, $0x38;
	[tilespmem:$0x1F2C0] =	vst v63  }
0x112: {  	_ =	swait.ge [sflag:s11], $0x1000  }
0x113: {  	[sflag:s11] =	ssyncset.done $0x0  }
0x114: {  	s28 =	simm.s32 $0x1E400;
	s29 =	simm.s32 $0x0;
	[sflag:s11] =	ssyncadd.s32 $0xFFFFF000  }
.LBB2_7:
0x115: {  	s20 =	sshra.s32 s29, $0x2  }
0x116: {  	v2 =	vld [tilespmem:s20+$0x1F200];
	_ =	sdelay $0x4  }
0x117: {  	v2 =	vmax.f32 v2, $1.000000000e+00  }
0x118: {  	(erf) = vrcp.f32 v2;
	_ =	sdelay $0x6  }
0x119: {  	v3 =	vld [tilespmem:s28+$0xFFFFFE00];
	_ =	sdelay $0x1  }
0x11a: {  	v2 =	vpop (erf)  }
0x11b: {  	v4 =	vbroadcast v2, $0x0;
	_ =	sdelay $0x1  }
0x11c: {  	v3 =	vmul.f32 v4, v3;
	_ =	sdelay $0x1  }
0x11d: {  	[tilespmem:s28+$0xFFFFFE00] =	vst v3;
	v3 =	vld [tilespmem:s28+$0xFFFFFE10];
	_ =	sdelay $0x4  }
0x11e: {  	v3 =	vmul.f32 v4, v3;
	_ =	sdelay $0x1  }
0x11f: {  	[tilespmem:s28+$0xFFFFFE10] =	vst v3;
	v3 =	vld [tilespmem:s28+$0xFFFFFE20];
	_ =	sdelay $0x4  }
0x120: {  	v3 =	vmul.f32 v3, v4;
	_ =	sdelay $0x1  }
0x121: {  	[tilespmem:s28+$0xFFFFFE20] =	vst v3;
	v3 =	vld [tilespmem:s28+$0xFFFFFE30];
	_ =	sdelay $0x4  }
0x122: {  	v3 =	vmul.f32 v3, v4;
	_ =	sdelay $0x1  }
0x123: {  	[tilespmem:s28+$0xFFFFFE30] =	vst v3;
	v3 =	vld [tilespmem:s28+$0xFFFFFE40];
	_ =	sdelay $0x2  }
0x124: {  	v50 =	vbroadcast v2, $0x1;
	_ =	sdelay $0x1  }
0x125: {  	v3 =	vmul.f32 v3, v50;
	_ =	sdelay $0x1  }
0x126: {  	[tilespmem:s28+$0xFFFFFE40] =	vst v3;
	v3 =	vld [tilespmem:s28+$0xFFFFFE50];
	_ =	sdelay $0x4  }
0x127: {  	v3 =	vmul.f32 v3, v50;
	_ =	sdelay $0x1  }
0x128: {  	[tilespmem:s28+$0xFFFFFE50] =	vst v3;
	v3 =	vld [tilespmem:s28+$0xFFFFFE60];
	_ =	sdelay $0x4  }
0x129: {  	v3 =	vmul.f32 v3, v50;
	_ =	sdelay $0x1  }
0x12a: {  	[tilespmem:s28+$0xFFFFFE60] =	vst v3;
	v3 =	vld [tilespmem:s28+$0xFFFFFE70];
	_ =	sdelay $0x4  }
0x12b: {  	v3 =	vmul.f32 v3, v50;
	_ =	sdelay $0x1  }
0x12c: {  	[tilespmem:s28+$0xFFFFFE70] =	vst v3;
	v3 =	vld [tilespmem:s28+$0xFFFFFE80];
	_ =	sdelay $0x2  }
0x12d: {  	v51 =	vbroadcast v2, $0x2;
	_ =	sdelay $0x1  }
0x12e: {  	v3 =	vmul.f32 v3, v51;
	_ =	sdelay $0x1  }
0x12f: {  	[tilespmem:s28+$0xFFFFFE80] =	vst v3;
	v3 =	vld [tilespmem:s28+$0xFFFFFE90];
	_ =	sdelay $0x4  }
0x130: {  	v3 =	vmul.f32 v3, v51;
	_ =	sdelay $0x1  }
0x131: {  	[tilespmem:s28+$0xFFFFFE90] =	vst v3;
	v3 =	vld [tilespmem:s28+$0xFFFFFEA0];
	_ =	sdelay $0x4  }
0x132: {  	v3 =	vmul.f32 v3, v51;
	_ =	sdelay $0x1  }
0x133: {  	[tilespmem:s28+$0xFFFFFEA0] =	vst v3;
	v3 =	vld [tilespmem:s28+$0xFFFFFEB0];
	_ =	sdelay $0x4  }
0x134: {  	v3 =	vmul.f32 v3, v51;
	_ =	sdelay $0x1  }
0x135: {  	[tilespmem:s28+$0xFFFFFEB0] =	vst v3;
	v3 =	vld [tilespmem:s28+$0xFFFFFEC0];
	_ =	sdelay $0x2  }
0x136: {  	v52 =	vbroadcast v2, $0x3;
	_ =	sdelay $0x1  }
0x137: {  	v3 =	vmul.f32 v3, v52;
	_ =	sdelay $0x1  }
0x138: {  	[tilespmem:s28+$0xFFFFFEC0] =	vst v3;
	v3 =	vld [tilespmem:s28+$0xFFFFFED0];
	_ =	sdelay $0x4  }
0x139: {  	v3 =	vmul.f32 v3, v52;
	_ =	sdelay $0x1  }
0x13a: {  	[tilespmem:s28+$0xFFFFFED0] =	vst v3;
	v3 =	vld [tilespmem:s28+$0xFFFFFEE0];
	_ =	sdelay $0x4  }
0x13b: {  	v3 =	vmul.f32 v3, v52;
	_ =	sdelay $0x1  }
0x13c: {  	[tilespmem:s28+$0xFFFFFEE0] =	vst v3;
	v3 =	vld [tilespmem:s28+$0xFFFFFEF0];
	_ =	sdelay $0x4  }
0x13d: {  	v3 =	vmul.f32 v3, v52;
	_ =	sdelay $0x1  }
0x13e: {  	[tilespmem:s28+$0xFFFFFEF0] =	vst v3;
	v3 =	vld [tilespmem:s28+$0xFFFFFF00];
	_ =	sdelay $0x2  }
0x13f: {  	v53 =	vbroadcast v2, $0x4;
	_ =	sdelay $0x1  }
0x140: {  	v3 =	vmul.f32 v3, v53;
	_ =	sdelay $0x1  }
0x141: {  	[tilespmem:s28+$0xFFFFFF00] =	vst v3;
	v3 =	vld [tilespmem:s28+$0xFFFFFF10];
	_ =	sdelay $0x4  }
0x142: {  	v3 =	vmul.f32 v3, v53;
	_ =	sdelay $0x1  }
0x143: {  	[tilespmem:s28+$0xFFFFFF10] =	vst v3;
	v3 =	vld [tilespmem:s28+$0xFFFFFF20];
	_ =	sdelay $0x4  }
0x144: {  	v3 =	vmul.f32 v3, v53;
	_ =	sdelay $0x1  }
0x145: {  	[tilespmem:s28+$0xFFFFFF20] =	vst v3;
	v3 =	vld [tilespmem:s28+$0xFFFFFF30];
	_ =	sdelay $0x4  }
0x146: {  	v3 =	vmul.f32 v3, v53;
	_ =	sdelay $0x1  }
0x147: {  	[tilespmem:s28+$0xFFFFFF30] =	vst v3;
	v3 =	vld [tilespmem:s28+$0xFFFFFF40];
	_ =	sdelay $0x2  }
0x148: {  	v54 =	vbroadcast v2, $0x5;
	_ =	sdelay $0x1  }
0x149: {  	v3 =	vmul.f32 v3, v54;
	_ =	sdelay $0x1  }
0x14a: {  	[tilespmem:s28+$0xFFFFFF40] =	vst v3;
	v3 =	vld [tilespmem:s28+$0xFFFFFF50];
	_ =	sdelay $0x4  }
0x14b: {  	v3 =	vmul.f32 v3, v54;
	_ =	sdelay $0x1  }
0x14c: {  	[tilespmem:s28+$0xFFFFFF50] =	vst v3;
	v3 =	vld [tilespmem:s28+$0xFFFFFF60];
	_ =	sdelay $0x4  }
0x14d: {  	v3 =	vmul.f32 v3, v54;
	_ =	sdelay $0x1  }
0x14e: {  	[tilespmem:s28+$0xFFFFFF60] =	vst v3;
	v3 =	vld [tilespmem:s28+$0xFFFFFF70];
	_ =	sdelay $0x4  }
0x14f: {  	v3 =	vmul.f32 v3, v54;
	_ =	sdelay $0x1  }
0x150: {  	[tilespmem:s28+$0xFFFFFF70] =	vst v3;
	v3 =	vld [tilespmem:s28+$0xFFFFFF80];
	_ =	sdelay $0x2  }
0x151: {  	v55 =	vbroadcast v2, $0x6;
	_ =	sdelay $0x1  }
0x152: {  	v3 =	vmul.f32 v3, v55;
	_ =	sdelay $0x1  }
0x153: {  	[tilespmem:s28+$0xFFFFFF80] =	vst v3;
	v3 =	vld [tilespmem:s28+$0xFFFFFF90];
	_ =	sdelay $0x4  }
0x154: {  	v3 =	vmul.f32 v3, v55;
	_ =	sdelay $0x1  }
0x155: {  	[tilespmem:s28+$0xFFFFFF90] =	vst v3;
	v3 =	vld [tilespmem:s28+$0xFFFFFFA0];
	_ =	sdelay $0x4  }
0x156: {  	v3 =	vmul.f32 v3, v55;
	_ =	sdelay $0x1  }
0x157: {  	[tilespmem:s28+$0xFFFFFFA0] =	vst v3;
	v3 =	vld [tilespmem:s28+$0xFFFFFFB0];
	_ =	sdelay $0x4  }
0x158: {  	v3 =	vmul.f32 v3, v55;
	_ =	sdelay $0x1  }
0x159: {  	[tilespmem:s28+$0xFFFFFFB0] =	vst v3;
	v3 =	vld [tilespmem:s28+$0xFFFFFFC0];
	_ =	sdelay $0x2  }
0x15a: {  	v56 =	vbroadcast v2, $0x7;
	_ =	sdelay $0x1  }
0x15b: {  	v3 =	vmul.f32 v3, v56;
	_ =	sdelay $0x1  }
0x15c: {  	[tilespmem:s28+$0xFFFFFFC0] =	vst v3;
	v3 =	vld [tilespmem:s28+$0xFFFFFFD0];
	_ =	sdelay $0x4  }
0x15d: {  	v3 =	vmul.f32 v3, v56;
	_ =	sdelay $0x1  }
0x15e: {  	[tilespmem:s28+$0xFFFFFFD0] =	vst v3;
	v3 =	vld [tilespmem:s28+$0xFFFFFFE0];
	_ =	sdelay $0x4  }
0x15f: {  	v3 =	vmul.f32 v3, v56;
	_ =	sdelay $0x1  }
0x160: {  	[tilespmem:s28+$0xFFFFFFE0] =	vst v3;
	v3 =	vld [tilespmem:s28+$0xFFFFFFF0];
	_ =	sdelay $0x4  }
0x161: {  	v3 =	vmul.f32 v3, v56;
	_ =	sdelay $0x1  }
0x162: {  	[tilespmem:s28+$0xFFFFFFF0] =	vst v3;
	v3 =	vld [tilespmem:s28+$0x0];
	_ =	sdelay $0x2  }
0x163: {  	v57 =	vbroadcast v2, $0x8;
	_ =	sdelay $0x1  }
0x164: {  	v3 =	vmul.f32 v3, v57;
	_ =	sdelay $0x1  }
0x165: {  	[tilespmem:s28+$0x0] =	vst v3;
	v3 =	vld [tilespmem:s28+$0x10];
	_ =	sdelay $0x4  }
0x166: {  	v3 =	vmul.f32 v3, v57;
	_ =	sdelay $0x1  }
0x167: {  	[tilespmem:s28+$0x10] =	vst v3;
	v3 =	vld [tilespmem:s28+$0x20];
	_ =	sdelay $0x4  }
0x168: {  	v3 =	vmul.f32 v3, v57;
	_ =	sdelay $0x1  }
0x169: {  	[tilespmem:s28+$0x20] =	vst v3;
	v3 =	vld [tilespmem:s28+$0x30];
	_ =	sdelay $0x4  }
0x16a: {  	v3 =	vmul.f32 v3, v57;
	_ =	sdelay $0x1  }
0x16b: {  	[tilespmem:s28+$0x30] =	vst v3;
	v3 =	vld [tilespmem:s28+$0x40];
	_ =	sdelay $0x2  }
0x16c: {  	v58 =	vbroadcast v2, $0x9;
	_ =	sdelay $0x1  }
0x16d: {  	v3 =	vmul.f32 v3, v58;
	_ =	sdelay $0x1  }
0x16e: {  	[tilespmem:s28+$0x40] =	vst v3;
	v3 =	vld [tilespmem:s28+$0x50];
	_ =	sdelay $0x4  }
0x16f: {  	v3 =	vmul.f32 v3, v58;
	_ =	sdelay $0x1  }
0x170: {  	[tilespmem:s28+$0x50] =	vst v3;
	v3 =	vld [tilespmem:s28+$0x60];
	_ =	sdelay $0x4  }
0x171: {  	v3 =	vmul.f32 v3, v58;
	_ =	sdelay $0x1  }
0x172: {  	[tilespmem:s28+$0x60] =	vst v3;
	v3 =	vld [tilespmem:s28+$0x70];
	_ =	sdelay $0x4  }
0x173: {  	v3 =	vmul.f32 v3, v58;
	_ =	sdelay $0x1  }
0x174: {  	[tilespmem:s28+$0x70] =	vst v3;
	v3 =	vld [tilespmem:s28+$0x80];
	_ =	sdelay $0x2  }
0x175: {  	v59 =	vbroadcast v2, $0xA;
	_ =	sdelay $0x1  }
0x176: {  	v3 =	vmul.f32 v3, v59;
	_ =	sdelay $0x1  }
0x177: {  	[tilespmem:s28+$0x80] =	vst v3;
	v3 =	vld [tilespmem:s28+$0x90];
	_ =	sdelay $0x4  }
0x178: {  	v3 =	vmul.f32 v3, v59;
	_ =	sdelay $0x1  }
0x179: {  	[tilespmem:s28+$0x90] =	vst v3;
	v3 =	vld [tilespmem:s28+$0xA0];
	_ =	sdelay $0x4  }
0x17a: {  	v3 =	vmul.f32 v3, v59;
	_ =	sdelay $0x1  }
0x17b: {  	[tilespmem:s28+$0xA0] =	vst v3;
	v3 =	vld [tilespmem:s28+$0xB0];
	_ =	sdelay $0x4  }
0x17c: {  	v3 =	vmul.f32 v3, v59;
	_ =	sdelay $0x1  }
0x17d: {  	[tilespmem:s28+$0xB0] =	vst v3;
	v3 =	vld [tilespmem:s28+$0xC0];
	_ =	sdelay $0x2  }
0x17e: {  	v60 =	vbroadcast v2, $0xB;
	_ =	sdelay $0x1  }
0x17f: {  	v3 =	vmul.f32 v3, v60;
	_ =	sdelay $0x1  }
0x180: {  	[tilespmem:s28+$0xC0] =	vst v3;
	v3 =	vld [tilespmem:s28+$0xD0];
	_ =	sdelay $0x4  }
0x181: {  	v3 =	vmul.f32 v3, v60;
	_ =	sdelay $0x1  }
0x182: {  	[tilespmem:s28+$0xD0] =	vst v3;
	v3 =	vld [tilespmem:s28+$0xE0];
	_ =	sdelay $0x4  }
0x183: {  	v3 =	vmul.f32 v3, v60;
	_ =	sdelay $0x1  }
0x184: {  	[tilespmem:s28+$0xE0] =	vst v3;
	v3 =	vld [tilespmem:s28+$0xF0];
	_ =	sdelay $0x4  }
0x185: {  	v3 =	vmul.f32 v3, v60;
	_ =	sdelay $0x1  }
0x186: {  	[tilespmem:s28+$0xF0] =	vst v3;
	v3 =	vld [tilespmem:s28+$0x100];
	_ =	sdelay $0x2  }
0x187: {  	v61 =	vbroadcast v2, $0xC;
	_ =	sdelay $0x1  }
0x188: {  	v3 =	vmul.f32 v3, v61;
	_ =	sdelay $0x1  }
0x189: {  	[tilespmem:s28+$0x100] =	vst v3;
	v3 =	vld [tilespmem:s28+$0x110];
	_ =	sdelay $0x4  }
0x18a: {  	v3 =	vmul.f32 v3, v61;
	_ =	sdelay $0x1  }
0x18b: {  	[tilespmem:s28+$0x110] =	vst v3;
	v3 =	vld [tilespmem:s28+$0x120];
	_ =	sdelay $0x4  }
0x18c: {  	v3 =	vmul.f32 v3, v61;
	_ =	sdelay $0x1  }
0x18d: {  	[tilespmem:s28+$0x120] =	vst v3;
	v3 =	vld [tilespmem:s28+$0x130];
	_ =	sdelay $0x4  }
0x18e: {  	v3 =	vmul.f32 v3, v61;
	_ =	sdelay $0x1  }
0x18f: {  	[tilespmem:s28+$0x130] =	vst v3;
	v3 =	vld [tilespmem:s28+$0x140];
	_ =	sdelay $0x2  }
0x190: {  	v62 =	vbroadcast v2, $0xD;
	_ =	sdelay $0x1  }
0x191: {  	v3 =	vmul.f32 v3, v62;
	_ =	sdelay $0x1  }
0x192: {  	[tilespmem:s28+$0x140] =	vst v3;
	v3 =	vld [tilespmem:s28+$0x150];
	_ =	sdelay $0x4  }
0x193: {  	v3 =	vmul.f32 v3, v62;
	_ =	sdelay $0x1  }
0x194: {  	[tilespmem:s28+$0x150] =	vst v3;
	v3 =	vld [tilespmem:s28+$0x160];
	_ =	sdelay $0x4  }
0x195: {  	v3 =	vmul.f32 v3, v62;
	_ =	sdelay $0x1  }
0x196: {  	[tilespmem:s28+$0x160] =	vst v3;
	v3 =	vld [tilespmem:s28+$0x170];
	_ =	sdelay $0x4  }
0x197: {  	v3 =	vmul.f32 v3, v62;
	_ =	sdelay $0x1  }
0x198: {  	[tilespmem:s28+$0x170] =	vst v3;
	v3 =	vld [tilespmem:s28+$0x180];
	_ =	sdelay $0x2  }
0x199: {  	v63 =	vbroadcast v2, $0xE;
	_ =	sdelay $0x1  }
0x19a: {  	v3 =	vmul.f32 v3, v63;
	_ =	sdelay $0x1  }
0x19b: {  	[tilespmem:s28+$0x180] =	vst v3;
	v3 =	vld [tilespmem:s28+$0x190];
	_ =	sdelay $0x4  }
0x19c: {  	v3 =	vmul.f32 v3, v63;
	_ =	sdelay $0x1  }
0x19d: {  	[tilespmem:s28+$0x190] =	vst v3;
	v3 =	vld [tilespmem:s28+$0x1A0];
	_ =	sdelay $0x4  }
0x19e: {  	v3 =	vmul.f32 v3, v63;
	_ =	sdelay $0x1  }
0x19f: {  	[tilespmem:s28+$0x1A0] =	vst v3;
	v3 =	vld [tilespmem:s28+$0x1B0];
	_ =	sdelay $0x4  }
0x1a0: {  	v3 =	vmul.f32 v3, v63;
	_ =	sdelay $0x1  }
0x1a1: {  	[tilespmem:s28+$0x1B0] =	vst v3;
	v3 =	vld [tilespmem:s28+$0x1C0];
	_ =	sdelay $0x2  }
0x1a2: {  	v2 =	vbroadcast v2, $0xF;
	_ =	sdelay $0x1  }
0x1a3: {  	v3 =	vmul.f32 v3, v2;
	_ =	sdelay $0x1  }
0x1a4: {  	[tilespmem:s28+$0x1C0] =	vst v3;
	v3 =	vld [tilespmem:s28+$0x1D0];
	_ =	sdelay $0x4  }
0x1a5: {  	v3 =	vmul.f32 v3, v2;
	_ =	sdelay $0x1  }
0x1a6: {  	[tilespmem:s28+$0x1D0] =	vst v3;
	v3 =	vld [tilespmem:s28+$0x1E0];
	_ =	sdelay $0x4  }
0x1a7: {  	v3 =	vmul.f32 v3, v2;
	_ =	sdelay $0x1  }
0x1a8: {  	[tilespmem:s28+$0x1E0] =	vst v3;
	v3 =	vld [tilespmem:s28+$0x1F0];
	_ =	sdelay $0x1  }
0x1a9: {  	p0 =	sne.s32 s29, $0xC0  }
.Ltmp2:
0x1aa: {  	_ = 	snop;
	(pc) =	sbr.rel @p0 .LBB2_7-.Ltmp2, $3  }
0x1ab: {  	_ = 	snop  }
0x1ac: {  	v2 =	vmul.f32 v3, v2;
	_ =	sdelay $0x1  }
0x1ad: {  	s29 =	sadd.s32 $0x40, s29;
	[tilespmem:s28+$0x1F0] =	vst v2;
	s28 =	sadd.s32 $0x400, s28  }
0x1ae: {  	s19 =	sadd.s32 s6, s19;
	s26 =	sadd.s32 $0x1, s26  }
0x1af: {  	s19 =	sshrl.u32 s19, $0x3;
	p0 =	sne.s32 s26, $0xA  }
.Ltmp3:
0x1b0: {  	s20 =	simm.s32 $0x0;
	s19 =	sadd.s32 s7, s19;
	(pc) =	sbr.rel @p0 .LBB2_6-.Ltmp3, $4  }
0x1b1: {  	[hbm4b:s19+s20] =	stream.linear.scatter [tilespmem:s16], [sflag:$0x4], $0x1000, $0x38;
	[tilespmem:$0x1F2C0] =	vst v63  }
0x1b2: {  	_ =	swait.ge [sflag:s11], $0x1000  }
0x1b3: {  	[sflag:s11] =	ssyncset.done $0x0  }
0x1b4: {  	[sflag:s11] =	ssyncadd.s32 $0xFFFFF000  }
0x1b5: {  	s26 =	simm.s32 $0x100;
	s19 =	simm.s32 $0x0  }
.LBB2_10:
0x1b6: {  	p0 =	sne.s32 s26, $0x3F00;
	[tilespmem:s19+$0x1E230] =	vst v0;
	s20 =	smov.u32 s26;
	s26 =	sadd.s32 $0x100, s26  }
.Ltmp4:
0x1b7: {  	[tilespmem:s19+$0x1E220] =	vst v0;
	(pc) =	sbr.rel @p0 .LBB2_10-.Ltmp4, $3  }
0x1b8: {  	[tilespmem:s19+$0x1E200] =	vst v0  }
0x1b9: {  	[tilespmem:s19+$0x1E210] =	vst v0;
	_ =	sdelay $0x1  }
0x1ba: {  	s19 =	sshra.s32 s20, $0x2  }
0x1bb: {  	[tilespmem:s19+$0x1E230] =	vst v0  }
0x1bc: {  	[tilespmem:s19+$0x1E220] =	vst v0  }
0x1bd: {  	[tilespmem:s19+$0x1E200] =	vst v0  }
0x1be: {  	[tilespmem:s19+$0x1E210] =	vst v0  }
0x1bf: {  	[spmem:s13] =	stream.linear.scatter [tilespmem:s16], [sflag:$0x4], $0x1000, $0x38;
	[tilespmem:$0x1F2C0] =	vst v63  }
0x1c0: {  	_ =	swait.ge [sflag:s11], $0x1000  }
0x1c1: {  	s26 =	sld [smem:$0x7FA]  }
0x1c2: {  	[sflag:s11] =	ssyncset.done $0x0  }
0x1c3: {  	[sflag:s11] =	ssyncadd.s32 $0xFFFFF000  }
0x1c4: {  	[spmem:s26] =	stream.linear.scatter [tilespmem:s16], [sflag:$0x4], $0x1000, $0x38;
	[tilespmem:$0x1F2C0] =	vst v63  }
0x1c5: {  	_ =	swait.ge [sflag:s11], $0x1000  }
0x1c6: {  	s29 =	sld [smem:$0x7FB]  }
0x1c7: {  	[sflag:s11] =	ssyncset.done $0x0  }
0x1c8: {  	[sflag:s11] =	ssyncadd.s32 $0xFFFFF000  }
0x1c9: {  	[spmem:s29] =	stream.linear.scatter [tilespmem:s16], [sflag:$0x4], $0x1000, $0x38;
	[tilespmem:$0x1F2C0] =	vst v63  }
0x1ca: {  	_ =	swait.ge [sflag:s11], $0x1000  }
0x1cb: {  	s20 =	sld [smem:$0x7FC]  }
0x1cc: {  	[sflag:s11] =	ssyncset.done $0x0  }
0x1cd: {  	[sflag:s11] =	ssyncadd.s32 $0xFFFFF000  }
0x1ce: {  	[spmem:s20] =	stream.linear.scatter [tilespmem:s16], [sflag:$0x4], $0x1000, $0x38;
	[tilespmem:$0x1F2C0] =	vst v63  }
0x1cf: {  	_ =	swait.ge [sflag:s11], $0x1000  }
0x1d0: {  	s26 =	sld [smem:$0x7FD]  }
0x1d1: {  	[sflag:s11] =	ssyncset.done $0x0  }
0x1d2: {  	[sflag:s11] =	ssyncadd.s32 $0xFFFFF000  }
0x1d3: {  	[spmem:s26] =	stream.linear.scatter [tilespmem:s16], [sflag:$0x4], $0x1000, $0x38;
	[tilespmem:$0x1F2C0] =	vst v63  }
0x1d4: {  	_ =	swait.ge [sflag:s11], $0x1000  }
0x1d5: {  	[sflag:s11] =	ssyncset.done $0x0  }
0x1d6: {  	[sflag:s11] =	ssyncadd.s32 $0xFFFFF000  }
0x1d7: {  	[spmem:s30] =	stream.linear.scatter [tilespmem:s16], [sflag:$0x4], $0x1000, $0x38;
	[tilespmem:$0x1F2C0] =	vst v63  }
0x1d8: {  	_ =	swait.ge [sflag:s11], $0x1000  }
0x1d9: {  	[sflag:s11] =	ssyncset.done $0x0  }
0x1da: {  	[sflag:s11] =	ssyncadd.s32 $0xFFFFF000  }
0x1db: {  	[spmem:s31] =	stream.linear.scatter [tilespmem:s16], [sflag:$0x4], $0x1000, $0x38;
	[tilespmem:$0x1F2C0] =	vst v63  }
0x1dc: {  	_ =	swait.ge [sflag:s11], $0x1000  }
0x1dd: {  	[sflag:s11] =	ssyncset.done $0x0  }
0x1de: {  	[sflag:s11] =	ssyncadd.s32 $0xFFFFF000  }
0x1df: {  	[spmem:s0] =	stream.linear.scatter [tilespmem:s16], [sflag:$0x4], $0x1000, $0x38;
	[tilespmem:$0x1F2C0] =	vst v63  }
0x1e0: {  	_ =	swait.ge [sflag:s11], $0x1000  }
0x1e1: {  	[sflag:s11] =	ssyncset.done $0x0  }
0x1e2: {  	[sflag:s11] =	ssyncadd.s32 $0xFFFFF000  }
0x1e3: {  	[spmem:s5] =	stream.linear.scatter [tilespmem:s16], [sflag:$0x4], $0x1000, $0x38;
	[tilespmem:$0x1F2C0] =	vst v63  }
0x1e4: {  	_ =	swait.ge [sflag:s11], $0x1000  }
0x1e5: {  	[sflag:s11] =	ssyncset.done $0x0  }
0x1e6: {  	[sflag:s11] =	ssyncadd.s32 $0xFFFFF000  }
0x1e7: {  	[spmem:s10] =	stream.linear.scatter [tilespmem:s16], [sflag:$0x4], $0x1000, $0x38;
	[tilespmem:$0x1F2C0] =	vst v63  }
0x1e8: {  	_ =	swait.ge [sflag:s11], $0x1000  }
0x1e9: {  	[sflag:s11] =	ssyncset.done $0x0  }
0x1ea: {  	[sflag:s11] =	ssyncadd.s32 $0xFFFFF000  }
0x1eb: {  	s29 =	simm.s32 $0xF380;
	s20 =	simm.s32 $0x14200;
	[bflag:$0x0] =	sbarrier.arrive $0xFFFF  }
0x1ec: {  	[tilespmem:s20], [sflag:$0x1] =	stream.indirect.gather [hbm4b:s14+s18], $0x40, s29, s18, $0xb8;
	[tilespmem:$0x1F2C0] =	vst v63  }
0x1ed: {  	s19 =	simm.s32 $0x0;
	s26 =	simm.s32 $0xF400;
	s20 =	simm.s32 $0x16200  }
0x1ee: {  	[tilespmem:s20], [sflag:$0x1] =	stream.indirect.gather [hbm4b:s14+s18], $0x40, s26, s18, $0xb8;
	[tilespmem:$0x1F2C0] =	vst v63  }
0x1ef: {  	s28 =	simm.s32 $0xF500;
	s29 =	simm.s32 $0xF480;
	s26 =	simm.s32 $0xA500  }
0x1f0: {  	[tilespmem:s21], [sflag:$0x1] =	stream.indirect.gather [hbm4b:s14+s18], $0x40, s29, s18, $0xb8;
	[tilespmem:$0x1F2C0] =	vst v63  }
.LBB2_12:
0x1f1: {  	_ =	swait.ge [sflag:s22], $0x2000  }
0x1f2: {  	p0 =	slt.u32 s19, $0x2;
	[sflag:s22] =	ssyncset.done $0x0  }
0x1f3: {  	s20 =	simm.s32 @!p0 $0x2;
	[sflag:s22] =	ssyncadd.s32 $0xFFFFE000  }
0x1f4: {  	p1 =	sgt.u32 @!p0 s19, $0x99;
	_ =	swait.ge @!p0 [sflag:s20], $0x2000  }
0x1f5: {  	p1 =	por p0, !p1;
	[sflag:s20] =	ssyncset.done @!p0 $0x0  }
0x1f6: {  	[sflag:s20] =	ssyncadd.s32 @!p0 $0xFFFFE000;
	s20 =	sadd.s32 @p1 $0x3, s19  }
0x1f7: {  	s29 =	smul.u32 @p1 $0xCD, s20;
	_ =	sdelay $0x1  }
0x1f8: {  	s29 =	sshrl.u32 @p1 s29, $0xA  }
0x1f9: {  	s29 =	sand.u32 @p1 $0x3F, s29  }
0x1fa: {  	s29 =	smul.u32 @p1 $0x5, s29;
	_ =	sdelay $0x1  }
0x1fb: {  	s20 =	ssub.s32 @p1 s20, s29  }
0x1fc: {  	s20 =	sand.u32 @p1 $0xFF, s20  }
0x1fd: {  	s20 =	sshll.u32 @p1 s20, $0xD  }
0x1fe: {  	s29 =	smul.u32 $0xCD, s19;
	s20 =	sadd.s32 @p1 $0x14200, s20  }
0x1ff: {  	[tilespmem:s20], [sflag:$0x1] =	stream.indirect.gather @p1 [hbm4b:s14+s18], $0x40, s28, s18, $0xb8;
	[tilespmem:$0x1F2C0] =	vst v63  }
0x200: {  	s20 =	sshrl.u32 s29, $0xA  }
0x201: {  	s20 =	sand.u32 $0x3F, s20  }
0x202: {  	s20 =	smul.u32 $0x5, s20;
	_ =	sdelay $0x1  }
0x203: {  	s20 =	ssub.s32 s19, s20;
	s19 =	sadd.s32 $0x1, s19  }
0x204: {  	p0 =	sne.s32 s19, $0x9D  }
.Ltmp5:
0x205: {  	s20 =	sand.u32 $0xFF, s20;
	(pc) =	sbr.rel @p0 .LBB2_12-.Ltmp5, $4  }
0x206: {  	s20 =	sshll.u32 s20, $0xD  }
0x207: {  	s20 =	sadd.s32 $0x14200, s20  }
0x208: {  	[spmem:s1] =	stream.indirect.scatter.add.f32 [tilespmem:s20], [sflag:$0x2], $0x40, s26, s18, $0xb8;
	[tilespmem:$0x1F2C0] =	vst v63  }
0x209: {  	s28 =	sadd.s32 $0x80, s28;
	s26 =	sadd.s32 $0x80, s26  }
0x20a: {  	_ =	swait.ge [sflag:s23], $0x2000  }
0x20b: {  	[sflag:s23] =	ssyncset.done $0x0  }
0x20c: {  	[sflag:s23] =	ssyncadd.s32 $0xFFFFE000  }
0x20d: {  	_ =	swait.ge [sflag:s23], $0x2000  }
0x20e: {  	[sflag:s23] =	ssyncset.done $0x0  }
0x20f: {  	[sflag:s23] =	ssyncadd.s32 $0xFFFFE000  }
0x210: {  	s26 =	simm.s32 $0x0;
	[bflag:$0x0] =	sbarrier.arrive $0xFFFF  }
.LBB2_14:
0x211: {  	s19 =	sshll.u32 s26, $0x6  }
0x212: {  	s19 =	sadd.s32 s9, s19  }
0x213: {  	s20 =	sadd.s32 s19, s3  }
0x214: {  	[tilespmem:s17], [sflag:$0x4] =	stream.linear.gather [spmem:s20], $0x40, $0x38;
	[tilespmem:$0x1F2C0] =	vst v63  }
0x215: {  	_ =	swait.ge [sflag:s11], $0x40  }
0x216: {  	s19 =	sshll.u32 s19, $0x6;
	[sflag:s11] =	ssyncset.done $0x0  }
0x217: {  	s20 =	sadd.s32 s19, s1;
	[sflag:s11] =	ssyncadd.s32 $0xFFFFFFC0  }
0x218: {  	[tilespmem:s16], [sflag:$0x4] =	stream.linear.gather [spmem:s20], $0x1000, $0x38;
	[tilespmem:$0x1F2C0] =	vst v63  }
0x219: {  	_ =	swait.ge [sflag:s11], $0x1000  }
0x21a: {  	[sflag:s11] =	ssyncset.done $0x0  }
0x21b: {  	s28 =	simm.s32 $0x1E400;
	s29 =	simm.s32 $0x0;
	[sflag:s11] =	ssyncadd.s32 $0xFFFFF000  }
.LBB2_15:
0x21c: {  	s20 =	sshra.s32 s29, $0x2  }
0x21d: {  	v2 =	vld [tilespmem:s20+$0x1F200];
	_ =	sdelay $0x4  }
0x21e: {  	v2 =	vmax.f32 v2, $1.000000000e+00  }
0x21f: {  	(erf) = vrcp.f32 v2;
	_ =	sdelay $0x6  }
0x220: {  	v3 =	vld [tilespmem:s28+$0xFFFFFE00];
	_ =	sdelay $0x1  }
0x221: {  	v2 =	vpop (erf)  }
0x222: {  	v4 =	vbroadcast v2, $0x0;
	_ =	sdelay $0x1  }
0x223: {  	v3 =	vmul.f32 v4, v3;
	_ =	sdelay $0x1  }
0x224: {  	[tilespmem:s28+$0xFFFFFE00] =	vst v3;
	v3 =	vld [tilespmem:s28+$0xFFFFFE10];
	_ =	sdelay $0x4  }
0x225: {  	v3 =	vmul.f32 v4, v3;
	_ =	sdelay $0x1  }
0x226: {  	[tilespmem:s28+$0xFFFFFE10] =	vst v3;
	v3 =	vld [tilespmem:s28+$0xFFFFFE20];
	_ =	sdelay $0x4  }
0x227: {  	v3 =	vmul.f32 v3, v4;
	_ =	sdelay $0x1  }
0x228: {  	[tilespmem:s28+$0xFFFFFE20] =	vst v3;
	v3 =	vld [tilespmem:s28+$0xFFFFFE30];
	_ =	sdelay $0x4  }
0x229: {  	v3 =	vmul.f32 v3, v4;
	_ =	sdelay $0x1  }
0x22a: {  	[tilespmem:s28+$0xFFFFFE30] =	vst v3;
	v3 =	vld [tilespmem:s28+$0xFFFFFE40];
	_ =	sdelay $0x2  }
0x22b: {  	v50 =	vbroadcast v2, $0x1;
	_ =	sdelay $0x1  }
0x22c: {  	v3 =	vmul.f32 v3, v50;
	_ =	sdelay $0x1  }
0x22d: {  	[tilespmem:s28+$0xFFFFFE40] =	vst v3;
	v3 =	vld [tilespmem:s28+$0xFFFFFE50];
	_ =	sdelay $0x4  }
0x22e: {  	v3 =	vmul.f32 v3, v50;
	_ =	sdelay $0x1  }
0x22f: {  	[tilespmem:s28+$0xFFFFFE50] =	vst v3;
	v3 =	vld [tilespmem:s28+$0xFFFFFE60];
	_ =	sdelay $0x4  }
0x230: {  	v3 =	vmul.f32 v3, v50;
	_ =	sdelay $0x1  }
0x231: {  	[tilespmem:s28+$0xFFFFFE60] =	vst v3;
	v3 =	vld [tilespmem:s28+$0xFFFFFE70];
	_ =	sdelay $0x4  }
0x232: {  	v3 =	vmul.f32 v3, v50;
	_ =	sdelay $0x1  }
0x233: {  	[tilespmem:s28+$0xFFFFFE70] =	vst v3;
	v3 =	vld [tilespmem:s28+$0xFFFFFE80];
	_ =	sdelay $0x2  }
0x234: {  	v51 =	vbroadcast v2, $0x2;
	_ =	sdelay $0x1  }
0x235: {  	v3 =	vmul.f32 v3, v51;
	_ =	sdelay $0x1  }
0x236: {  	[tilespmem:s28+$0xFFFFFE80] =	vst v3;
	v3 =	vld [tilespmem:s28+$0xFFFFFE90];
	_ =	sdelay $0x4  }
0x237: {  	v3 =	vmul.f32 v3, v51;
	_ =	sdelay $0x1  }
0x238: {  	[tilespmem:s28+$0xFFFFFE90] =	vst v3;
	v3 =	vld [tilespmem:s28+$0xFFFFFEA0];
	_ =	sdelay $0x4  }
0x239: {  	v3 =	vmul.f32 v3, v51;
	_ =	sdelay $0x1  }
0x23a: {  	[tilespmem:s28+$0xFFFFFEA0] =	vst v3;
	v3 =	vld [tilespmem:s28+$0xFFFFFEB0];
	_ =	sdelay $0x4  }
0x23b: {  	v3 =	vmul.f32 v3, v51;
	_ =	sdelay $0x1  }
0x23c: {  	[tilespmem:s28+$0xFFFFFEB0] =	vst v3;
	v3 =	vld [tilespmem:s28+$0xFFFFFEC0];
	_ =	sdelay $0x2  }
0x23d: {  	v52 =	vbroadcast v2, $0x3;
	_ =	sdelay $0x1  }
0x23e: {  	v3 =	vmul.f32 v3, v52;
	_ =	sdelay $0x1  }
0x23f: {  	[tilespmem:s28+$0xFFFFFEC0] =	vst v3;
	v3 =	vld [tilespmem:s28+$0xFFFFFED0];
	_ =	sdelay $0x4  }
0x240: {  	v3 =	vmul.f32 v3, v52;
	_ =	sdelay $0x1  }
0x241: {  	[tilespmem:s28+$0xFFFFFED0] =	vst v3;
	v3 =	vld [tilespmem:s28+$0xFFFFFEE0];
	_ =	sdelay $0x4  }
0x242: {  	v3 =	vmul.f32 v3, v52;
	_ =	sdelay $0x1  }
0x243: {  	[tilespmem:s28+$0xFFFFFEE0] =	vst v3;
	v3 =	vld [tilespmem:s28+$0xFFFFFEF0];
	_ =	sdelay $0x4  }
0x244: {  	v3 =	vmul.f32 v3, v52;
	_ =	sdelay $0x1  }
0x245: {  	[tilespmem:s28+$0xFFFFFEF0] =	vst v3;
	v3 =	vld [tilespmem:s28+$0xFFFFFF00];
	_ =	sdelay $0x2  }
0x246: {  	v53 =	vbroadcast v2, $0x4;
	_ =	sdelay $0x1  }
0x247: {  	v3 =	vmul.f32 v3, v53;
	_ =	sdelay $0x1  }
0x248: {  	[tilespmem:s28+$0xFFFFFF00] =	vst v3;
	v3 =	vld [tilespmem:s28+$0xFFFFFF10];
	_ =	sdelay $0x4  }
0x249: {  	v3 =	vmul.f32 v3, v53;
	_ =	sdelay $0x1  }
0x24a: {  	[tilespmem:s28+$0xFFFFFF10] =	vst v3;
	v3 =	vld [tilespmem:s28+$0xFFFFFF20];
	_ =	sdelay $0x4  }
0x24b: {  	v3 =	vmul.f32 v3, v53;
	_ =	sdelay $0x1  }
0x24c: {  	[tilespmem:s28+$0xFFFFFF20] =	vst v3;
	v3 =	vld [tilespmem:s28+$0xFFFFFF30];
	_ =	sdelay $0x4  }
0x24d: {  	v3 =	vmul.f32 v3, v53;
	_ =	sdelay $0x1  }
0x24e: {  	[tilespmem:s28+$0xFFFFFF30] =	vst v3;
	v3 =	vld [tilespmem:s28+$0xFFFFFF40];
	_ =	sdelay $0x2  }
0x24f: {  	v54 =	vbroadcast v2, $0x5;
	_ =	sdelay $0x1  }
0x250: {  	v3 =	vmul.f32 v3, v54;
	_ =	sdelay $0x1  }
0x251: {  	[tilespmem:s28+$0xFFFFFF40] =	vst v3;
	v3 =	vld [tilespmem:s28+$0xFFFFFF50];
	_ =	sdelay $0x4  }
0x252: {  	v3 =	vmul.f32 v3, v54;
	_ =	sdelay $0x1  }
0x253: {  	[tilespmem:s28+$0xFFFFFF50] =	vst v3;
	v3 =	vld [tilespmem:s28+$0xFFFFFF60];
	_ =	sdelay $0x4  }
0x254: {  	v3 =	vmul.f32 v3, v54;
	_ =	sdelay $0x1  }
0x255: {  	[tilespmem:s28+$0xFFFFFF60] =	vst v3;
	v3 =	vld [tilespmem:s28+$0xFFFFFF70];
	_ =	sdelay $0x4  }
0x256: {  	v3 =	vmul.f32 v3, v54;
	_ =	sdelay $0x1  }
0x257: {  	[tilespmem:s28+$0xFFFFFF70] =	vst v3;
	v3 =	vld [tilespmem:s28+$0xFFFFFF80];
	_ =	sdelay $0x2  }
0x258: {  	v55 =	vbroadcast v2, $0x6;
	_ =	sdelay $0x1  }
0x259: {  	v3 =	vmul.f32 v3, v55;
	_ =	sdelay $0x1  }
0x25a: {  	[tilespmem:s28+$0xFFFFFF80] =	vst v3;
	v3 =	vld [tilespmem:s28+$0xFFFFFF90];
	_ =	sdelay $0x4  }
0x25b: {  	v3 =	vmul.f32 v3, v55;
	_ =	sdelay $0x1  }
0x25c: {  	[tilespmem:s28+$0xFFFFFF90] =	vst v3;
	v3 =	vld [tilespmem:s28+$0xFFFFFFA0];
	_ =	sdelay $0x4  }
0x25d: {  	v3 =	vmul.f32 v3, v55;
	_ =	sdelay $0x1  }
0x25e: {  	[tilespmem:s28+$0xFFFFFFA0] =	vst v3;
	v3 =	vld [tilespmem:s28+$0xFFFFFFB0];
	_ =	sdelay $0x4  }
0x25f: {  	v3 =	vmul.f32 v3, v55;
	_ =	sdelay $0x1  }
0x260: {  	[tilespmem:s28+$0xFFFFFFB0] =	vst v3;
	v3 =	vld [tilespmem:s28+$0xFFFFFFC0];
	_ =	sdelay $0x2  }
0x261: {  	v56 =	vbroadcast v2, $0x7;
	_ =	sdelay $0x1  }
0x262: {  	v3 =	vmul.f32 v3, v56;
	_ =	sdelay $0x1  }
0x263: {  	[tilespmem:s28+$0xFFFFFFC0] =	vst v3;
	v3 =	vld [tilespmem:s28+$0xFFFFFFD0];
	_ =	sdelay $0x4  }
0x264: {  	v3 =	vmul.f32 v3, v56;
	_ =	sdelay $0x1  }
0x265: {  	[tilespmem:s28+$0xFFFFFFD0] =	vst v3;
	v3 =	vld [tilespmem:s28+$0xFFFFFFE0];
	_ =	sdelay $0x4  }
0x266: {  	v3 =	vmul.f32 v3, v56;
	_ =	sdelay $0x1  }
0x267: {  	[tilespmem:s28+$0xFFFFFFE0] =	vst v3;
	v3 =	vld [tilespmem:s28+$0xFFFFFFF0];
	_ =	sdelay $0x4  }
0x268: {  	v3 =	vmul.f32 v3, v56;
	_ =	sdelay $0x1  }
0x269: {  	[tilespmem:s28+$0xFFFFFFF0] =	vst v3;
	v3 =	vld [tilespmem:s28+$0x0];
	_ =	sdelay $0x2  }
0x26a: {  	v57 =	vbroadcast v2, $0x8;
	_ =	sdelay $0x1  }
0x26b: {  	v3 =	vmul.f32 v3, v57;
	_ =	sdelay $0x1  }
0x26c: {  	[tilespmem:s28+$0x0] =	vst v3;
	v3 =	vld [tilespmem:s28+$0x10];
	_ =	sdelay $0x4  }
0x26d: {  	v3 =	vmul.f32 v3, v57;
	_ =	sdelay $0x1  }
0x26e: {  	[tilespmem:s28+$0x10] =	vst v3;
	v3 =	vld [tilespmem:s28+$0x20];
	_ =	sdelay $0x4  }
0x26f: {  	v3 =	vmul.f32 v3, v57;
	_ =	sdelay $0x1  }
0x270: {  	[tilespmem:s28+$0x20] =	vst v3;
	v3 =	vld [tilespmem:s28+$0x30];
	_ =	sdelay $0x4  }
0x271: {  	v3 =	vmul.f32 v3, v57;
	_ =	sdelay $0x1  }
0x272: {  	[tilespmem:s28+$0x30] =	vst v3;
	v3 =	vld [tilespmem:s28+$0x40];
	_ =	sdelay $0x2  }
0x273: {  	v58 =	vbroadcast v2, $0x9;
	_ =	sdelay $0x1  }
0x274: {  	v3 =	vmul.f32 v3, v58;
	_ =	sdelay $0x1  }
0x275: {  	[tilespmem:s28+$0x40] =	vst v3;
	v3 =	vld [tilespmem:s28+$0x50];
	_ =	sdelay $0x4  }
0x276: {  	v3 =	vmul.f32 v3, v58;
	_ =	sdelay $0x1  }
0x277: {  	[tilespmem:s28+$0x50] =	vst v3;
	v3 =	vld [tilespmem:s28+$0x60];
	_ =	sdelay $0x4  }
0x278: {  	v3 =	vmul.f32 v3, v58;
	_ =	sdelay $0x1  }
0x279: {  	[tilespmem:s28+$0x60] =	vst v3;
	v3 =	vld [tilespmem:s28+$0x70];
	_ =	sdelay $0x4  }
0x27a: {  	v3 =	vmul.f32 v3, v58;
	_ =	sdelay $0x1  }
0x27b: {  	[tilespmem:s28+$0x70] =	vst v3;
	v3 =	vld [tilespmem:s28+$0x80];
	_ =	sdelay $0x2  }
0x27c: {  	v59 =	vbroadcast v2, $0xA;
	_ =	sdelay $0x1  }
0x27d: {  	v3 =	vmul.f32 v3, v59;
	_ =	sdelay $0x1  }
0x27e: {  	[tilespmem:s28+$0x80] =	vst v3;
	v3 =	vld [tilespmem:s28+$0x90];
	_ =	sdelay $0x4  }
0x27f: {  	v3 =	vmul.f32 v3, v59;
	_ =	sdelay $0x1  }
0x280: {  	[tilespmem:s28+$0x90] =	vst v3;
	v3 =	vld [tilespmem:s28+$0xA0];
	_ =	sdelay $0x4  }
0x281: {  	v3 =	vmul.f32 v3, v59;
	_ =	sdelay $0x1  }
0x282: {  	[tilespmem:s28+$0xA0] =	vst v3;
	v3 =	vld [tilespmem:s28+$0xB0];
	_ =	sdelay $0x4  }
0x283: {  	v3 =	vmul.f32 v3, v59;
	_ =	sdelay $0x1  }
0x284: {  	[tilespmem:s28+$0xB0] =	vst v3;
	v3 =	vld [tilespmem:s28+$0xC0];
	_ =	sdelay $0x2  }
0x285: {  	v60 =	vbroadcast v2, $0xB;
	_ =	sdelay $0x1  }
0x286: {  	v3 =	vmul.f32 v3, v60;
	_ =	sdelay $0x1  }
0x287: {  	[tilespmem:s28+$0xC0] =	vst v3;
	v3 =	vld [tilespmem:s28+$0xD0];
	_ =	sdelay $0x4  }
0x288: {  	v3 =	vmul.f32 v3, v60;
	_ =	sdelay $0x1  }
0x289: {  	[tilespmem:s28+$0xD0] =	vst v3;
	v3 =	vld [tilespmem:s28+$0xE0];
	_ =	sdelay $0x4  }
0x28a: {  	v3 =	vmul.f32 v3, v60;
	_ =	sdelay $0x1  }
0x28b: {  	[tilespmem:s28+$0xE0] =	vst v3;
	v3 =	vld [tilespmem:s28+$0xF0];
	_ =	sdelay $0x4  }
0x28c: {  	v3 =	vmul.f32 v3, v60;
	_ =	sdelay $0x1  }
0x28d: {  	[tilespmem:s28+$0xF0] =	vst v3;
	v3 =	vld [tilespmem:s28+$0x100];
	_ =	sdelay $0x2  }
0x28e: {  	v61 =	vbroadcast v2, $0xC;
	_ =	sdelay $0x1  }
0x28f: {  	v3 =	vmul.f32 v3, v61;
	_ =	sdelay $0x1  }
0x290: {  	[tilespmem:s28+$0x100] =	vst v3;
	v3 =	vld [tilespmem:s28+$0x110];
	_ =	sdelay $0x4  }
0x291: {  	v3 =	vmul.f32 v3, v61;
	_ =	sdelay $0x1  }
0x292: {  	[tilespmem:s28+$0x110] =	vst v3;
	v3 =	vld [tilespmem:s28+$0x120];
	_ =	sdelay $0x4  }
0x293: {  	v3 =	vmul.f32 v3, v61;
	_ =	sdelay $0x1  }
0x294: {  	[tilespmem:s28+$0x120] =	vst v3;
	v3 =	vld [tilespmem:s28+$0x130];
	_ =	sdelay $0x4  }
0x295: {  	v3 =	vmul.f32 v3, v61;
	_ =	sdelay $0x1  }
0x296: {  	[tilespmem:s28+$0x130] =	vst v3;
	v3 =	vld [tilespmem:s28+$0x140];
	_ =	sdelay $0x2  }
0x297: {  	v62 =	vbroadcast v2, $0xD;
	_ =	sdelay $0x1  }
0x298: {  	v3 =	vmul.f32 v3, v62;
	_ =	sdelay $0x1  }
0x299: {  	[tilespmem:s28+$0x140] =	vst v3;
	v3 =	vld [tilespmem:s28+$0x150];
	_ =	sdelay $0x4  }
0x29a: {  	v3 =	vmul.f32 v3, v62;
	_ =	sdelay $0x1  }
0x29b: {  	[tilespmem:s28+$0x150] =	vst v3;
	v3 =	vld [tilespmem:s28+$0x160];
	_ =	sdelay $0x4  }
0x29c: {  	v3 =	vmul.f32 v3, v62;
	_ =	sdelay $0x1  }
0x29d: {  	[tilespmem:s28+$0x160] =	vst v3;
	v3 =	vld [tilespmem:s28+$0x170];
	_ =	sdelay $0x4  }
0x29e: {  	v3 =	vmul.f32 v3, v62;
	_ =	sdelay $0x1  }
0x29f: {  	[tilespmem:s28+$0x170] =	vst v3;
	v3 =	vld [tilespmem:s28+$0x180];
	_ =	sdelay $0x2  }
0x2a0: {  	v63 =	vbroadcast v2, $0xE;
	_ =	sdelay $0x1  }
0x2a1: {  	v3 =	vmul.f32 v3, v63;
	_ =	sdelay $0x1  }
0x2a2: {  	[tilespmem:s28+$0x180] =	vst v3;
	v3 =	vld [tilespmem:s28+$0x190];
	_ =	sdelay $0x4  }
0x2a3: {  	v3 =	vmul.f32 v3, v63;
	_ =	sdelay $0x1  }
0x2a4: {  	[tilespmem:s28+$0x190] =	vst v3;
	v3 =	vld [tilespmem:s28+$0x1A0];
	_ =	sdelay $0x4  }
0x2a5: {  	v3 =	vmul.f32 v3, v63;
	_ =	sdelay $0x1  }
0x2a6: {  	[tilespmem:s28+$0x1A0] =	vst v3;
	v3 =	vld [tilespmem:s28+$0x1B0];
	_ =	sdelay $0x4  }
0x2a7: {  	v3 =	vmul.f32 v3, v63;
	_ =	sdelay $0x1  }
0x2a8: {  	[tilespmem:s28+$0x1B0] =	vst v3;
	v3 =	vld [tilespmem:s28+$0x1C0];
	_ =	sdelay $0x2  }
0x2a9: {  	v2 =	vbroadcast v2, $0xF;
	_ =	sdelay $0x1  }
0x2aa: {  	v3 =	vmul.f32 v3, v2;
	_ =	sdelay $0x1  }
0x2ab: {  	[tilespmem:s28+$0x1C0] =	vst v3;
	v3 =	vld [tilespmem:s28+$0x1D0];
	_ =	sdelay $0x4  }
0x2ac: {  	v3 =	vmul.f32 v3, v2;
	_ =	sdelay $0x1  }
0x2ad: {  	[tilespmem:s28+$0x1D0] =	vst v3;
	v3 =	vld [tilespmem:s28+$0x1E0];
	_ =	sdelay $0x4  }
0x2ae: {  	v3 =	vmul.f32 v3, v2;
	_ =	sdelay $0x1  }
0x2af: {  	[tilespmem:s28+$0x1E0] =	vst v3;
	v3 =	vld [tilespmem:s28+$0x1F0];
	_ =	sdelay $0x1  }
0x2b0: {  	p0 =	sne.s32 s29, $0xC0  }
.Ltmp6:
0x2b1: {  	_ = 	snop;
	(pc) =	sbr.rel @p0 .LBB2_15-.Ltmp6, $3  }
0x2b2: {  	_ = 	snop  }
0x2b3: {  	v2 =	vmul.f32 v3, v2;
	_ =	sdelay $0x1  }
0x2b4: {  	s29 =	sadd.s32 $0x40, s29;
	[tilespmem:s28+$0x1F0] =	vst v2;
	s28 =	sadd.s32 $0x400, s28  }
0x2b5: {  	s19 =	sadd.s32 s6, s19;
	s26 =	sadd.s32 $0x1, s26  }
0x2b6: {  	s19 =	sshrl.u32 s19, $0x3;
	p0 =	sne.s32 s26, $0xA  }
.Ltmp7:
0x2b7: {  	s19 =	sadd.s32 s8, s19;
	(pc) =	sbr.rel @p0 .LBB2_14-.Ltmp7, $4  }
0x2b8: {  	[hbm4b:s19+s4] =	stream.linear.scatter [tilespmem:s16], [sflag:$0x4], $0x1000, $0x38;
	[tilespmem:$0x1F2C0] =	vst v63  }
0x2b9: {  	_ =	swait.ge [sflag:s11], $0x1000  }
0x2ba: {  	[sflag:s11] =	ssyncset.done $0x0  }
0x2bb: {  	[sflag:s11] =	ssyncadd.s32 $0xFFFFF000  }
0x2bc: {  	s25 =	sadd.s32 $0x1, s25;
	s19 =	rddreg [dreg:$0x9]  }
0x2bd: {  	p0 =	sne.s32 s25, s19  }
.Ltmp8:
0x2be: {  	_ = 	snop;
	(pc) =	sbr.rel @p0 .LBB2_1-.Ltmp8, $1  }
0x2bf: {  	_ =	sdelay $0x3  }
0x2c0: {  	_ =	sfence.sel $0x180000  }
0x2c1: {  	[bflag:$0x0] =	sbarrier.arrive $0xFFFF  }
0x2c2: {  	_ =	strace $0x90000047  }
0x2c3: {  	s0 =	stileid.u32;
	[bflag:$0x2] =	sbarrier.arrive $0xFFFF  }
0x2c4: {  	p0 =	sne.s32 s0, $0x0;
	s0 =	rddreg [dreg:$0x6]  }
0x2c5: {  	s0 =	sadd.s32 @!p0 $0x100000, s0  }
0x2c6: {  	[sflag:s0] =	ssyncadd.tile.s32 @!p0 $0x1;
	_ =	shalt  }
.Lfunc_end2:
_tile_overlayer_lowered:
.L_overlay_start_2:
0x2c7: {  	(tag) =	ssettag $0x2  }
0x2c8: {  	s0 =	rddreg [dreg:$0x0];
	s2 =	stileid.u32  }
0x2c9: {  	s1 =	rddreg [dreg:$0x1];
	p0 =	sne.s32 s2, $0x0  }
0x2ca: {  	s3 =	rddreg [dreg:$0x2];
	[bflag:$0x3] =	sbarrier.arrive $0xFFFF;
	s2 =	simm.s32 @!p0 $0x1C04  }
0x2cb: {  	[timem:s3], [sflag:s2] =	dma.local @!p0 [hbm:s0], s1  }
0x2cc: {  	s0 =	simm.s32 @!p0 $0x4  }
0x2cd: {  	_ =	swait.ge @!p0 [sflag:s0], s1  }
0x2ce: {  	s1 =	ssub.s32 @!p0 $0x0, s1;
	[sflag:s0] =	ssyncset.done @!p0 $0x0  }
0x2cf: {  	[sflag:s0] =	ssyncadd.s32 @!p0 s1  }
0x2d0: {  	[bflag:$0x3] =	sbarrier.arrive $0xFFFF  }
0x2d1: {  	_ =	shalt  }

</sc_bundles>
